<compile_context>
chip_gen: v7x
topology: tpu7x:2x2x1
jax: 0.10.2.dev20260603
libtpu: 0.0.44.dev20260713+nightly
codegen_flags: <defaults>
</compile_context>

<pallas_src>
import jax
import jax.numpy as jnp
from jax import lax
from jax.experimental import pallas as pl
from jax.experimental.pallas import tpu as pltpu
from jax.experimental.pallas import tpu_sc as plsc

N = 10000
E = 320000
D = 128

NC = 2
NS = 16
NW = NC * NS

K = 40
EPT = E // NW
NCHUNK = 250
EPAD = NCHUNK * K - EPT
NP = N + 16
RPT = N // NS
ZPT = NP // NS

_SC_PARAMS = pltpu.CompilerParams(use_tc_tiling_on_sc=False)


def _sc_mesh():
    return plsc.VectorSubcoreMesh(
        core_axis_name="c", subcore_axis_name="s",
        num_cores=NC, num_subcores=NS)


def _cnt_call(dst3d, zc):
    out_type = (jax.ShapeDtypeStruct((NC, N, 16), jnp.float32),)
    scratch = (
        pltpu.VMEM((NCHUNK, K), jnp.int32),
        pltpu.VMEM((K, 16), jnp.float32),
        pltpu.VMEM_SHARED((NP, 16), jnp.float32),
        pltpu.SemaphoreType.DMA,
    )

    def body(dst_r, zc_r, cnto, idxd, ones_r, accc, sem_c):
        c = lax.axis_index("c")
        s = lax.axis_index("s")
        w = c * NS + s
        r0 = s * RPT
        z0 = s * ZPT
        pltpu.sync_copy(zc_r.at[pl.ds(z0, ZPT)], accc.at[pl.ds(z0, ZPT)])
        pltpu.sync_copy(dst_r.at[w], idxd)
        for i in range(K):
            ones_r[i] = jnp.ones((16,), jnp.float32)
        plsc.subcore_barrier()

        def step(ci, carry):
            pltpu.async_copy(ones_r, accc.at[idxd.at[ci]], sem_c, add=True)
            return carry

        lax.fori_loop(0, NCHUNK, step, 0)

        def drain(ci, carry):
            pltpu.make_async_copy(ones_r, accc.at[idxd.at[0]], sem_c).wait()
            return carry

        lax.fori_loop(0, NCHUNK, drain, 0)
        plsc.subcore_barrier()
        pltpu.sync_copy(accc.at[pl.ds(r0, RPT)], cnto.at[c, pl.ds(r0, RPT)])

    run = pl.kernel(body, out_type=out_type, mesh=_sc_mesh(),
                    scratch_types=scratch, compiler_params=_SC_PARAMS)
    return run(dst3d, zc)[0]


def _agg_call(feat, src3d, dst3d, zf, nbuf=5, look=3):
    assert 1 <= look <= nbuf - 1 and NCHUNK % nbuf == 0
    out_type = (jax.ShapeDtypeStruct((NC, N, D), jnp.float32),)
    scratch = [
        pltpu.VMEM((NCHUNK, K), jnp.int32),
        pltpu.VMEM((NCHUNK, K), jnp.int32),
        pltpu.VMEM_SHARED((NP, D), jnp.float32),
    ]
    scratch += [pltpu.VMEM((K, D), jnp.float32) for _ in range(nbuf)]
    scratch += [pltpu.SemaphoreType.DMA for _ in range(2 * nbuf)]

    def body(*refs):
        (feat_r, src_r, dst_r, zf_r, aggo, idxs, idxd, accf) = refs[:8]
        rows = refs[8:8 + nbuf]
        sem_g = refs[8 + nbuf:8 + 2 * nbuf]
        sem_s = refs[8 + 2 * nbuf:8 + 3 * nbuf]

        c = lax.axis_index("c")
        s = lax.axis_index("s")
        w = c * NS + s
        r0 = s * RPT
        z0 = s * ZPT

        def gather(ci, b):
            pltpu.async_copy(feat_r.at[idxs.at[ci]], rows[b], sem_g[b])

        def wait_gather(ci, b):
            pltpu.make_async_copy(
                feat_r.at[idxs.at[ci]], rows[b], sem_g[b]).wait()

        def scatter(ci, b):
            pltpu.async_copy(rows[b], accf.at[idxd.at[ci]], sem_s[b],
                             add=True)

        def wait_scatter(ci, b):
            pltpu.make_async_copy(rows[b], accf.at[idxd.at[ci]],
                                  sem_s[b]).wait()

        pltpu.sync_copy(zf_r.at[pl.ds(z0, ZPT)], accf.at[pl.ds(z0, ZPT)])
        pltpu.sync_copy(src_r.at[w], idxs)
        pltpu.sync_copy(dst_r.at[w], idxd)
        plsc.subcore_barrier()

        for ci in range(look):
            gather(ci, ci)

        def group(g, carry):
            for b in range(nbuf):
                ci = g * nbuf + b
                gi = ci + look
                bg = (b + look) % nbuf

                @pl.when(jnp.logical_and(gi >= nbuf, gi < NCHUNK))
                def _():
                    wait_scatter(gi - nbuf, bg)
                    gather(gi, bg)

                @pl.when(jnp.logical_and(gi < nbuf, gi < NCHUNK))
                def _():
                    gather(gi, bg)

                wait_gather(ci, b)
                scatter(ci, b)
            return carry

        lax.fori_loop(0, NCHUNK // nbuf, group, 0)
        for b in range(nbuf):
            wait_scatter(NCHUNK - nbuf + b, b)
        plsc.subcore_barrier()
        pltpu.sync_copy(accf.at[pl.ds(r0, RPT)], aggo.at[c, pl.ds(r0, RPT)])

    run = pl.kernel(body, out_type=out_type, mesh=_sc_mesh(),
                    scratch_types=tuple(scratch), compiler_params=_SC_PARAMS)
    return run(feat, src3d, dst3d, zf)[0]


def _dense_call(aggp, cntp, xin, wl_t, wr_t, b2d, apply_relu):
    R = 1000
    grid = (N // R,)

    def body(aggp_ref, cntp_ref, x_ref, wl_ref, wr_ref, b_ref, o_ref):
        agg = aggp_ref[0] + aggp_ref[1]
        cnt = cntp_ref[0] + cntp_ref[1]
        cdiv = jnp.maximum(cnt[:, :1], 1.0)
        t = (jnp.dot(agg, wl_ref[...], preferred_element_type=jnp.float32)
             / cdiv
             + jnp.dot(x_ref[...], wr_ref[...],
                       preferred_element_type=jnp.float32)
             + b_ref[...])
        nrm = jnp.sqrt(jnp.sum(t * t, axis=1, keepdims=True))
        t = t / jnp.maximum(nrm, 1e-12)
        if apply_relu:
            t = jnp.maximum(t, 0.0)
        o_ref[...] = t

    return pl.pallas_call(
        body,
        grid=grid,
        in_specs=[
            pl.BlockSpec((NC, R, D), lambda i: (0, i, 0)),
            pl.BlockSpec((NC, R, 16), lambda i: (0, i, 0)),
            pl.BlockSpec((R, D), lambda i: (i, 0)),
            pl.BlockSpec((D, D), lambda i: (0, 0)),
            pl.BlockSpec((D, D), lambda i: (0, 0)),
            pl.BlockSpec((1, D), lambda i: (0, 0)),
        ],
        out_specs=pl.BlockSpec((R, D), lambda i: (i, 0)),
        out_shape=jax.ShapeDtypeStruct((N, D), jnp.float32),
    )(aggp, cntp, xin, wl_t, wr_t, b2d)


def kernel(x, edge_index, W1_l, W1_r, b1, W2_l, W2_r, b2):
    src = edge_index[0].astype(jnp.int32).reshape(NW, EPT)
    dst = edge_index[1].astype(jnp.int32).reshape(NW, EPT)
    if EPAD:
        src = jnp.concatenate(
            [src, jnp.zeros((NW, EPAD), jnp.int32)], axis=1)
        dst = jnp.concatenate(
            [dst, jnp.full((NW, EPAD), N, jnp.int32)], axis=1)
    src = src.reshape(NW, NCHUNK, K)
    dst = dst.reshape(NW, NCHUNK, K)
    zf = jnp.zeros((NP, D), jnp.float32)
    zc = jnp.zeros((NP, 16), jnp.float32)

    cntp = _cnt_call(dst, zc)
    aggp1 = _agg_call(x, src, dst, zf)
    h = _dense_call(aggp1, cntp, x, W1_l.T, W1_r.T,
                    b1.reshape(1, D), apply_relu=True)
    aggp2 = _agg_call(h, src, dst, zf)
    out = _dense_call(aggp2, cntp, h, W2_l.T, W2_r.T,
                      b2.reshape(1, D), apply_relu=False)
    return out

# --- scband reference (transcript-rebuilt; emitter-appended) ---
"""Pipeline reference for scband-graph-sage-28802050687442 (READ-ONLY COPY).

The authoritative reference and input builder live on the scoring server;
editing this copy changes nothing except your own understanding.
"""

import jax, jax.numpy as jnp
import numpy as np

N_NODES = 10000
N_EDGES = 320000
D_IN = 128
D_HID = 128
D_OUT = 128


def setup_inputs(seed: int = 0) -> dict:
    key = jax.random.key(seed)
    ks = jax.random.split(key, 8)
    x = jax.random.normal(ks[0], (N_NODES, D_IN), dtype=jnp.float32)
    edge_index = jax.random.randint(ks[1], (2, N_EDGES), 0, N_NODES, dtype=jnp.int64)
    # SAGEConv params: lin_l (applied to aggregated neighbors, with bias), lin_r (root, no bias)
    W1_l = jax.random.normal(ks[2], (D_HID, D_IN), dtype=jnp.float32) * 0.05
    W1_r = jax.random.normal(ks[3], (D_HID, D_IN), dtype=jnp.float32) * 0.05
    b1 = jax.random.normal(ks[4], (D_HID,), dtype=jnp.float32) * 0.05
    W2_l = jax.random.normal(ks[5], (D_OUT, D_HID), dtype=jnp.float32) * 0.05
    W2_r = jax.random.normal(ks[6], (D_OUT, D_HID), dtype=jnp.float32) * 0.05
    b2 = jax.random.normal(ks[7], (D_OUT,), dtype=jnp.float32) * 0.05
    return {"x": x, "edge_index": edge_index,
            "W1_l": W1_l, "W1_r": W1_r, "b1": b1,
            "W2_l": W2_l, "W2_r": W2_r, "b2": b2}


def _sage_conv(x, src, dst, W_l, W_r, b, n_nodes):
    # mean aggregation of neighbor messages x_j at dst nodes
    msg = jnp.take(x, src, axis=0)
    agg = jax.ops.segment_sum(msg, dst, num_segments=n_nodes)
    cnt = jax.ops.segment_sum(jnp.ones((src.shape[0], 1), dtype=x.dtype), dst, num_segments=n_nodes)
    mean = agg / jnp.maximum(cnt, 1.0)
    out = mean @ W_l.T + b + x @ W_r.T
    # normalize=True -> L2 normalize along feature dim (eps=1e-12 like F.normalize)
    norm = jnp.linalg.norm(out, axis=-1, keepdims=True)
    return out / jnp.maximum(norm, 1e-12)


def reference(x, edge_index, W1_l, W1_r, b1, W2_l, W2_r, b2):
    src = edge_index[0]
    dst = edge_index[1]
    # dropout p=0.6 is identity in eval mode
    h = _sage_conv(x, src, dst, W1_l, W1_r, b1, N_NODES)
    h = jax.nn.relu(h)
    out = _sage_conv(h, src, dst, W2_l, W2_r, b2, N_NODES)
    return out

if __name__ == "__main__":
    import jax
    _d = setup_inputs()
    print(jax.jit(kernel)(*tuple(_d.values())))

</pallas_src>

<mosaic_0001>
#map = affine_map<(d0, d1) -> (0, 0)>
#map1 = affine_map<(d0, d1) -> (0, 0, 0)>
module attributes {stable_mosaic.version = 14 : i64} {
  func.func @body(%arg0: i32, %arg1: i32, %arg2: memref<10000x128xf32, #tpu.memory_space<hbm>>, %arg3: memref<32x250x40xi32, #tpu.memory_space<hbm>>, %arg4: memref<32x250x40xi32, #tpu.memory_space<hbm>>, %arg5: memref<10016x128xf32, #tpu.memory_space<hbm>>, %arg6: memref<2x10000x128xf32, #tpu.memory_space<hbm>>, %arg7: memref<250x40xi32, #tpu.memory_space<vmem>>, %arg8: memref<250x40xi32, #tpu.memory_space<vmem>>, %arg9: memref<10016x128xf32, #tpu.memory_space<vmem_shared>>, %arg10: memref<40x128xf32, #tpu.memory_space<vmem>>, %arg11: memref<40x128xf32, #tpu.memory_space<vmem>>, %arg12: memref<40x128xf32, #tpu.memory_space<vmem>>, %arg13: memref<40x128xf32, #tpu.memory_space<vmem>>, %arg14: memref<40x128xf32, #tpu.memory_space<vmem>>, %arg15: memref<!tpu.dma_semaphore, #tpu.memory_space<semaphore_mem>>, %arg16: memref<!tpu.dma_semaphore, #tpu.memory_space<semaphore_mem>>, %arg17: memref<!tpu.dma_semaphore, #tpu.memory_space<semaphore_mem>>, %arg18: memref<!tpu.dma_semaphore, #tpu.memory_space<semaphore_mem>>, %arg19: memref<!tpu.dma_semaphore, #tpu.memory_space<semaphore_mem>>, %arg20: memref<!tpu.dma_semaphore, #tpu.memory_space<semaphore_mem>>, %arg21: memref<!tpu.dma_semaphore, #tpu.memory_space<semaphore_mem>>, %arg22: memref<!tpu.dma_semaphore, #tpu.memory_space<semaphore_mem>>, %arg23: memref<!tpu.dma_semaphore, #tpu.memory_space<semaphore_mem>>, %arg24: memref<!tpu.dma_semaphore, #tpu.memory_space<semaphore_mem>>) attributes {dimension_semantics = [#tpu.dimension_semantics<core_parallel>, #tpu.dimension_semantics<subcore_parallel>], iteration_bounds = array<i64: 2, 16>, scalar_prefetch = 0 : i64, scratch_operands = 18 : i64, tpu.core_type = #tpu.core_type<sc_vector_subcore>, window_params = [{transform_indices = #map}, {transform_indices = #map1}, {transform_indices = #map1}, {transform_indices = #map}, {transform_indices = #map1}]} {
    %mul3A = arith.constant 16 : i32
    %mul3A_0 = arith.muli %arg0, %mul3A : i32
    %add3A = arith.addi %mul3A_0, %arg1 : i32
    %mul3A_1 = arith.constant 625 : i32
    %mul3A_2 = arith.muli %arg1, %mul3A_1 : i32
    %mul3A_3 = arith.constant 626 : i32
    %mul3A_4 = arith.muli %arg1, %mul3A_3 : i32
    "tpu.region"() ({
      %run_scoped3A = tpu.sem_alloc : memref<!tpu.dma_semaphore, #tpu.memory_space<semaphore_mem>>
      %dma_start3A_65 = arith.constant 0 : i32
      %dma_start3A_66 = tpu.memref_slice %arg9[%mul3A_4, %dma_start3A_65] : memref<10016x128xf32, #tpu.memory_space<vmem_shared>> -> memref<626x128xf32, #tpu.memory_space<vmem_shared>>
      %dma_start3A_67 = arith.constant 0 : i32
      %dma_start3A_68 = tpu.memref_slice %arg5[%mul3A_4, %dma_start3A_67] : memref<10016x128xf32, #tpu.memory_space<hbm>> -> memref<626x128xf32, #tpu.memory_space<hbm>>
      tpu.enqueue_dma source(%dma_start3A_68 : memref<626x128xf32, #tpu.memory_space<hbm>>) target(%dma_start3A_66 : memref<626x128xf32, #tpu.memory_space<vmem_shared>>) target_semaphore(%run_scoped3A : memref<!tpu.dma_semaphore, #tpu.memory_space<semaphore_mem>>)
      %dma_wait3A_69 = arith.constant 0 : i32
      %dma_wait3A_70 = tpu.memref_slice %arg9[%mul3A_4, %dma_wait3A_69] : memref<10016x128xf32, #tpu.memory_space<vmem_shared>> -> memref<626x128xf32, #tpu.memory_space<vmem_shared>>
      %dma_wait3A_71 = arith.constant 0 : i32
      %dma_wait3A_72 = tpu.memref_slice %arg5[%mul3A_4, %dma_wait3A_71] : memref<10016x128xf32, #tpu.memory_space<hbm>> -> memref<626x128xf32, #tpu.memory_space<hbm>>
      tpu.wait_dma2 semaphore(%run_scoped3A : memref<!tpu.dma_semaphore, #tpu.memory_space<semaphore_mem>>) src(%dma_wait3A_72 : memref<626x128xf32, #tpu.memory_space<hbm>>) dst(%dma_wait3A_70 : memref<626x128xf32, #tpu.memory_space<vmem_shared>>)
      tpu.yield
    }) : () -> ()
    "tpu.region"() ({
      %run_scoped3A = tpu.sem_alloc : memref<!tpu.dma_semaphore, #tpu.memory_space<semaphore_mem>>
      %dma_start3A_65 = arith.constant 0 : i32
      %dma_start3A_66 = arith.constant 0 : i32
      %dma_start3A_67 = tpu.memref_slice %arg3[%add3A, %dma_start3A_65, %dma_start3A_66] : memref<32x250x40xi32, #tpu.memory_space<hbm>> -> memref<1x250x40xi32, #tpu.memory_space<hbm>>
      %dma_start3A_68 = tpu.memref_squeeze %dma_start3A_67 : memref<1x250x40xi32, #tpu.memory_space<hbm>> -> memref<250x40xi32, #tpu.memory_space<hbm>>
      %dma_start3A_69 = arith.constant 0 : i32
      %dma_start3A_70 = arith.constant 0 : i32
      %dma_start3A_71 = tpu.memref_slice %arg3[%add3A, %dma_start3A_69, %dma_start3A_70] : memref<32x250x40xi32, #tpu.memory_space<hbm>> -> memref<1x250x40xi32, #tpu.memory_space<hbm>>
      %dma_start3A_72 = tpu.memref_squeeze %dma_start3A_71 : memref<1x250x40xi32, #tpu.memory_space<hbm>> -> memref<250x40xi32, #tpu.memory_space<hbm>>
      tpu.enqueue_dma source(%dma_start3A_72 : memref<250x40xi32, #tpu.memory_space<hbm>>) target(%arg7 : memref<250x40xi32, #tpu.memory_space<vmem>>) target_semaphore(%run_scoped3A : memref<!tpu.dma_semaphore, #tpu.memory_space<semaphore_mem>>)
      %dma_wait3A_73 = arith.constant 0 : i32
      %dma_wait3A_74 = arith.constant 0 : i32
      %dma_wait3A_75 = tpu.memref_slice %arg3[%add3A, %dma_wait3A_73, %dma_wait3A_74] : memref<32x250x40xi32, #tpu.memory_space<hbm>> -> memref<1x250x40xi32, #tpu.memory_space<hbm>>
      %dma_wait3A_76 = tpu.memref_squeeze %dma_wait3A_75 : memref<1x250x40xi32, #tpu.memory_space<hbm>> -> memref<250x40xi32, #tpu.memory_space<hbm>>
      %dma_wait3A_77 = arith.constant 0 : i32
      %dma_wait3A_78 = arith.constant 0 : i32
      %dma_wait3A_79 = tpu.memref_slice %arg3[%add3A, %dma_wait3A_77, %dma_wait3A_78] : memref<32x250x40xi32, #tpu.memory_space<hbm>> -> memref<1x250x40xi32, #tpu.memory_space<hbm>>
      %dma_wait3A_80 = tpu.memref_squeeze %dma_wait3A_79 : memref<1x250x40xi32, #tpu.memory_space<hbm>> -> memref<250x40xi32, #tpu.memory_space<hbm>>
      tpu.wait_dma2 semaphore(%run_scoped3A : memref<!tpu.dma_semaphore, #tpu.memory_space<semaphore_mem>>) src(%dma_wait3A_80 : memref<250x40xi32, #tpu.memory_space<hbm>>) dst(%arg7 : memref<250x40xi32, #tpu.memory_space<vmem>>)
      tpu.yield
    }) : () -> ()
    "tpu.region"() ({
      %run_scoped3A = tpu.sem_alloc : memref<!tpu.dma_semaphore, #tpu.memory_space<semaphore_mem>>
      %dma_start3A_65 = arith.constant 0 : i32
      %dma_start3A_66 = arith.constant 0 : i32
      %dma_start3A_67 = tpu.memref_slice %arg4[%add3A, %dma_start3A_65, %dma_start3A_66] : memref<32x250x40xi32, #tpu.memory_space<hbm>> -> memref<1x250x40xi32, #tpu.memory_space<hbm>>
      %dma_start3A_68 = tpu.memref_squeeze %dma_start3A_67 : memref<1x250x40xi32, #tpu.memory_space<hbm>> -> memref<250x40xi32, #tpu.memory_space<hbm>>
      %dma_start3A_69 = arith.constant 0 : i32
      %dma_start3A_70 = arith.constant 0 : i32
      %dma_start3A_71 = tpu.memref_slice %arg4[%add3A, %dma_start3A_69, %dma_start3A_70] : memref<32x250x40xi32, #tpu.memory_space<hbm>> -> memref<1x250x40xi32, #tpu.memory_space<hbm>>
      %dma_start3A_72 = tpu.memref_squeeze %dma_start3A_71 : memref<1x250x40xi32, #tpu.memory_space<hbm>> -> memref<250x40xi32, #tpu.memory_space<hbm>>
      tpu.enqueue_dma source(%dma_start3A_72 : memref<250x40xi32, #tpu.memory_space<hbm>>) target(%arg8 : memref<250x40xi32, #tpu.memory_space<vmem>>) target_semaphore(%run_scoped3A : memref<!tpu.dma_semaphore, #tpu.memory_space<semaphore_mem>>)
      %dma_wait3A_73 = arith.constant 0 : i32
      %dma_wait3A_74 = arith.constant 0 : i32
      %dma_wait3A_75 = tpu.memref_slice %arg4[%add3A, %dma_wait3A_73, %dma_wait3A_74] : memref<32x250x40xi32, #tpu.memory_space<hbm>> -> memref<1x250x40xi32, #tpu.memory_space<hbm>>
      %dma_wait3A_76 = tpu.memref_squeeze %dma_wait3A_75 : memref<1x250x40xi32, #tpu.memory_space<hbm>> -> memref<250x40xi32, #tpu.memory_space<hbm>>
      %dma_wait3A_77 = arith.constant 0 : i32
      %dma_wait3A_78 = arith.constant 0 : i32
      %dma_wait3A_79 = tpu.memref_slice %arg4[%add3A, %dma_wait3A_77, %dma_wait3A_78] : memref<32x250x40xi32, #tpu.memory_space<hbm>> -> memref<1x250x40xi32, #tpu.memory_space<hbm>>
      %dma_wait3A_80 = tpu.memref_squeeze %dma_wait3A_79 : memref<1x250x40xi32, #tpu.memory_space<hbm>> -> memref<250x40xi32, #tpu.memory_space<hbm>>
      tpu.wait_dma2 semaphore(%run_scoped3A : memref<!tpu.dma_semaphore, #tpu.memory_space<semaphore_mem>>) src(%dma_wait3A_80 : memref<250x40xi32, #tpu.memory_space<hbm>>) dst(%arg8 : memref<250x40xi32, #tpu.memory_space<vmem>>)
      tpu.yield
    }) : () -> ()
    %barrier3A = arith.constant 0 : index
    tpu.barrier barrier_id(%barrier3A)
    %dma_start3A = arith.constant 0 : i32
    %dma_start3A_5 = arith.constant 0 : i32
    %dma_start3A_6 = tpu.memref_slice %arg7[%dma_start3A, %dma_start3A_5] : memref<250x40xi32, #tpu.memory_space<vmem>> -> memref<1x40xi32, #tpu.memory_space<vmem>>
    %dma_start3A_7 = tpu.memref_squeeze %dma_start3A_6 : memref<1x40xi32, #tpu.memory_space<vmem>> -> memref<40xi32, #tpu.memory_space<vmem>>
    %dma_start3A_8 = arith.constant 0 : i32
    %dma_start3A_9 = arith.constant 0 : i32
    %dma_start3A_10 = tpu.memref_slice %arg2[%dma_start3A_8, %dma_start3A_9] : memref<10000x128xf32, #tpu.memory_space<hbm>> -> memref<10000x128xf32, #tpu.memory_space<hbm>>
    tpu.enqueue_indirect_dma source(%dma_start3A_10 : memref<10000x128xf32, #tpu.memory_space<hbm>>) target(%arg10 : memref<40x128xf32, #tpu.memory_space<vmem>>) offsets(%dma_start3A_7 : memref<40xi32, #tpu.memory_space<vmem>>) semaphore(%arg15 : memref<!tpu.dma_semaphore, #tpu.memory_space<semaphore_mem>>)
    %dma_start3A_11 = arith.constant 1 : i32
    %dma_start3A_12 = arith.constant 0 : i32
    %dma_start3A_13 = tpu.memref_slice %arg7[%dma_start3A_11, %dma_start3A_12] : memref<250x40xi32, #tpu.memory_space<vmem>> -> memref<1x40xi32, #tpu.memory_space<vmem>>
    %dma_start3A_14 = tpu.memref_squeeze %dma_start3A_13 : memref<1x40xi32, #tpu.memory_space<vmem>> -> memref<40xi32, #tpu.memory_space<vmem>>
    %dma_start3A_15 = arith.constant 0 : i32
    %dma_start3A_16 = arith.constant 0 : i32
    %dma_start3A_17 = tpu.memref_slice %arg2[%dma_start3A_15, %dma_start3A_16] : memref<10000x128xf32, #tpu.memory_space<hbm>> -> memref<10000x128xf32, #tpu.memory_space<hbm>>
    tpu.enqueue_indirect_dma source(%dma_start3A_17 : memref<10000x128xf32, #tpu.memory_space<hbm>>) target(%arg11 : memref<40x128xf32, #tpu.memory_space<vmem>>) offsets(%dma_start3A_14 : memref<40xi32, #tpu.memory_space<vmem>>) semaphore(%arg16 : memref<!tpu.dma_semaphore, #tpu.memory_space<semaphore_mem>>)
    %dma_start3A_18 = arith.constant 2 : i32
    %dma_start3A_19 = arith.constant 0 : i32
    %dma_start3A_20 = tpu.memref_slice %arg7[%dma_start3A_18, %dma_start3A_19] : memref<250x40xi32, #tpu.memory_space<vmem>> -> memref<1x40xi32, #tpu.memory_space<vmem>>
    %dma_start3A_21 = tpu.memref_squeeze %dma_start3A_20 : memref<1x40xi32, #tpu.memory_space<vmem>> -> memref<40xi32, #tpu.memory_space<vmem>>
    %dma_start3A_22 = arith.constant 0 : i32
    %dma_start3A_23 = arith.constant 0 : i32
    %dma_start3A_24 = tpu.memref_slice %arg2[%dma_start3A_22, %dma_start3A_23] : memref<10000x128xf32, #tpu.memory_space<hbm>> -> memref<10000x128xf32, #tpu.memory_space<hbm>>
    tpu.enqueue_indirect_dma source(%dma_start3A_24 : memref<10000x128xf32, #tpu.memory_space<hbm>>) target(%arg12 : memref<40x128xf32, #tpu.memory_space<vmem>>) offsets(%dma_start3A_21 : memref<40xi32, #tpu.memory_space<vmem>>) semaphore(%arg17 : memref<!tpu.dma_semaphore, #tpu.memory_space<semaphore_mem>>)
    %scan3A = arith.constant 0 : i32
    %scan3A_25 = arith.constant 0 : i32
    %scan3A_26 = arith.constant 50 : i32
    %scan3A_27 = arith.addi %scan3A_25, %scan3A_26 : i32
    %scan3A_28 = arith.constant 1 : i32
    scf.for %scan3A_65 = %scan3A_25 to %scan3A_27 step %scan3A_28  : i32 {
      %mul3A_66 = arith.constant 5 : i32
      %mul3A_67 = arith.muli %scan3A_65, %mul3A_66 : i32
      %add3A_68 = arith.constant 0 : i32
      %add3A_69 = arith.addi %mul3A_67, %add3A_68 : i32
      %add3A_70 = arith.constant 3 : i32
      %add3A_71 = arith.addi %add3A_69, %add3A_70 : i32
      %ge3A = arith.constant 5 : i32
      %ge3A_72 = arith.cmpi sge, %add3A_71, %ge3A : i32
      %lt3A = arith.constant 250 : i32
      %lt3A_73 = arith.cmpi slt, %add3A_71, %lt3A : i32
      %and3A = arith.andi %ge3A_72, %lt3A_73 : i1
      %convert_element_type3A = arith.extui %and3A : i1 to i32
      %cond3A = arith.constant 0 : i32
      %cond3A_74 = arith.cmpi ne, %convert_element_type3A, %cond3A : i32
      scf.if %cond3A_74 {
        %sub3A = arith.constant 5 : i32
        %sub3A_231 = arith.subi %add3A_71, %sub3A : i32
        %dma_wait3A_232 = arith.constant 0 : i32
        %dma_wait3A_233 = tpu.memref_slice %arg8[%sub3A_231, %dma_wait3A_232] : memref<250x40xi32, #tpu.memory_space<vmem>> -> memref<1x40xi32, #tpu.memory_space<vmem>>
        %dma_wait3A_234 = tpu.memref_squeeze %dma_wait3A_233 : memref<1x40xi32, #tpu.memory_space<vmem>> -> memref<40xi32, #tpu.memory_space<vmem>>
        %dma_wait3A_235 = arith.constant 0 : i32
        %dma_wait3A_236 = arith.constant 0 : i32
        %dma_wait3A_237 = tpu.memref_slice %arg9[%dma_wait3A_235, %dma_wait3A_236] : memref<10016x128xf32, #tpu.memory_space<vmem_shared>> -> memref<10016x128xf32, #tpu.memory_space<vmem_shared>>
        tpu.wait_indirect_dma semaphore(%arg23 : memref<!tpu.dma_semaphore, #tpu.memory_space<semaphore_mem>>) src(%arg13 : memref<40x128xf32, #tpu.memory_space<vmem>>) dst(%dma_wait3A_237 : memref<10016x128xf32, #tpu.memory_space<vmem_shared>>)
        %dma_start3A_238 = arith.constant 0 : i32
        %dma_start3A_239 = tpu.memref_slice %arg7[%add3A_71, %dma_start3A_238] : memref<250x40xi32, #tpu.memory_space<vmem>> -> memref<1x40xi32, #tpu.memory_space<vmem>>
        %dma_start3A_240 = tpu.memref_squeeze %dma_start3A_239 : memref<1x40xi32, #tpu.memory_space<vmem>> -> memref<40xi32, #tpu.memory_space<vmem>>
        %dma_start3A_241 = arith.constant 0 : i32
        %dma_start3A_242 = arith.constant 0 : i32
        %dma_start3A_243 = tpu.memref_slice %arg2[%dma_start3A_241, %dma_start3A_242] : memref<10000x128xf32, #tpu.memory_space<hbm>> -> memref<10000x128xf32, #tpu.memory_space<hbm>>
        tpu.enqueue_indirect_dma source(%dma_start3A_243 : memref<10000x128xf32, #tpu.memory_space<hbm>>) target(%arg13 : memref<40x128xf32, #tpu.memory_space<vmem>>) offsets(%dma_start3A_240 : memref<40xi32, #tpu.memory_space<vmem>>) semaphore(%arg18 : memref<!tpu.dma_semaphore, #tpu.memory_space<semaphore_mem>>)
      } else {
      }
      %lt3A_75 = arith.constant 5 : i32
      %lt3A_76 = arith.cmpi slt, %add3A_71, %lt3A_75 : i32
      %lt3A_77 = arith.constant 250 : i32
      %lt3A_78 = arith.cmpi slt, %add3A_71, %lt3A_77 : i32
      %and3A_79 = arith.andi %lt3A_76, %lt3A_78 : i1
      %convert_element_type3A_80 = arith.extui %and3A_79 : i1 to i32
      %cond3A_81 = arith.constant 0 : i32
      %cond3A_82 = arith.cmpi ne, %convert_element_type3A_80, %cond3A_81 : i32
      scf.if %cond3A_82 {
        %dma_start3A_231 = arith.constant 0 : i32
        %dma_start3A_232 = tpu.memref_slice %arg7[%add3A_71, %dma_start3A_231] : memref<250x40xi32, #tpu.memory_space<vmem>> -> memref<1x40xi32, #tpu.memory_space<vmem>>
        %dma_start3A_233 = tpu.memref_squeeze %dma_start3A_232 : memref<1x40xi32, #tpu.memory_space<vmem>> -> memref<40xi32, #tpu.memory_space<vmem>>
        %dma_start3A_234 = arith.constant 0 : i32
        %dma_start3A_235 = arith.constant 0 : i32
        %dma_start3A_236 = tpu.memref_slice %arg2[%dma_start3A_234, %dma_start3A_235] : memref<10000x128xf32, #tpu.memory_space<hbm>> -> memref<10000x128xf32, #tpu.memory_space<hbm>>
        tpu.enqueue_indirect_dma source(%dma_start3A_236 : memref<10000x128xf32, #tpu.memory_space<hbm>>) target(%arg13 : memref<40x128xf32, #tpu.memory_space<vmem>>) offsets(%dma_start3A_233 : memref<40xi32, #tpu.memory_space<vmem>>) semaphore(%arg18 : memref<!tpu.dma_semaphore, #tpu.memory_space<semaphore_mem>>)
      } else {
      }
      %dma_wait3A_83 = arith.constant 0 : i32
      %dma_wait3A_84 = tpu.memref_slice %arg7[%add3A_69, %dma_wait3A_83] : memref<250x40xi32, #tpu.memory_space<vmem>> -> memref<1x40xi32, #tpu.memory_space<vmem>>
      %dma_wait3A_85 = tpu.memref_squeeze %dma_wait3A_84 : memref<1x40xi32, #tpu.memory_space<vmem>> -> memref<40xi32, #tpu.memory_space<vmem>>
      %dma_wait3A_86 = arith.constant 0 : i32
      %dma_wait3A_87 = arith.constant 0 : i32
      %dma_wait3A_88 = tpu.memref_slice %arg2[%dma_wait3A_86, %dma_wait3A_87] : memref<10000x128xf32, #tpu.memory_space<hbm>> -> memref<10000x128xf32, #tpu.memory_space<hbm>>
      tpu.wait_indirect_dma semaphore(%arg15 : memref<!tpu.dma_semaphore, #tpu.memory_space<semaphore_mem>>) src(%dma_wait3A_88 : memref<10000x128xf32, #tpu.memory_space<hbm>>) dst(%arg10 : memref<40x128xf32, #tpu.memory_space<vmem>>)
      %dma_start3A_89 = arith.constant 0 : i32
      %dma_start3A_90 = tpu.memref_slice %arg8[%add3A_69, %dma_start3A_89] : memref<250x40xi32, #tpu.memory_space<vmem>> -> memref<1x40xi32, #tpu.memory_space<vmem>>
      %dma_start3A_91 = tpu.memref_squeeze %dma_start3A_90 : memref<1x40xi32, #tpu.memory_space<vmem>> -> memref<40xi32, #tpu.memory_space<vmem>>
      %dma_start3A_92 = arith.constant 0 : i32
      %dma_start3A_93 = arith.constant 0 : i32
      %dma_start3A_94 = tpu.memref_slice %arg9[%dma_start3A_92, %dma_start3A_93] : memref<10016x128xf32, #tpu.memory_space<vmem_shared>> -> memref<10016x128xf32, #tpu.memory_space<vmem_shared>>
      tpu.enqueue_indirect_dma source(%arg10 : memref<40x128xf32, #tpu.memory_space<vmem>>) target(%dma_start3A_94 : memref<10016x128xf32, #tpu.memory_space<vmem_shared>>) offsets(%dma_start3A_91 : memref<40xi32, #tpu.memory_space<vmem>>) semaphore(%arg20 : memref<!tpu.dma_semaphore, #tpu.memory_space<semaphore_mem>>) {add = true}
      %mul3A_95 = arith.constant 5 : i32
      %mul3A_96 = arith.muli %scan3A_65, %mul3A_95 : i32
      %add3A_97 = arith.constant 1 : i32
      %add3A_98 = arith.addi %mul3A_96, %add3A_97 : i32
      %add3A_99 = arith.constant 3 : i32
      %add3A_100 = arith.addi %add3A_98, %add3A_99 : i32
      %ge3A_101 = arith.constant 5 : i32
      %ge3A_102 = arith.cmpi sge, %add3A_100, %ge3A_101 : i32
      %lt3A_103 = arith.constant 250 : i32
      %lt3A_104 = arith.cmpi slt, %add3A_100, %lt3A_103 : i32
      %and3A_105 = arith.andi %ge3A_102, %lt3A_104 : i1
      %convert_element_type3A_106 = arith.extui %and3A_105 : i1 to i32
      %cond3A_107 = arith.constant 0 : i32
      %cond3A_108 = arith.cmpi ne, %convert_element_type3A_106, %cond3A_107 : i32
      scf.if %cond3A_108 {
        %sub3A = arith.constant 5 : i32
        %sub3A_231 = arith.subi %add3A_100, %sub3A : i32
        %dma_wait3A_232 = arith.constant 0 : i32
        %dma_wait3A_233 = tpu.memref_slice %arg8[%sub3A_231, %dma_wait3A_232] : memref<250x40xi32, #tpu.memory_space<vmem>> -> memref<1x40xi32, #tpu.memory_space<vmem>>
        %dma_wait3A_234 = tpu.memref_squeeze %dma_wait3A_233 : memref<1x40xi32, #tpu.memory_space<vmem>> -> memref<40xi32, #tpu.memory_space<vmem>>
        %dma_wait3A_235 = arith.constant 0 : i32
        %dma_wait3A_236 = arith.constant 0 : i32
        %dma_wait3A_237 = tpu.memref_slice %arg9[%dma_wait3A_235, %dma_wait3A_236] : memref<10016x128xf32, #tpu.memory_space<vmem_shared>> -> memref<10016x128xf32, #tpu.memory_space<vmem_shared>>
        tpu.wait_indirect_dma semaphore(%arg24 : memref<!tpu.dma_semaphore, #tpu.memory_space<semaphore_mem>>) src(%arg14 : memref<40x128xf32, #tpu.memory_space<vmem>>) dst(%dma_wait3A_237 : memref<10016x128xf32, #tpu.memory_space<vmem_shared>>)
        %dma_start3A_238 = arith.constant 0 : i32
        %dma_start3A_239 = tpu.memref_slice %arg7[%add3A_100, %dma_start3A_238] : memref<250x40xi32, #tpu.memory_space<vmem>> -> memref<1x40xi32, #tpu.memory_space<vmem>>
        %dma_start3A_240 = tpu.memref_squeeze %dma_start3A_239 : memref<1x40xi32, #tpu.memory_space<vmem>> -> memref<40xi32, #tpu.memory_space<vmem>>
        %dma_start3A_241 = arith.constant 0 : i32
        %dma_start3A_242 = arith.constant 0 : i32
        %dma_start3A_243 = tpu.memref_slice %arg2[%dma_start3A_241, %dma_start3A_242] : memref<10000x128xf32, #tpu.memory_space<hbm>> -> memref<10000x128xf32, #tpu.memory_space<hbm>>
        tpu.enqueue_indirect_dma source(%dma_start3A_243 : memref<10000x128xf32, #tpu.memory_space<hbm>>) target(%arg14 : memref<40x128xf32, #tpu.memory_space<vmem>>) offsets(%dma_start3A_240 : memref<40xi32, #tpu.memory_space<vmem>>) semaphore(%arg19 : memref<!tpu.dma_semaphore, #tpu.memory_space<semaphore_mem>>)
      } else {
      }
      %lt3A_109 = arith.constant 5 : i32
      %lt3A_110 = arith.cmpi slt, %add3A_100, %lt3A_109 : i32
      %lt3A_111 = arith.constant 250 : i32
      %lt3A_112 = arith.cmpi slt, %add3A_100, %lt3A_111 : i32
      %and3A_113 = arith.andi %lt3A_110, %lt3A_112 : i1
      %convert_element_type3A_114 = arith.extui %and3A_113 : i1 to i32
      %cond3A_115 = arith.constant 0 : i32
      %cond3A_116 = arith.cmpi ne, %convert_element_type3A_114, %cond3A_115 : i32
      scf.if %cond3A_116 {
        %dma_start3A_231 = arith.constant 0 : i32
        %dma_start3A_232 = tpu.memref_slice %arg7[%add3A_100, %dma_start3A_231] : memref<250x40xi32, #tpu.memory_space<vmem>> -> memref<1x40xi32, #tpu.memory_space<vmem>>
        %dma_start3A_233 = tpu.memref_squeeze %dma_start3A_232 : memref<1x40xi32, #tpu.memory_space<vmem>> -> memref<40xi32, #tpu.memory_space<vmem>>
        %dma_start3A_234 = arith.constant 0 : i32
        %dma_start3A_235 = arith.constant 0 : i32
        %dma_start3A_236 = tpu.memref_slice %arg2[%dma_start3A_234, %dma_start3A_235] : memref<10000x128xf32, #tpu.memory_space<hbm>> -> memref<10000x128xf32, #tpu.memory_space<hbm>>
        tpu.enqueue_indirect_dma source(%dma_start3A_236 : memref<10000x128xf32, #tpu.memory_space<hbm>>) target(%arg14 : memref<40x128xf32, #tpu.memory_space<vmem>>) offsets(%dma_start3A_233 : memref<40xi32, #tpu.memory_space<vmem>>) semaphore(%arg19 : memref<!tpu.dma_semaphore, #tpu.memory_space<semaphore_mem>>)
      } else {
      }
      %dma_wait3A_117 = arith.constant 0 : i32
      %dma_wait3A_118 = tpu.memref_slice %arg7[%add3A_98, %dma_wait3A_117] : memref<250x40xi32, #tpu.memory_space<vmem>> -> memref<1x40xi32, #tpu.memory_space<vmem>>
      %dma_wait3A_119 = tpu.memref_squeeze %dma_wait3A_118 : memref<1x40xi32, #tpu.memory_space<vmem>> -> memref<40xi32, #tpu.memory_space<vmem>>
      %dma_wait3A_120 = arith.constant 0 : i32
      %dma_wait3A_121 = arith.constant 0 : i32
      %dma_wait3A_122 = tpu.memref_slice %arg2[%dma_wait3A_120, %dma_wait3A_121] : memref<10000x128xf32, #tpu.memory_space<hbm>> -> memref<10000x128xf32, #tpu.memory_space<hbm>>
      tpu.wait_indirect_dma semaphore(%arg16 : memref<!tpu.dma_semaphore, #tpu.memory_space<semaphore_mem>>) src(%dma_wait3A_122 : memref<10000x128xf32, #tpu.memory_space<hbm>>) dst(%arg11 : memref<40x128xf32, #tpu.memory_space<vmem>>)
      %dma_start3A_123 = arith.constant 0 : i32
      %dma_start3A_124 = tpu.memref_slice %arg8[%add3A_98, %dma_start3A_123] : memref<250x40xi32, #tpu.memory_space<vmem>> -> memref<1x40xi32, #tpu.memory_space<vmem>>
      %dma_start3A_125 = tpu.memref_squeeze %dma_start3A_124 : memref<1x40xi32, #tpu.memory_space<vmem>> -> memref<40xi32, #tpu.memory_space<vmem>>
      %dma_start3A_126 = arith.constant 0 : i32
      %dma_start3A_127 = arith.constant 0 : i32
      %dma_start3A_128 = tpu.memref_slice %arg9[%dma_start3A_126, %dma_start3A_127] : memref<10016x128xf32, #tpu.memory_space<vmem_shared>> -> memref<10016x128xf32, #tpu.memory_space<vmem_shared>>
      tpu.enqueue_indirect_dma source(%arg11 : memref<40x128xf32, #tpu.memory_space<vmem>>) target(%dma_start3A_128 : memref<10016x128xf32, #tpu.memory_space<vmem_shared>>) offsets(%dma_start3A_125 : memref<40xi32, #tpu.memory_space<vmem>>) semaphore(%arg21 : memref<!tpu.dma_semaphore, #tpu.memory_space<semaphore_mem>>) {add = true}
      %mul3A_129 = arith.constant 5 : i32
      %mul3A_130 = arith.muli %scan3A_65, %mul3A_129 : i32
      %add3A_131 = arith.constant 2 : i32
      %add3A_132 = arith.addi %mul3A_130, %add3A_131 : i32
      %add3A_133 = arith.constant 3 : i32
      %add3A_134 = arith.addi %add3A_132, %add3A_133 : i32
      %ge3A_135 = arith.constant 5 : i32
      %ge3A_136 = arith.cmpi sge, %add3A_134, %ge3A_135 : i32
      %lt3A_137 = arith.constant 250 : i32
      %lt3A_138 = arith.cmpi slt, %add3A_134, %lt3A_137 : i32
      %and3A_139 = arith.andi %ge3A_136, %lt3A_138 : i1
      %convert_element_type3A_140 = arith.extui %and3A_139 : i1 to i32
      %cond3A_141 = arith.constant 0 : i32
      %cond3A_142 = arith.cmpi ne, %convert_element_type3A_140, %cond3A_141 : i32
      scf.if %cond3A_142 {
        %sub3A = arith.constant 5 : i32
        %sub3A_231 = arith.subi %add3A_134, %sub3A : i32
        %dma_wait3A_232 = arith.constant 0 : i32
        %dma_wait3A_233 = tpu.memref_slice %arg8[%sub3A_231, %dma_wait3A_232] : memref<250x40xi32, #tpu.memory_space<vmem>> -> memref<1x40xi32, #tpu.memory_space<vmem>>
        %dma_wait3A_234 = tpu.memref_squeeze %dma_wait3A_233 : memref<1x40xi32, #tpu.memory_space<vmem>> -> memref<40xi32, #tpu.memory_space<vmem>>
        %dma_wait3A_235 = arith.constant 0 : i32
        %dma_wait3A_236 = arith.constant 0 : i32
        %dma_wait3A_237 = tpu.memref_slice %arg9[%dma_wait3A_235, %dma_wait3A_236] : memref<10016x128xf32, #tpu.memory_space<vmem_shared>> -> memref<10016x128xf32, #tpu.memory_space<vmem_shared>>
        tpu.wait_indirect_dma semaphore(%arg20 : memref<!tpu.dma_semaphore, #tpu.memory_space<semaphore_mem>>) src(%arg10 : memref<40x128xf32, #tpu.memory_space<vmem>>) dst(%dma_wait3A_237 : memref<10016x128xf32, #tpu.memory_space<vmem_shared>>)
        %dma_start3A_238 = arith.constant 0 : i32
        %dma_start3A_239 = tpu.memref_slice %arg7[%add3A_134, %dma_start3A_238] : memref<250x40xi32, #tpu.memory_space<vmem>> -> memref<1x40xi32, #tpu.memory_space<vmem>>
        %dma_start3A_240 = tpu.memref_squeeze %dma_start3A_239 : memref<1x40xi32, #tpu.memory_space<vmem>> -> memref<40xi32, #tpu.memory_space<vmem>>
        %dma_start3A_241 = arith.constant 0 : i32
        %dma_start3A_242 = arith.constant 0 : i32
        %dma_start3A_243 = tpu.memref_slice %arg2[%dma_start3A_241, %dma_start3A_242] : memref<10000x128xf32, #tpu.memory_space<hbm>> -> memref<10000x128xf32, #tpu.memory_space<hbm>>
        tpu.enqueue_indirect_dma source(%dma_start3A_243 : memref<10000x128xf32, #tpu.memory_space<hbm>>) target(%arg10 : memref<40x128xf32, #tpu.memory_space<vmem>>) offsets(%dma_start3A_240 : memref<40xi32, #tpu.memory_space<vmem>>) semaphore(%arg15 : memref<!tpu.dma_semaphore, #tpu.memory_space<semaphore_mem>>)
      } else {
      }
      %lt3A_143 = arith.constant 5 : i32
      %lt3A_144 = arith.cmpi slt, %add3A_134, %lt3A_143 : i32
      %lt3A_145 = arith.constant 250 : i32
      %lt3A_146 = arith.cmpi slt, %add3A_134, %lt3A_145 : i32
      %and3A_147 = arith.andi %lt3A_144, %lt3A_146 : i1
      %convert_element_type3A_148 = arith.extui %and3A_147 : i1 to i32
      %cond3A_149 = arith.constant 0 : i32
      %cond3A_150 = arith.cmpi ne, %convert_element_type3A_148, %cond3A_149 : i32
      scf.if %cond3A_150 {
        %dma_start3A_231 = arith.constant 0 : i32
        %dma_start3A_232 = tpu.memref_slice %arg7[%add3A_134, %dma_start3A_231] : memref<250x40xi32, #tpu.memory_space<vmem>> -> memref<1x40xi32, #tpu.memory_space<vmem>>
        %dma_start3A_233 = tpu.memref_squeeze %dma_start3A_232 : memref<1x40xi32, #tpu.memory_space<vmem>> -> memref<40xi32, #tpu.memory_space<vmem>>
        %dma_start3A_234 = arith.constant 0 : i32
        %dma_start3A_235 = arith.constant 0 : i32
        %dma_start3A_236 = tpu.memref_slice %arg2[%dma_start3A_234, %dma_start3A_235] : memref<10000x128xf32, #tpu.memory_space<hbm>> -> memref<10000x128xf32, #tpu.memory_space<hbm>>
        tpu.enqueue_indirect_dma source(%dma_start3A_236 : memref<10000x128xf32, #tpu.memory_space<hbm>>) target(%arg10 : memref<40x128xf32, #tpu.memory_space<vmem>>) offsets(%dma_start3A_233 : memref<40xi32, #tpu.memory_space<vmem>>) semaphore(%arg15 : memref<!tpu.dma_semaphore, #tpu.memory_space<semaphore_mem>>)
      } else {
      }
      %dma_wait3A_151 = arith.constant 0 : i32
      %dma_wait3A_152 = tpu.memref_slice %arg7[%add3A_132, %dma_wait3A_151] : memref<250x40xi32, #tpu.memory_space<vmem>> -> memref<1x40xi32, #tpu.memory_space<vmem>>
      %dma_wait3A_153 = tpu.memref_squeeze %dma_wait3A_152 : memref<1x40xi32, #tpu.memory_space<vmem>> -> memref<40xi32, #tpu.memory_space<vmem>>
      %dma_wait3A_154 = arith.constant 0 : i32
      %dma_wait3A_155 = arith.constant 0 : i32
      %dma_wait3A_156 = tpu.memref_slice %arg2[%dma_wait3A_154, %dma_wait3A_155] : memref<10000x128xf32, #tpu.memory_space<hbm>> -> memref<10000x128xf32, #tpu.memory_space<hbm>>
      tpu.wait_indirect_dma semaphore(%arg17 : memref<!tpu.dma_semaphore, #tpu.memory_space<semaphore_mem>>) src(%dma_wait3A_156 : memref<10000x128xf32, #tpu.memory_space<hbm>>) dst(%arg12 : memref<40x128xf32, #tpu.memory_space<vmem>>)
      %dma_start3A_157 = arith.constant 0 : i32
      %dma_start3A_158 = tpu.memref_slice %arg8[%add3A_132, %dma_start3A_157] : memref<250x40xi32, #tpu.memory_space<vmem>> -> memref<1x40xi32, #tpu.memory_space<vmem>>
      %dma_start3A_159 = tpu.memref_squeeze %dma_start3A_158 : memref<1x40xi32, #tpu.memory_space<vmem>> -> memref<40xi32, #tpu.memory_space<vmem>>
      %dma_start3A_160 = arith.constant 0 : i32
      %dma_start3A_161 = arith.constant 0 : i32
      %dma_start3A_162 = tpu.memref_slice %arg9[%dma_start3A_160, %dma_start3A_161] : memref<10016x128xf32, #tpu.memory_space<vmem_shared>> -> memref<10016x128xf32, #tpu.memory_space<vmem_shared>>
      tpu.enqueue_indirect_dma source(%arg12 : memref<40x128xf32, #tpu.memory_space<vmem>>) target(%dma_start3A_162 : memref<10016x128xf32, #tpu.memory_space<vmem_shared>>) offsets(%dma_start3A_159 : memref<40xi32, #tpu.memory_space<vmem>>) semaphore(%arg22 : memref<!tpu.dma_semaphore, #tpu.memory_space<semaphore_mem>>) {add = true}
      %mul3A_163 = arith.constant 5 : i32
      %mul3A_164 = arith.muli %scan3A_65, %mul3A_163 : i32
      %add3A_165 = arith.constant 3 : i32
      %add3A_166 = arith.addi %mul3A_164, %add3A_165 : i32
      %add3A_167 = arith.constant 3 : i32
      %add3A_168 = arith.addi %add3A_166, %add3A_167 : i32
      %ge3A_169 = arith.constant 5 : i32
      %ge3A_170 = arith.cmpi sge, %add3A_168, %ge3A_169 : i32
      %lt3A_171 = arith.constant 250 : i32
      %lt3A_172 = arith.cmpi slt, %add3A_168, %lt3A_171 : i32
      %and3A_173 = arith.andi %ge3A_170, %lt3A_172 : i1
      %convert_element_type3A_174 = arith.extui %and3A_173 : i1 to i32
      %cond3A_175 = arith.constant 0 : i32
      %cond3A_176 = arith.cmpi ne, %convert_element_type3A_174, %cond3A_175 : i32
      scf.if %cond3A_176 {
        %sub3A = arith.constant 5 : i32
        %sub3A_231 = arith.subi %add3A_168, %sub3A : i32
        %dma_wait3A_232 = arith.constant 0 : i32
        %dma_wait3A_233 = tpu.memref_slice %arg8[%sub3A_231, %dma_wait3A_232] : memref<250x40xi32, #tpu.memory_space<vmem>> -> memref<1x40xi32, #tpu.memory_space<vmem>>
        %dma_wait3A_234 = tpu.memref_squeeze %dma_wait3A_233 : memref<1x40xi32, #tpu.memory_space<vmem>> -> memref<40xi32, #tpu.memory_space<vmem>>
        %dma_wait3A_235 = arith.constant 0 : i32
        %dma_wait3A_236 = arith.constant 0 : i32
        %dma_wait3A_237 = tpu.memref_slice %arg9[%dma_wait3A_235, %dma_wait3A_236] : memref<10016x128xf32, #tpu.memory_space<vmem_shared>> -> memref<10016x128xf32, #tpu.memory_space<vmem_shared>>
        tpu.wait_indirect_dma semaphore(%arg21 : memref<!tpu.dma_semaphore, #tpu.memory_space<semaphore_mem>>) src(%arg11 : memref<40x128xf32, #tpu.memory_space<vmem>>) dst(%dma_wait3A_237 : memref<10016x128xf32, #tpu.memory_space<vmem_shared>>)
        %dma_start3A_238 = arith.constant 0 : i32
        %dma_start3A_239 = tpu.memref_slice %arg7[%add3A_168, %dma_start3A_238] : memref<250x40xi32, #tpu.memory_space<vmem>> -> memref<1x40xi32, #tpu.memory_space<vmem>>
        %dma_start3A_240 = tpu.memref_squeeze %dma_start3A_239 : memref<1x40xi32, #tpu.memory_space<vmem>> -> memref<40xi32, #tpu.memory_space<vmem>>
        %dma_start3A_241 = arith.constant 0 : i32
        %dma_start3A_242 = arith.constant 0 : i32
        %dma_start3A_243 = tpu.memref_slice %arg2[%dma_start3A_241, %dma_start3A_242] : memref<10000x128xf32, #tpu.memory_space<hbm>> -> memref<10000x128xf32, #tpu.memory_space<hbm>>
        tpu.enqueue_indirect_dma source(%dma_start3A_243 : memref<10000x128xf32, #tpu.memory_space<hbm>>) target(%arg11 : memref<40x128xf32, #tpu.memory_space<vmem>>) offsets(%dma_start3A_240 : memref<40xi32, #tpu.memory_space<vmem>>) semaphore(%arg16 : memref<!tpu.dma_semaphore, #tpu.memory_space<semaphore_mem>>)
      } else {
      }
      %lt3A_177 = arith.constant 5 : i32
      %lt3A_178 = arith.cmpi slt, %add3A_168, %lt3A_177 : i32
      %lt3A_179 = arith.constant 250 : i32
      %lt3A_180 = arith.cmpi slt, %add3A_168, %lt3A_179 : i32
      %and3A_181 = arith.andi %lt3A_178, %lt3A_180 : i1
      %convert_element_type3A_182 = arith.extui %and3A_181 : i1 to i32
      %cond3A_183 = arith.constant 0 : i32
      %cond3A_184 = arith.cmpi ne, %convert_element_type3A_182, %cond3A_183 : i32
      scf.if %cond3A_184 {
        %dma_start3A_231 = arith.constant 0 : i32
        %dma_start3A_232 = tpu.memref_slice %arg7[%add3A_168, %dma_start3A_231] : memref<250x40xi32, #tpu.memory_space<vmem>> -> memref<1x40xi32, #tpu.memory_space<vmem>>
        %dma_start3A_233 = tpu.memref_squeeze %dma_start3A_232 : memref<1x40xi32, #tpu.memory_space<vmem>> -> memref<40xi32, #tpu.memory_space<vmem>>
        %dma_start3A_234 = arith.constant 0 : i32
        %dma_start3A_235 = arith.constant 0 : i32
        %dma_start3A_236 = tpu.memref_slice %arg2[%dma_start3A_234, %dma_start3A_235] : memref<10000x128xf32, #tpu.memory_space<hbm>> -> memref<10000x128xf32, #tpu.memory_space<hbm>>
        tpu.enqueue_indirect_dma source(%dma_start3A_236 : memref<10000x128xf32, #tpu.memory_space<hbm>>) target(%arg11 : memref<40x128xf32, #tpu.memory_space<vmem>>) offsets(%dma_start3A_233 : memref<40xi32, #tpu.memory_space<vmem>>) semaphore(%arg16 : memref<!tpu.dma_semaphore, #tpu.memory_space<semaphore_mem>>)
      } else {
      }
      %dma_wait3A_185 = arith.constant 0 : i32
      %dma_wait3A_186 = tpu.memref_slice %arg7[%add3A_166, %dma_wait3A_185] : memref<250x40xi32, #tpu.memory_space<vmem>> -> memref<1x40xi32, #tpu.memory_space<vmem>>
      %dma_wait3A_187 = tpu.memref_squeeze %dma_wait3A_186 : memref<1x40xi32, #tpu.memory_space<vmem>> -> memref<40xi32, #tpu.memory_space<vmem>>
      %dma_wait3A_188 = arith.constant 0 : i32
      %dma_wait3A_189 = arith.constant 0 : i32
      %dma_wait3A_190 = tpu.memref_slice %arg2[%dma_wait3A_188, %dma_wait3A_189] : memref<10000x128xf32, #tpu.memory_space<hbm>> -> memref<10000x128xf32, #tpu.memory_space<hbm>>
      tpu.wait_indirect_dma semaphore(%arg18 : memref<!tpu.dma_semaphore, #tpu.memory_space<semaphore_mem>>) src(%dma_wait3A_190 : memref<10000x128xf32, #tpu.memory_space<hbm>>) dst(%arg13 : memref<40x128xf32, #tpu.memory_space<vmem>>)
      %dma_start3A_191 = arith.constant 0 : i32
      %dma_start3A_192 = tpu.memref_slice %arg8[%add3A_166, %dma_start3A_191] : memref<250x40xi32, #tpu.memory_space<vmem>> -> memref<1x40xi32, #tpu.memory_space<vmem>>
      %dma_start3A_193 = tpu.memref_squeeze %dma_start3A_192 : memref<1x40xi32, #tpu.memory_space<vmem>> -> memref<40xi32, #tpu.memory_space<vmem>>
      %dma_start3A_194 = arith.constant 0 : i32
      %dma_start3A_195 = arith.constant 0 : i32
      %dma_start3A_196 = tpu.memref_slice %arg9[%dma_start3A_194, %dma_start3A_195] : memref<10016x128xf32, #tpu.memory_space<vmem_shared>> -> memref<10016x128xf32, #tpu.memory_space<vmem_shared>>
      tpu.enqueue_indirect_dma source(%arg13 : memref<40x128xf32, #tpu.memory_space<vmem>>) target(%dma_start3A_196 : memref<10016x128xf32, #tpu.memory_space<vmem_shared>>) offsets(%dma_start3A_193 : memref<40xi32, #tpu.memory_space<vmem>>) semaphore(%arg23 : memref<!tpu.dma_semaphore, #tpu.memory_space<semaphore_mem>>) {add = true}
      %mul3A_197 = arith.constant 5 : i32
      %mul3A_198 = arith.muli %scan3A_65, %mul3A_197 : i32
      %add3A_199 = arith.constant 4 : i32
      %add3A_200 = arith.addi %mul3A_198, %add3A_199 : i32
      %add3A_201 = arith.constant 3 : i32
      %add3A_202 = arith.addi %add3A_200, %add3A_201 : i32
      %ge3A_203 = arith.constant 5 : i32
      %ge3A_204 = arith.cmpi sge, %add3A_202, %ge3A_203 : i32
      %lt3A_205 = arith.constant 250 : i32
      %lt3A_206 = arith.cmpi slt, %add3A_202, %lt3A_205 : i32
      %and3A_207 = arith.andi %ge3A_204, %lt3A_206 : i1
      %convert_element_type3A_208 = arith.extui %and3A_207 : i1 to i32
      %cond3A_209 = arith.constant 0 : i32
      %cond3A_210 = arith.cmpi ne, %convert_element_type3A_208, %cond3A_209 : i32
      scf.if %cond3A_210 {
        %sub3A = arith.constant 5 : i32
        %sub3A_231 = arith.subi %add3A_202, %sub3A : i32
        %dma_wait3A_232 = arith.constant 0 : i32
        %dma_wait3A_233 = tpu.memref_slice %arg8[%sub3A_231, %dma_wait3A_232] : memref<250x40xi32, #tpu.memory_space<vmem>> -> memref<1x40xi32, #tpu.memory_space<vmem>>
        %dma_wait3A_234 = tpu.memref_squeeze %dma_wait3A_233 : memref<1x40xi32, #tpu.memory_space<vmem>> -> memref<40xi32, #tpu.memory_space<vmem>>
        %dma_wait3A_235 = arith.constant 0 : i32
        %dma_wait3A_236 = arith.constant 0 : i32
        %dma_wait3A_237 = tpu.memref_slice %arg9[%dma_wait3A_235, %dma_wait3A_236] : memref<10016x128xf32, #tpu.memory_space<vmem_shared>> -> memref<10016x128xf32, #tpu.memory_space<vmem_shared>>
        tpu.wait_indirect_dma semaphore(%arg22 : memref<!tpu.dma_semaphore, #tpu.memory_space<semaphore_mem>>) src(%arg12 : memref<40x128xf32, #tpu.memory_space<vmem>>) dst(%dma_wait3A_237 : memref<10016x128xf32, #tpu.memory_space<vmem_shared>>)
        %dma_start3A_238 = arith.constant 0 : i32
        %dma_start3A_239 = tpu.memref_slice %arg7[%add3A_202, %dma_start3A_238] : memref<250x40xi32, #tpu.memory_space<vmem>> -> memref<1x40xi32, #tpu.memory_space<vmem>>
        %dma_start3A_240 = tpu.memref_squeeze %dma_start3A_239 : memref<1x40xi32, #tpu.memory_space<vmem>> -> memref<40xi32, #tpu.memory_space<vmem>>
        %dma_start3A_241 = arith.constant 0 : i32
        %dma_start3A_242 = arith.constant 0 : i32
        %dma_start3A_243 = tpu.memref_slice %arg2[%dma_start3A_241, %dma_start3A_242] : memref<10000x128xf32, #tpu.memory_space<hbm>> -> memref<10000x128xf32, #tpu.memory_space<hbm>>
        tpu.enqueue_indirect_dma source(%dma_start3A_243 : memref<10000x128xf32, #tpu.memory_space<hbm>>) target(%arg12 : memref<40x128xf32, #tpu.memory_space<vmem>>) offsets(%dma_start3A_240 : memref<40xi32, #tpu.memory_space<vmem>>) semaphore(%arg17 : memref<!tpu.dma_semaphore, #tpu.memory_space<semaphore_mem>>)
      } else {
      }
      %lt3A_211 = arith.constant 5 : i32
      %lt3A_212 = arith.cmpi slt, %add3A_202, %lt3A_211 : i32
      %lt3A_213 = arith.constant 250 : i32
      %lt3A_214 = arith.cmpi slt, %add3A_202, %lt3A_213 : i32
      %and3A_215 = arith.andi %lt3A_212, %lt3A_214 : i1
      %convert_element_type3A_216 = arith.extui %and3A_215 : i1 to i32
      %cond3A_217 = arith.constant 0 : i32
      %cond3A_218 = arith.cmpi ne, %convert_element_type3A_216, %cond3A_217 : i32
      scf.if %cond3A_218 {
        %dma_start3A_231 = arith.constant 0 : i32
        %dma_start3A_232 = tpu.memref_slice %arg7[%add3A_202, %dma_start3A_231] : memref<250x40xi32, #tpu.memory_space<vmem>> -> memref<1x40xi32, #tpu.memory_space<vmem>>
        %dma_start3A_233 = tpu.memref_squeeze %dma_start3A_232 : memref<1x40xi32, #tpu.memory_space<vmem>> -> memref<40xi32, #tpu.memory_space<vmem>>
        %dma_start3A_234 = arith.constant 0 : i32
        %dma_start3A_235 = arith.constant 0 : i32
        %dma_start3A_236 = tpu.memref_slice %arg2[%dma_start3A_234, %dma_start3A_235] : memref<10000x128xf32, #tpu.memory_space<hbm>> -> memref<10000x128xf32, #tpu.memory_space<hbm>>
        tpu.enqueue_indirect_dma source(%dma_start3A_236 : memref<10000x128xf32, #tpu.memory_space<hbm>>) target(%arg12 : memref<40x128xf32, #tpu.memory_space<vmem>>) offsets(%dma_start3A_233 : memref<40xi32, #tpu.memory_space<vmem>>) semaphore(%arg17 : memref<!tpu.dma_semaphore, #tpu.memory_space<semaphore_mem>>)
      } else {
      }
      %dma_wait3A_219 = arith.constant 0 : i32
      %dma_wait3A_220 = tpu.memref_slice %arg7[%add3A_200, %dma_wait3A_219] : memref<250x40xi32, #tpu.memory_space<vmem>> -> memref<1x40xi32, #tpu.memory_space<vmem>>
      %dma_wait3A_221 = tpu.memref_squeeze %dma_wait3A_220 : memref<1x40xi32, #tpu.memory_space<vmem>> -> memref<40xi32, #tpu.memory_space<vmem>>
      %dma_wait3A_222 = arith.constant 0 : i32
      %dma_wait3A_223 = arith.constant 0 : i32
      %dma_wait3A_224 = tpu.memref_slice %arg2[%dma_wait3A_222, %dma_wait3A_223] : memref<10000x128xf32, #tpu.memory_space<hbm>> -> memref<10000x128xf32, #tpu.memory_space<hbm>>
      tpu.wait_indirect_dma semaphore(%arg19 : memref<!tpu.dma_semaphore, #tpu.memory_space<semaphore_mem>>) src(%dma_wait3A_224 : memref<10000x128xf32, #tpu.memory_space<hbm>>) dst(%arg14 : memref<40x128xf32, #tpu.memory_space<vmem>>)
      %dma_start3A_225 = arith.constant 0 : i32
      %dma_start3A_226 = tpu.memref_slice %arg8[%add3A_200, %dma_start3A_225] : memref<250x40xi32, #tpu.memory_space<vmem>> -> memref<1x40xi32, #tpu.memory_space<vmem>>
      %dma_start3A_227 = tpu.memref_squeeze %dma_start3A_226 : memref<1x40xi32, #tpu.memory_space<vmem>> -> memref<40xi32, #tpu.memory_space<vmem>>
      %dma_start3A_228 = arith.constant 0 : i32
      %dma_start3A_229 = arith.constant 0 : i32
      %dma_start3A_230 = tpu.memref_slice %arg9[%dma_start3A_228, %dma_start3A_229] : memref<10016x128xf32, #tpu.memory_space<vmem_shared>> -> memref<10016x128xf32, #tpu.memory_space<vmem_shared>>
      tpu.enqueue_indirect_dma source(%arg14 : memref<40x128xf32, #tpu.memory_space<vmem>>) target(%dma_start3A_230 : memref<10016x128xf32, #tpu.memory_space<vmem_shared>>) offsets(%dma_start3A_227 : memref<40xi32, #tpu.memory_space<vmem>>) semaphore(%arg24 : memref<!tpu.dma_semaphore, #tpu.memory_space<semaphore_mem>>) {add = true}
    }
    %scan3A_29 = arith.constant 50 : i32
    %dma_wait3A = arith.constant 245 : i32
    %dma_wait3A_30 = arith.constant 0 : i32
    %dma_wait3A_31 = tpu.memref_slice %arg8[%dma_wait3A, %dma_wait3A_30] : memref<250x40xi32, #tpu.memory_space<vmem>> -> memref<1x40xi32, #tpu.memory_space<vmem>>
    %dma_wait3A_32 = tpu.memref_squeeze %dma_wait3A_31 : memref<1x40xi32, #tpu.memory_space<vmem>> -> memref<40xi32, #tpu.memory_space<vmem>>
    %dma_wait3A_33 = arith.constant 0 : i32
    %dma_wait3A_34 = arith.constant 0 : i32
    %dma_wait3A_35 = tpu.memref_slice %arg9[%dma_wait3A_33, %dma_wait3A_34] : memref<10016x128xf32, #tpu.memory_space<vmem_shared>> -> memref<10016x128xf32, #tpu.memory_space<vmem_shared>>
    tpu.wait_indirect_dma semaphore(%arg20 : memref<!tpu.dma_semaphore, #tpu.memory_space<semaphore_mem>>) src(%arg10 : memref<40x128xf32, #tpu.memory_space<vmem>>) dst(%dma_wait3A_35 : memref<10016x128xf32, #tpu.memory_space<vmem_shared>>)
    %dma_wait3A_36 = arith.constant 246 : i32
    %dma_wait3A_37 = arith.constant 0 : i32
    %dma_wait3A_38 = tpu.memref_slice %arg8[%dma_wait3A_36, %dma_wait3A_37] : memref<250x40xi32, #tpu.memory_space<vmem>> -> memref<1x40xi32, #tpu.memory_space<vmem>>
    %dma_wait3A_39 = tpu.memref_squeeze %dma_wait3A_38 : memref<1x40xi32, #tpu.memory_space<vmem>> -> memref<40xi32, #tpu.memory_space<vmem>>
    %dma_wait3A_40 = arith.constant 0 : i32
    %dma_wait3A_41 = arith.constant 0 : i32
    %dma_wait3A_42 = tpu.memref_slice %arg9[%dma_wait3A_40, %dma_wait3A_41] : memref<10016x128xf32, #tpu.memory_space<vmem_shared>> -> memref<10016x128xf32, #tpu.memory_space<vmem_shared>>
    tpu.wait_indirect_dma semaphore(%arg21 : memref<!tpu.dma_semaphore, #tpu.memory_space<semaphore_mem>>) src(%arg11 : memref<40x128xf32, #tpu.memory_space<vmem>>) dst(%dma_wait3A_42 : memref<10016x128xf32, #tpu.memory_space<vmem_shared>>)
    %dma_wait3A_43 = arith.constant 247 : i32
    %dma_wait3A_44 = arith.constant 0 : i32
    %dma_wait3A_45 = tpu.memref_slice %arg8[%dma_wait3A_43, %dma_wait3A_44] : memref<250x40xi32, #tpu.memory_space<vmem>> -> memref<1x40xi32, #tpu.memory_space<vmem>>
    %dma_wait3A_46 = tpu.memref_squeeze %dma_wait3A_45 : memref<1x40xi32, #tpu.memory_space<vmem>> -> memref<40xi32, #tpu.memory_space<vmem>>
    %dma_wait3A_47 = arith.constant 0 : i32
    %dma_wait3A_48 = arith.constant 0 : i32
    %dma_wait3A_49 = tpu.memref_slice %arg9[%dma_wait3A_47, %dma_wait3A_48] : memref<10016x128xf32, #tpu.memory_space<vmem_shared>> -> memref<10016x128xf32, #tpu.memory_space<vmem_shared>>
    tpu.wait_indirect_dma semaphore(%arg22 : memref<!tpu.dma_semaphore, #tpu.memory_space<semaphore_mem>>) src(%arg12 : memref<40x128xf32, #tpu.memory_space<vmem>>) dst(%dma_wait3A_49 : memref<10016x128xf32, #tpu.memory_space<vmem_shared>>)
    %dma_wait3A_50 = arith.constant 248 : i32
    %dma_wait3A_51 = arith.constant 0 : i32
    %dma_wait3A_52 = tpu.memref_slice %arg8[%dma_wait3A_50, %dma_wait3A_51] : memref<250x40xi32, #tpu.memory_space<vmem>> -> memref<1x40xi32, #tpu.memory_space<vmem>>
    %dma_wait3A_53 = tpu.memref_squeeze %dma_wait3A_52 : memref<1x40xi32, #tpu.memory_space<vmem>> -> memref<40xi32, #tpu.memory_space<vmem>>
    %dma_wait3A_54 = arith.constant 0 : i32
    %dma_wait3A_55 = arith.constant 0 : i32
    %dma_wait3A_56 = tpu.memref_slice %arg9[%dma_wait3A_54, %dma_wait3A_55] : memref<10016x128xf32, #tpu.memory_space<vmem_shared>> -> memref<10016x128xf32, #tpu.memory_space<vmem_shared>>
    tpu.wait_indirect_dma semaphore(%arg23 : memref<!tpu.dma_semaphore, #tpu.memory_space<semaphore_mem>>) src(%arg13 : memref<40x128xf32, #tpu.memory_space<vmem>>) dst(%dma_wait3A_56 : memref<10016x128xf32, #tpu.memory_space<vmem_shared>>)
    %dma_wait3A_57 = arith.constant 249 : i32
    %dma_wait3A_58 = arith.constant 0 : i32
    %dma_wait3A_59 = tpu.memref_slice %arg8[%dma_wait3A_57, %dma_wait3A_58] : memref<250x40xi32, #tpu.memory_space<vmem>> -> memref<1x40xi32, #tpu.memory_space<vmem>>
    %dma_wait3A_60 = tpu.memref_squeeze %dma_wait3A_59 : memref<1x40xi32, #tpu.memory_space<vmem>> -> memref<40xi32, #tpu.memory_space<vmem>>
    %dma_wait3A_61 = arith.constant 0 : i32
    %dma_wait3A_62 = arith.constant 0 : i32
    %dma_wait3A_63 = tpu.memref_slice %arg9[%dma_wait3A_61, %dma_wait3A_62] : memref<10016x128xf32, #tpu.memory_space<vmem_shared>> -> memref<10016x128xf32, #tpu.memory_space<vmem_shared>>
    tpu.wait_indirect_dma semaphore(%arg24 : memref<!tpu.dma_semaphore, #tpu.memory_space<semaphore_mem>>) src(%arg14 : memref<40x128xf32, #tpu.memory_space<vmem>>) dst(%dma_wait3A_63 : memref<10016x128xf32, #tpu.memory_space<vmem_shared>>)
    %barrier3A_64 = arith.constant 0 : index
    tpu.barrier barrier_id(%barrier3A_64)
    "tpu.region"() ({
      %run_scoped3A = tpu.sem_alloc : memref<!tpu.dma_semaphore, #tpu.memory_space<semaphore_mem>>
      %dma_start3A_65 = arith.constant 0 : i32
      %dma_start3A_66 = tpu.memref_slice %arg6[%arg0, %mul3A_2, %dma_start3A_65] : memref<2x10000x128xf32, #tpu.memory_space<hbm>> -> memref<1x625x128xf32, #tpu.memory_space<hbm>>
      %dma_start3A_67 = tpu.memref_squeeze %dma_start3A_66 : memref<1x625x128xf32, #tpu.memory_space<hbm>> -> memref<625x128xf32, #tpu.memory_space<hbm>>
      %dma_start3A_68 = arith.constant 0 : i32
      %dma_start3A_69 = tpu.memref_slice %arg9[%mul3A_2, %dma_start3A_68] : memref<10016x128xf32, #tpu.memory_space<vmem_shared>> -> memref<625x128xf32, #tpu.memory_space<vmem_shared>>
      tpu.enqueue_dma source(%dma_start3A_69 : memref<625x128xf32, #tpu.memory_space<vmem_shared>>) target(%dma_start3A_67 : memref<625x128xf32, #tpu.memory_space<hbm>>) target_semaphore(%run_scoped3A : memref<!tpu.dma_semaphore, #tpu.memory_space<semaphore_mem>>)
      %dma_wait3A_70 = arith.constant 0 : i32
      %dma_wait3A_71 = tpu.memref_slice %arg6[%arg0, %mul3A_2, %dma_wait3A_70] : memref<2x10000x128xf32, #tpu.memory_space<hbm>> -> memref<1x625x128xf32, #tpu.memory_space<hbm>>
      %dma_wait3A_72 = tpu.memref_squeeze %dma_wait3A_71 : memref<1x625x128xf32, #tpu.memory_space<hbm>> -> memref<625x128xf32, #tpu.memory_space<hbm>>
      %dma_wait3A_73 = arith.constant 0 : i32
      %dma_wait3A_74 = tpu.memref_slice %arg9[%mul3A_2, %dma_wait3A_73] : memref<10016x128xf32, #tpu.memory_space<vmem_shared>> -> memref<625x128xf32, #tpu.memory_space<vmem_shared>>
      tpu.wait_dma2 semaphore(%run_scoped3A : memref<!tpu.dma_semaphore, #tpu.memory_space<semaphore_mem>>) src(%dma_wait3A_74 : memref<625x128xf32, #tpu.memory_space<vmem_shared>>) dst(%dma_wait3A_72 : memref<625x128xf32, #tpu.memory_space<hbm>>)
      tpu.yield
    }) : () -> ()
    return
  }
}

#map = affine_map<(d0, d1) -> (0, 0, 0)>
#map1 = affine_map<(d0, d1) -> (0, 0)>
module attributes {stable_mosaic.version = 14 : i64} {
  func.func @body(%arg0: i32, %arg1: i32, %arg2: memref<32x250x40xi32, #tpu.memory_space<hbm>>, %arg3: memref<10016x16xf32, #tpu.memory_space<hbm>>, %arg4: memref<2x10000x16xf32, #tpu.memory_space<hbm>>, %arg5: memref<250x40xi32, #tpu.memory_space<vmem>>, %arg6: memref<40x16xf32, #tpu.memory_space<vmem>>, %arg7: memref<10016x16xf32, #tpu.memory_space<vmem_shared>>, %arg8: memref<!tpu.dma_semaphore, #tpu.memory_space<semaphore_mem>>) attributes {dimension_semantics = [#tpu.dimension_semantics<core_parallel>, #tpu.dimension_semantics<subcore_parallel>], iteration_bounds = array<i64: 2, 16>, scalar_prefetch = 0 : i64, scratch_operands = 4 : i64, tpu.core_type = #tpu.core_type<sc_vector_subcore>, window_params = [{transform_indices = #map}, {transform_indices = #map1}, {transform_indices = #map}]} {
    %mul3A = arith.constant 16 : i32
    %mul3A_0 = arith.muli %arg0, %mul3A : i32
    %add3A = arith.addi %mul3A_0, %arg1 : i32
    %mul3A_1 = arith.constant 625 : i32
    %mul3A_2 = arith.muli %arg1, %mul3A_1 : i32
    %mul3A_3 = arith.constant 626 : i32
    %mul3A_4 = arith.muli %arg1, %mul3A_3 : i32
    "tpu.region"() ({
      %run_scoped3A = tpu.sem_alloc : memref<!tpu.dma_semaphore, #tpu.memory_space<semaphore_mem>>
      %dma_start3A = arith.constant 0 : i32
      %dma_start3A_335 = tpu.memref_slice %arg7[%mul3A_4, %dma_start3A] : memref<10016x16xf32, #tpu.memory_space<vmem_shared>> -> memref<626x16xf32, #tpu.memory_space<vmem_shared>>
      %dma_start3A_336 = arith.constant 0 : i32
      %dma_start3A_337 = tpu.memref_slice %arg3[%mul3A_4, %dma_start3A_336] : memref<10016x16xf32, #tpu.memory_space<hbm>> -> memref<626x16xf32, #tpu.memory_space<hbm>>
      tpu.enqueue_dma source(%dma_start3A_337 : memref<626x16xf32, #tpu.memory_space<hbm>>) target(%dma_start3A_335 : memref<626x16xf32, #tpu.memory_space<vmem_shared>>) target_semaphore(%run_scoped3A : memref<!tpu.dma_semaphore, #tpu.memory_space<semaphore_mem>>)
      %dma_wait3A = arith.constant 0 : i32
      %dma_wait3A_338 = tpu.memref_slice %arg7[%mul3A_4, %dma_wait3A] : memref<10016x16xf32, #tpu.memory_space<vmem_shared>> -> memref<626x16xf32, #tpu.memory_space<vmem_shared>>
      %dma_wait3A_339 = arith.constant 0 : i32
      %dma_wait3A_340 = tpu.memref_slice %arg3[%mul3A_4, %dma_wait3A_339] : memref<10016x16xf32, #tpu.memory_space<hbm>> -> memref<626x16xf32, #tpu.memory_space<hbm>>
      tpu.wait_dma2 semaphore(%run_scoped3A : memref<!tpu.dma_semaphore, #tpu.memory_space<semaphore_mem>>) src(%dma_wait3A_340 : memref<626x16xf32, #tpu.memory_space<hbm>>) dst(%dma_wait3A_338 : memref<626x16xf32, #tpu.memory_space<vmem_shared>>)
      tpu.yield
    }) : () -> ()
    "tpu.region"() ({
      %run_scoped3A = tpu.sem_alloc : memref<!tpu.dma_semaphore, #tpu.memory_space<semaphore_mem>>
      %dma_start3A = arith.constant 0 : i32
      %dma_start3A_335 = arith.constant 0 : i32
      %dma_start3A_336 = tpu.memref_slice %arg2[%add3A, %dma_start3A, %dma_start3A_335] : memref<32x250x40xi32, #tpu.memory_space<hbm>> -> memref<1x250x40xi32, #tpu.memory_space<hbm>>
      %dma_start3A_337 = tpu.memref_squeeze %dma_start3A_336 : memref<1x250x40xi32, #tpu.memory_space<hbm>> -> memref<250x40xi32, #tpu.memory_space<hbm>>
      %dma_start3A_338 = arith.constant 0 : i32
      %dma_start3A_339 = arith.constant 0 : i32
      %dma_start3A_340 = tpu.memref_slice %arg2[%add3A, %dma_start3A_338, %dma_start3A_339] : memref<32x250x40xi32, #tpu.memory_space<hbm>> -> memref<1x250x40xi32, #tpu.memory_space<hbm>>
      %dma_start3A_341 = tpu.memref_squeeze %dma_start3A_340 : memref<1x250x40xi32, #tpu.memory_space<hbm>> -> memref<250x40xi32, #tpu.memory_space<hbm>>
      tpu.enqueue_dma source(%dma_start3A_341 : memref<250x40xi32, #tpu.memory_space<hbm>>) target(%arg5 : memref<250x40xi32, #tpu.memory_space<vmem>>) target_semaphore(%run_scoped3A : memref<!tpu.dma_semaphore, #tpu.memory_space<semaphore_mem>>)
      %dma_wait3A = arith.constant 0 : i32
      %dma_wait3A_342 = arith.constant 0 : i32
      %dma_wait3A_343 = tpu.memref_slice %arg2[%add3A, %dma_wait3A, %dma_wait3A_342] : memref<32x250x40xi32, #tpu.memory_space<hbm>> -> memref<1x250x40xi32, #tpu.memory_space<hbm>>
      %dma_wait3A_344 = tpu.memref_squeeze %dma_wait3A_343 : memref<1x250x40xi32, #tpu.memory_space<hbm>> -> memref<250x40xi32, #tpu.memory_space<hbm>>
      %dma_wait3A_345 = arith.constant 0 : i32
      %dma_wait3A_346 = arith.constant 0 : i32
      %dma_wait3A_347 = tpu.memref_slice %arg2[%add3A, %dma_wait3A_345, %dma_wait3A_346] : memref<32x250x40xi32, #tpu.memory_space<hbm>> -> memref<1x250x40xi32, #tpu.memory_space<hbm>>
      %dma_wait3A_348 = tpu.memref_squeeze %dma_wait3A_347 : memref<1x250x40xi32, #tpu.memory_space<hbm>> -> memref<250x40xi32, #tpu.memory_space<hbm>>
      tpu.wait_dma2 semaphore(%run_scoped3A : memref<!tpu.dma_semaphore, #tpu.memory_space<semaphore_mem>>) src(%dma_wait3A_348 : memref<250x40xi32, #tpu.memory_space<hbm>>) dst(%arg5 : memref<250x40xi32, #tpu.memory_space<vmem>>)
      tpu.yield
    }) : () -> ()
    %broadcast_in_dim3A = arith.constant 1.000000e+00 : f32
    %broadcast_in_dim3A_5 = vector.broadcast %broadcast_in_dim3A : f32 to vector<16xf32>
    %swap3A = arith.constant 0 : i32
    %swap3A_6 = arith.index_cast %swap3A : i32 to index
    %swap3A_7 = arith.constant 0 : index
    %swap3A_8 = tpu.vector_load %arg6[%swap3A_6, %swap3A_7] {strides = array<i32>} : memref<40x16xf32, #tpu.memory_space<vmem>>, vector<1x16xf32>,
    %swap3A_9 = vector.shape_cast %swap3A_8 : vector<1x16xf32> to vector<16xf32>
    %swap3A_10 = vector.shape_cast %broadcast_in_dim3A_5 : vector<16xf32> to vector<1x16xf32>
    tpu.vector_store %arg6[%swap3A_6, %swap3A_7], %swap3A_10 {strides = array<i32>} : memref<40x16xf32, #tpu.memory_space<vmem>>, vector<1x16xf32>,
    %broadcast_in_dim3A_11 = arith.constant 1.000000e+00 : f32
    %broadcast_in_dim3A_12 = vector.broadcast %broadcast_in_dim3A_11 : f32 to vector<16xf32>
    %swap3A_13 = arith.constant 1 : i32
    %swap3A_14 = arith.index_cast %swap3A_13 : i32 to index
    %swap3A_15 = arith.constant 0 : index
    %swap3A_16 = tpu.vector_load %arg6[%swap3A_14, %swap3A_15] {strides = array<i32>} : memref<40x16xf32, #tpu.memory_space<vmem>>, vector<1x16xf32>,
    %swap3A_17 = vector.shape_cast %swap3A_16 : vector<1x16xf32> to vector<16xf32>
    %swap3A_18 = vector.shape_cast %broadcast_in_dim3A_12 : vector<16xf32> to vector<1x16xf32>
    tpu.vector_store %arg6[%swap3A_14, %swap3A_15], %swap3A_18 {strides = array<i32>} : memref<40x16xf32, #tpu.memory_space<vmem>>, vector<1x16xf32>,
    %broadcast_in_dim3A_19 = arith.constant 1.000000e+00 : f32
    %broadcast_in_dim3A_20 = vector.broadcast %broadcast_in_dim3A_19 : f32 to vector<16xf32>
    %swap3A_21 = arith.constant 2 : i32
    %swap3A_22 = arith.index_cast %swap3A_21 : i32 to index
    %swap3A_23 = arith.constant 0 : index
    %swap3A_24 = tpu.vector_load %arg6[%swap3A_22, %swap3A_23] {strides = array<i32>} : memref<40x16xf32, #tpu.memory_space<vmem>>, vector<1x16xf32>,
    %swap3A_25 = vector.shape_cast %swap3A_24 : vector<1x16xf32> to vector<16xf32>
    %swap3A_26 = vector.shape_cast %broadcast_in_dim3A_20 : vector<16xf32> to vector<1x16xf32>
    tpu.vector_store %arg6[%swap3A_22, %swap3A_23], %swap3A_26 {strides = array<i32>} : memref<40x16xf32, #tpu.memory_space<vmem>>, vector<1x16xf32>,
    %broadcast_in_dim3A_27 = arith.constant 1.000000e+00 : f32
    %broadcast_in_dim3A_28 = vector.broadcast %broadcast_in_dim3A_27 : f32 to vector<16xf32>
    %swap3A_29 = arith.constant 3 : i32
    %swap3A_30 = arith.index_cast %swap3A_29 : i32 to index
    %swap3A_31 = arith.constant 0 : index
    %swap3A_32 = tpu.vector_load %arg6[%swap3A_30, %swap3A_31] {strides = array<i32>} : memref<40x16xf32, #tpu.memory_space<vmem>>, vector<1x16xf32>,
    %swap3A_33 = vector.shape_cast %swap3A_32 : vector<1x16xf32> to vector<16xf32>
    %swap3A_34 = vector.shape_cast %broadcast_in_dim3A_28 : vector<16xf32> to vector<1x16xf32>
    tpu.vector_store %arg6[%swap3A_30, %swap3A_31], %swap3A_34 {strides = array<i32>} : memref<40x16xf32, #tpu.memory_space<vmem>>, vector<1x16xf32>,
    %broadcast_in_dim3A_35 = arith.constant 1.000000e+00 : f32
    %broadcast_in_dim3A_36 = vector.broadcast %broadcast_in_dim3A_35 : f32 to vector<16xf32>
    %swap3A_37 = arith.constant 4 : i32
    %swap3A_38 = arith.index_cast %swap3A_37 : i32 to index
    %swap3A_39 = arith.constant 0 : index
    %swap3A_40 = tpu.vector_load %arg6[%swap3A_38, %swap3A_39] {strides = array<i32>} : memref<40x16xf32, #tpu.memory_space<vmem>>, vector<1x16xf32>,
    %swap3A_41 = vector.shape_cast %swap3A_40 : vector<1x16xf32> to vector<16xf32>
    %swap3A_42 = vector.shape_cast %broadcast_in_dim3A_36 : vector<16xf32> to vector<1x16xf32>
    tpu.vector_store %arg6[%swap3A_38, %swap3A_39], %swap3A_42 {strides = array<i32>} : memref<40x16xf32, #tpu.memory_space<vmem>>, vector<1x16xf32>,
    %broadcast_in_dim3A_43 = arith.constant 1.000000e+00 : f32
    %broadcast_in_dim3A_44 = vector.broadcast %broadcast_in_dim3A_43 : f32 to vector<16xf32>
    %swap3A_45 = arith.constant 5 : i32
    %swap3A_46 = arith.index_cast %swap3A_45 : i32 to index
    %swap3A_47 = arith.constant 0 : index
    %swap3A_48 = tpu.vector_load %arg6[%swap3A_46, %swap3A_47] {strides = array<i32>} : memref<40x16xf32, #tpu.memory_space<vmem>>, vector<1x16xf32>,
    %swap3A_49 = vector.shape_cast %swap3A_48 : vector<1x16xf32> to vector<16xf32>
    %swap3A_50 = vector.shape_cast %broadcast_in_dim3A_44 : vector<16xf32> to vector<1x16xf32>
    tpu.vector_store %arg6[%swap3A_46, %swap3A_47], %swap3A_50 {strides = array<i32>} : memref<40x16xf32, #tpu.memory_space<vmem>>, vector<1x16xf32>,
    %broadcast_in_dim3A_51 = arith.constant 1.000000e+00 : f32
    %broadcast_in_dim3A_52 = vector.broadcast %broadcast_in_dim3A_51 : f32 to vector<16xf32>
    %swap3A_53 = arith.constant 6 : i32
    %swap3A_54 = arith.index_cast %swap3A_53 : i32 to index
    %swap3A_55 = arith.constant 0 : index
    %swap3A_56 = tpu.vector_load %arg6[%swap3A_54, %swap3A_55] {strides = array<i32>} : memref<40x16xf32, #tpu.memory_space<vmem>>, vector<1x16xf32>,
    %swap3A_57 = vector.shape_cast %swap3A_56 : vector<1x16xf32> to vector<16xf32>
    %swap3A_58 = vector.shape_cast %broadcast_in_dim3A_52 : vector<16xf32> to vector<1x16xf32>
    tpu.vector_store %arg6[%swap3A_54, %swap3A_55], %swap3A_58 {strides = array<i32>} : memref<40x16xf32, #tpu.memory_space<vmem>>, vector<1x16xf32>,
    %broadcast_in_dim3A_59 = arith.constant 1.000000e+00 : f32
    %broadcast_in_dim3A_60 = vector.broadcast %broadcast_in_dim3A_59 : f32 to vector<16xf32>
    %swap3A_61 = arith.constant 7 : i32
    %swap3A_62 = arith.index_cast %swap3A_61 : i32 to index
    %swap3A_63 = arith.constant 0 : index
    %swap3A_64 = tpu.vector_load %arg6[%swap3A_62, %swap3A_63] {strides = array<i32>} : memref<40x16xf32, #tpu.memory_space<vmem>>, vector<1x16xf32>,
    %swap3A_65 = vector.shape_cast %swap3A_64 : vector<1x16xf32> to vector<16xf32>
    %swap3A_66 = vector.shape_cast %broadcast_in_dim3A_60 : vector<16xf32> to vector<1x16xf32>
    tpu.vector_store %arg6[%swap3A_62, %swap3A_63], %swap3A_66 {strides = array<i32>} : memref<40x16xf32, #tpu.memory_space<vmem>>, vector<1x16xf32>,
    %broadcast_in_dim3A_67 = arith.constant 1.000000e+00 : f32
    %broadcast_in_dim3A_68 = vector.broadcast %broadcast_in_dim3A_67 : f32 to vector<16xf32>
    %swap3A_69 = arith.constant 8 : i32
    %swap3A_70 = arith.index_cast %swap3A_69 : i32 to index
    %swap3A_71 = arith.constant 0 : index
    %swap3A_72 = tpu.vector_load %arg6[%swap3A_70, %swap3A_71] {strides = array<i32>} : memref<40x16xf32, #tpu.memory_space<vmem>>, vector<1x16xf32>,
    %swap3A_73 = vector.shape_cast %swap3A_72 : vector<1x16xf32> to vector<16xf32>
    %swap3A_74 = vector.shape_cast %broadcast_in_dim3A_68 : vector<16xf32> to vector<1x16xf32>
    tpu.vector_store %arg6[%swap3A_70, %swap3A_71], %swap3A_74 {strides = array<i32>} : memref<40x16xf32, #tpu.memory_space<vmem>>, vector<1x16xf32>,
    %broadcast_in_dim3A_75 = arith.constant 1.000000e+00 : f32
    %broadcast_in_dim3A_76 = vector.broadcast %broadcast_in_dim3A_75 : f32 to vector<16xf32>
    %swap3A_77 = arith.constant 9 : i32
    %swap3A_78 = arith.index_cast %swap3A_77 : i32 to index
    %swap3A_79 = arith.constant 0 : index
    %swap3A_80 = tpu.vector_load %arg6[%swap3A_78, %swap3A_79] {strides = array<i32>} : memref<40x16xf32, #tpu.memory_space<vmem>>, vector<1x16xf32>,
    %swap3A_81 = vector.shape_cast %swap3A_80 : vector<1x16xf32> to vector<16xf32>
    %swap3A_82 = vector.shape_cast %broadcast_in_dim3A_76 : vector<16xf32> to vector<1x16xf32>
    tpu.vector_store %arg6[%swap3A_78, %swap3A_79], %swap3A_82 {strides = array<i32>} : memref<40x16xf32, #tpu.memory_space<vmem>>, vector<1x16xf32>,
    %broadcast_in_dim3A_83 = arith.constant 1.000000e+00 : f32
    %broadcast_in_dim3A_84 = vector.broadcast %broadcast_in_dim3A_83 : f32 to vector<16xf32>
    %swap3A_85 = arith.constant 10 : i32
    %swap3A_86 = arith.index_cast %swap3A_85 : i32 to index
    %swap3A_87 = arith.constant 0 : index
    %swap3A_88 = tpu.vector_load %arg6[%swap3A_86, %swap3A_87] {strides = array<i32>} : memref<40x16xf32, #tpu.memory_space<vmem>>, vector<1x16xf32>,
    %swap3A_89 = vector.shape_cast %swap3A_88 : vector<1x16xf32> to vector<16xf32>
    %swap3A_90 = vector.shape_cast %broadcast_in_dim3A_84 : vector<16xf32> to vector<1x16xf32>
    tpu.vector_store %arg6[%swap3A_86, %swap3A_87], %swap3A_90 {strides = array<i32>} : memref<40x16xf32, #tpu.memory_space<vmem>>, vector<1x16xf32>,
    %broadcast_in_dim3A_91 = arith.constant 1.000000e+00 : f32
    %broadcast_in_dim3A_92 = vector.broadcast %broadcast_in_dim3A_91 : f32 to vector<16xf32>
    %swap3A_93 = arith.constant 11 : i32
    %swap3A_94 = arith.index_cast %swap3A_93 : i32 to index
    %swap3A_95 = arith.constant 0 : index
    %swap3A_96 = tpu.vector_load %arg6[%swap3A_94, %swap3A_95] {strides = array<i32>} : memref<40x16xf32, #tpu.memory_space<vmem>>, vector<1x16xf32>,
    %swap3A_97 = vector.shape_cast %swap3A_96 : vector<1x16xf32> to vector<16xf32>
    %swap3A_98 = vector.shape_cast %broadcast_in_dim3A_92 : vector<16xf32> to vector<1x16xf32>
    tpu.vector_store %arg6[%swap3A_94, %swap3A_95], %swap3A_98 {strides = array<i32>} : memref<40x16xf32, #tpu.memory_space<vmem>>, vector<1x16xf32>,
    %broadcast_in_dim3A_99 = arith.constant 1.000000e+00 : f32
    %broadcast_in_dim3A_100 = vector.broadcast %broadcast_in_dim3A_99 : f32 to vector<16xf32>
    %swap3A_101 = arith.constant 12 : i32
    %swap3A_102 = arith.index_cast %swap3A_101 : i32 to index
    %swap3A_103 = arith.constant 0 : index
    %swap3A_104 = tpu.vector_load %arg6[%swap3A_102, %swap3A_103] {strides = array<i32>} : memref<40x16xf32, #tpu.memory_space<vmem>>, vector<1x16xf32>,
    %swap3A_105 = vector.shape_cast %swap3A_104 : vector<1x16xf32> to vector<16xf32>
    %swap3A_106 = vector.shape_cast %broadcast_in_dim3A_100 : vector<16xf32> to vector<1x16xf32>
    tpu.vector_store %arg6[%swap3A_102, %swap3A_103], %swap3A_106 {strides = array<i32>} : memref<40x16xf32, #tpu.memory_space<vmem>>, vector<1x16xf32>,
    %broadcast_in_dim3A_107 = arith.constant 1.000000e+00 : f32
    %broadcast_in_dim3A_108 = vector.broadcast %broadcast_in_dim3A_107 : f32 to vector<16xf32>
    %swap3A_109 = arith.constant 13 : i32
    %swap3A_110 = arith.index_cast %swap3A_109 : i32 to index
    %swap3A_111 = arith.constant 0 : index
    %swap3A_112 = tpu.vector_load %arg6[%swap3A_110, %swap3A_111] {strides = array<i32>} : memref<40x16xf32, #tpu.memory_space<vmem>>, vector<1x16xf32>,
    %swap3A_113 = vector.shape_cast %swap3A_112 : vector<1x16xf32> to vector<16xf32>
    %swap3A_114 = vector.shape_cast %broadcast_in_dim3A_108 : vector<16xf32> to vector<1x16xf32>
    tpu.vector_store %arg6[%swap3A_110, %swap3A_111], %swap3A_114 {strides = array<i32>} : memref<40x16xf32, #tpu.memory_space<vmem>>, vector<1x16xf32>,
    %broadcast_in_dim3A_115 = arith.constant 1.000000e+00 : f32
    %broadcast_in_dim3A_116 = vector.broadcast %broadcast_in_dim3A_115 : f32 to vector<16xf32>
    %swap3A_117 = arith.constant 14 : i32
    %swap3A_118 = arith.index_cast %swap3A_117 : i32 to index
    %swap3A_119 = arith.constant 0 : index
    %swap3A_120 = tpu.vector_load %arg6[%swap3A_118, %swap3A_119] {strides = array<i32>} : memref<40x16xf32, #tpu.memory_space<vmem>>, vector<1x16xf32>,
    %swap3A_121 = vector.shape_cast %swap3A_120 : vector<1x16xf32> to vector<16xf32>
    %swap3A_122 = vector.shape_cast %broadcast_in_dim3A_116 : vector<16xf32> to vector<1x16xf32>
    tpu.vector_store %arg6[%swap3A_118, %swap3A_119], %swap3A_122 {strides = array<i32>} : memref<40x16xf32, #tpu.memory_space<vmem>>, vector<1x16xf32>,
    %broadcast_in_dim3A_123 = arith.constant 1.000000e+00 : f32
    %broadcast_in_dim3A_124 = vector.broadcast %broadcast_in_dim3A_123 : f32 to vector<16xf32>
    %swap3A_125 = arith.constant 15 : i32
    %swap3A_126 = arith.index_cast %swap3A_125 : i32 to index
    %swap3A_127 = arith.constant 0 : index
    %swap3A_128 = tpu.vector_load %arg6[%swap3A_126, %swap3A_127] {strides = array<i32>} : memref<40x16xf32, #tpu.memory_space<vmem>>, vector<1x16xf32>,
    %swap3A_129 = vector.shape_cast %swap3A_128 : vector<1x16xf32> to vector<16xf32>
    %swap3A_130 = vector.shape_cast %broadcast_in_dim3A_124 : vector<16xf32> to vector<1x16xf32>
    tpu.vector_store %arg6[%swap3A_126, %swap3A_127], %swap3A_130 {strides = array<i32>} : memref<40x16xf32, #tpu.memory_space<vmem>>, vector<1x16xf32>,
    %broadcast_in_dim3A_131 = arith.constant 1.000000e+00 : f32
    %broadcast_in_dim3A_132 = vector.broadcast %broadcast_in_dim3A_131 : f32 to vector<16xf32>
    %swap3A_133 = arith.constant 16 : i32
    %swap3A_134 = arith.index_cast %swap3A_133 : i32 to index
    %swap3A_135 = arith.constant 0 : index
    %swap3A_136 = tpu.vector_load %arg6[%swap3A_134, %swap3A_135] {strides = array<i32>} : memref<40x16xf32, #tpu.memory_space<vmem>>, vector<1x16xf32>,
    %swap3A_137 = vector.shape_cast %swap3A_136 : vector<1x16xf32> to vector<16xf32>
    %swap3A_138 = vector.shape_cast %broadcast_in_dim3A_132 : vector<16xf32> to vector<1x16xf32>
    tpu.vector_store %arg6[%swap3A_134, %swap3A_135], %swap3A_138 {strides = array<i32>} : memref<40x16xf32, #tpu.memory_space<vmem>>, vector<1x16xf32>,
    %broadcast_in_dim3A_139 = arith.constant 1.000000e+00 : f32
    %broadcast_in_dim3A_140 = vector.broadcast %broadcast_in_dim3A_139 : f32 to vector<16xf32>
    %swap3A_141 = arith.constant 17 : i32
    %swap3A_142 = arith.index_cast %swap3A_141 : i32 to index
    %swap3A_143 = arith.constant 0 : index
    %swap3A_144 = tpu.vector_load %arg6[%swap3A_142, %swap3A_143] {strides = array<i32>} : memref<40x16xf32, #tpu.memory_space<vmem>>, vector<1x16xf32>,
    %swap3A_145 = vector.shape_cast %swap3A_144 : vector<1x16xf32> to vector<16xf32>
    %swap3A_146 = vector.shape_cast %broadcast_in_dim3A_140 : vector<16xf32> to vector<1x16xf32>
    tpu.vector_store %arg6[%swap3A_142, %swap3A_143], %swap3A_146 {strides = array<i32>} : memref<40x16xf32, #tpu.memory_space<vmem>>, vector<1x16xf32>,
    %broadcast_in_dim3A_147 = arith.constant 1.000000e+00 : f32
    %broadcast_in_dim3A_148 = vector.broadcast %broadcast_in_dim3A_147 : f32 to vector<16xf32>
    %swap3A_149 = arith.constant 18 : i32
    %swap3A_150 = arith.index_cast %swap3A_149 : i32 to index
    %swap3A_151 = arith.constant 0 : index
    %swap3A_152 = tpu.vector_load %arg6[%swap3A_150, %swap3A_151] {strides = array<i32>} : memref<40x16xf32, #tpu.memory_space<vmem>>, vector<1x16xf32>,
    %swap3A_153 = vector.shape_cast %swap3A_152 : vector<1x16xf32> to vector<16xf32>
    %swap3A_154 = vector.shape_cast %broadcast_in_dim3A_148 : vector<16xf32> to vector<1x16xf32>
    tpu.vector_store %arg6[%swap3A_150, %swap3A_151], %swap3A_154 {strides = array<i32>} : memref<40x16xf32, #tpu.memory_space<vmem>>, vector<1x16xf32>,
    %broadcast_in_dim3A_155 = arith.constant 1.000000e+00 : f32
    %broadcast_in_dim3A_156 = vector.broadcast %broadcast_in_dim3A_155 : f32 to vector<16xf32>
    %swap3A_157 = arith.constant 19 : i32
    %swap3A_158 = arith.index_cast %swap3A_157 : i32 to index
    %swap3A_159 = arith.constant 0 : index
    %swap3A_160 = tpu.vector_load %arg6[%swap3A_158, %swap3A_159] {strides = array<i32>} : memref<40x16xf32, #tpu.memory_space<vmem>>, vector<1x16xf32>,
    %swap3A_161 = vector.shape_cast %swap3A_160 : vector<1x16xf32> to vector<16xf32>
    %swap3A_162 = vector.shape_cast %broadcast_in_dim3A_156 : vector<16xf32> to vector<1x16xf32>
    tpu.vector_store %arg6[%swap3A_158, %swap3A_159], %swap3A_162 {strides = array<i32>} : memref<40x16xf32, #tpu.memory_space<vmem>>, vector<1x16xf32>,
    %broadcast_in_dim3A_163 = arith.constant 1.000000e+00 : f32
    %broadcast_in_dim3A_164 = vector.broadcast %broadcast_in_dim3A_163 : f32 to vector<16xf32>
    %swap3A_165 = arith.constant 20 : i32
    %swap3A_166 = arith.index_cast %swap3A_165 : i32 to index
    %swap3A_167 = arith.constant 0 : index
    %swap3A_168 = tpu.vector_load %arg6[%swap3A_166, %swap3A_167] {strides = array<i32>} : memref<40x16xf32, #tpu.memory_space<vmem>>, vector<1x16xf32>,
    %swap3A_169 = vector.shape_cast %swap3A_168 : vector<1x16xf32> to vector<16xf32>
    %swap3A_170 = vector.shape_cast %broadcast_in_dim3A_164 : vector<16xf32> to vector<1x16xf32>
    tpu.vector_store %arg6[%swap3A_166, %swap3A_167], %swap3A_170 {strides = array<i32>} : memref<40x16xf32, #tpu.memory_space<vmem>>, vector<1x16xf32>,
    %broadcast_in_dim3A_171 = arith.constant 1.000000e+00 : f32
    %broadcast_in_dim3A_172 = vector.broadcast %broadcast_in_dim3A_171 : f32 to vector<16xf32>
    %swap3A_173 = arith.constant 21 : i32
    %swap3A_174 = arith.index_cast %swap3A_173 : i32 to index
    %swap3A_175 = arith.constant 0 : index
    %swap3A_176 = tpu.vector_load %arg6[%swap3A_174, %swap3A_175] {strides = array<i32>} : memref<40x16xf32, #tpu.memory_space<vmem>>, vector<1x16xf32>,
    %swap3A_177 = vector.shape_cast %swap3A_176 : vector<1x16xf32> to vector<16xf32>
    %swap3A_178 = vector.shape_cast %broadcast_in_dim3A_172 : vector<16xf32> to vector<1x16xf32>
    tpu.vector_store %arg6[%swap3A_174, %swap3A_175], %swap3A_178 {strides = array<i32>} : memref<40x16xf32, #tpu.memory_space<vmem>>, vector<1x16xf32>,
    %broadcast_in_dim3A_179 = arith.constant 1.000000e+00 : f32
    %broadcast_in_dim3A_180 = vector.broadcast %broadcast_in_dim3A_179 : f32 to vector<16xf32>
    %swap3A_181 = arith.constant 22 : i32
    %swap3A_182 = arith.index_cast %swap3A_181 : i32 to index
    %swap3A_183 = arith.constant 0 : index
    %swap3A_184 = tpu.vector_load %arg6[%swap3A_182, %swap3A_183] {strides = array<i32>} : memref<40x16xf32, #tpu.memory_space<vmem>>, vector<1x16xf32>,
    %swap3A_185 = vector.shape_cast %swap3A_184 : vector<1x16xf32> to vector<16xf32>
    %swap3A_186 = vector.shape_cast %broadcast_in_dim3A_180 : vector<16xf32> to vector<1x16xf32>
    tpu.vector_store %arg6[%swap3A_182, %swap3A_183], %swap3A_186 {strides = array<i32>} : memref<40x16xf32, #tpu.memory_space<vmem>>, vector<1x16xf32>,
    %broadcast_in_dim3A_187 = arith.constant 1.000000e+00 : f32
    %broadcast_in_dim3A_188 = vector.broadcast %broadcast_in_dim3A_187 : f32 to vector<16xf32>
    %swap3A_189 = arith.constant 23 : i32
    %swap3A_190 = arith.index_cast %swap3A_189 : i32 to index
    %swap3A_191 = arith.constant 0 : index
    %swap3A_192 = tpu.vector_load %arg6[%swap3A_190, %swap3A_191] {strides = array<i32>} : memref<40x16xf32, #tpu.memory_space<vmem>>, vector<1x16xf32>,
    %swap3A_193 = vector.shape_cast %swap3A_192 : vector<1x16xf32> to vector<16xf32>
    %swap3A_194 = vector.shape_cast %broadcast_in_dim3A_188 : vector<16xf32> to vector<1x16xf32>
    tpu.vector_store %arg6[%swap3A_190, %swap3A_191], %swap3A_194 {strides = array<i32>} : memref<40x16xf32, #tpu.memory_space<vmem>>, vector<1x16xf32>,
    %broadcast_in_dim3A_195 = arith.constant 1.000000e+00 : f32
    %broadcast_in_dim3A_196 = vector.broadcast %broadcast_in_dim3A_195 : f32 to vector<16xf32>
    %swap3A_197 = arith.constant 24 : i32
    %swap3A_198 = arith.index_cast %swap3A_197 : i32 to index
    %swap3A_199 = arith.constant 0 : index
    %swap3A_200 = tpu.vector_load %arg6[%swap3A_198, %swap3A_199] {strides = array<i32>} : memref<40x16xf32, #tpu.memory_space<vmem>>, vector<1x16xf32>,
    %swap3A_201 = vector.shape_cast %swap3A_200 : vector<1x16xf32> to vector<16xf32>
    %swap3A_202 = vector.shape_cast %broadcast_in_dim3A_196 : vector<16xf32> to vector<1x16xf32>
    tpu.vector_store %arg6[%swap3A_198, %swap3A_199], %swap3A_202 {strides = array<i32>} : memref<40x16xf32, #tpu.memory_space<vmem>>, vector<1x16xf32>,
    %broadcast_in_dim3A_203 = arith.constant 1.000000e+00 : f32
    %broadcast_in_dim3A_204 = vector.broadcast %broadcast_in_dim3A_203 : f32 to vector<16xf32>
    %swap3A_205 = arith.constant 25 : i32
    %swap3A_206 = arith.index_cast %swap3A_205 : i32 to index
    %swap3A_207 = arith.constant 0 : index
    %swap3A_208 = tpu.vector_load %arg6[%swap3A_206, %swap3A_207] {strides = array<i32>} : memref<40x16xf32, #tpu.memory_space<vmem>>, vector<1x16xf32>,
    %swap3A_209 = vector.shape_cast %swap3A_208 : vector<1x16xf32> to vector<16xf32>
    %swap3A_210 = vector.shape_cast %broadcast_in_dim3A_204 : vector<16xf32> to vector<1x16xf32>
    tpu.vector_store %arg6[%swap3A_206, %swap3A_207], %swap3A_210 {strides = array<i32>} : memref<40x16xf32, #tpu.memory_space<vmem>>, vector<1x16xf32>,
    %broadcast_in_dim3A_211 = arith.constant 1.000000e+00 : f32
    %broadcast_in_dim3A_212 = vector.broadcast %broadcast_in_dim3A_211 : f32 to vector<16xf32>
    %swap3A_213 = arith.constant 26 : i32
    %swap3A_214 = arith.index_cast %swap3A_213 : i32 to index
    %swap3A_215 = arith.constant 0 : index
    %swap3A_216 = tpu.vector_load %arg6[%swap3A_214, %swap3A_215] {strides = array<i32>} : memref<40x16xf32, #tpu.memory_space<vmem>>, vector<1x16xf32>,
    %swap3A_217 = vector.shape_cast %swap3A_216 : vector<1x16xf32> to vector<16xf32>
    %swap3A_218 = vector.shape_cast %broadcast_in_dim3A_212 : vector<16xf32> to vector<1x16xf32>
    tpu.vector_store %arg6[%swap3A_214, %swap3A_215], %swap3A_218 {strides = array<i32>} : memref<40x16xf32, #tpu.memory_space<vmem>>, vector<1x16xf32>,
    %broadcast_in_dim3A_219 = arith.constant 1.000000e+00 : f32
    %broadcast_in_dim3A_220 = vector.broadcast %broadcast_in_dim3A_219 : f32 to vector<16xf32>
    %swap3A_221 = arith.constant 27 : i32
    %swap3A_222 = arith.index_cast %swap3A_221 : i32 to index
    %swap3A_223 = arith.constant 0 : index
    %swap3A_224 = tpu.vector_load %arg6[%swap3A_222, %swap3A_223] {strides = array<i32>} : memref<40x16xf32, #tpu.memory_space<vmem>>, vector<1x16xf32>,
    %swap3A_225 = vector.shape_cast %swap3A_224 : vector<1x16xf32> to vector<16xf32>
    %swap3A_226 = vector.shape_cast %broadcast_in_dim3A_220 : vector<16xf32> to vector<1x16xf32>
    tpu.vector_store %arg6[%swap3A_222, %swap3A_223], %swap3A_226 {strides = array<i32>} : memref<40x16xf32, #tpu.memory_space<vmem>>, vector<1x16xf32>,
    %broadcast_in_dim3A_227 = arith.constant 1.000000e+00 : f32
    %broadcast_in_dim3A_228 = vector.broadcast %broadcast_in_dim3A_227 : f32 to vector<16xf32>
    %swap3A_229 = arith.constant 28 : i32
    %swap3A_230 = arith.index_cast %swap3A_229 : i32 to index
    %swap3A_231 = arith.constant 0 : index
    %swap3A_232 = tpu.vector_load %arg6[%swap3A_230, %swap3A_231] {strides = array<i32>} : memref<40x16xf32, #tpu.memory_space<vmem>>, vector<1x16xf32>,
    %swap3A_233 = vector.shape_cast %swap3A_232 : vector<1x16xf32> to vector<16xf32>
    %swap3A_234 = vector.shape_cast %broadcast_in_dim3A_228 : vector<16xf32> to vector<1x16xf32>
    tpu.vector_store %arg6[%swap3A_230, %swap3A_231], %swap3A_234 {strides = array<i32>} : memref<40x16xf32, #tpu.memory_space<vmem>>, vector<1x16xf32>,
    %broadcast_in_dim3A_235 = arith.constant 1.000000e+00 : f32
    %broadcast_in_dim3A_236 = vector.broadcast %broadcast_in_dim3A_235 : f32 to vector<16xf32>
    %swap3A_237 = arith.constant 29 : i32
    %swap3A_238 = arith.index_cast %swap3A_237 : i32 to index
    %swap3A_239 = arith.constant 0 : index
    %swap3A_240 = tpu.vector_load %arg6[%swap3A_238, %swap3A_239] {strides = array<i32>} : memref<40x16xf32, #tpu.memory_space<vmem>>, vector<1x16xf32>,
    %swap3A_241 = vector.shape_cast %swap3A_240 : vector<1x16xf32> to vector<16xf32>
    %swap3A_242 = vector.shape_cast %broadcast_in_dim3A_236 : vector<16xf32> to vector<1x16xf32>
    tpu.vector_store %arg6[%swap3A_238, %swap3A_239], %swap3A_242 {strides = array<i32>} : memref<40x16xf32, #tpu.memory_space<vmem>>, vector<1x16xf32>,
    %broadcast_in_dim3A_243 = arith.constant 1.000000e+00 : f32
    %broadcast_in_dim3A_244 = vector.broadcast %broadcast_in_dim3A_243 : f32 to vector<16xf32>
    %swap3A_245 = arith.constant 30 : i32
    %swap3A_246 = arith.index_cast %swap3A_245 : i32 to index
    %swap3A_247 = arith.constant 0 : index
    %swap3A_248 = tpu.vector_load %arg6[%swap3A_246, %swap3A_247] {strides = array<i32>} : memref<40x16xf32, #tpu.memory_space<vmem>>, vector<1x16xf32>,
    %swap3A_249 = vector.shape_cast %swap3A_248 : vector<1x16xf32> to vector<16xf32>
    %swap3A_250 = vector.shape_cast %broadcast_in_dim3A_244 : vector<16xf32> to vector<1x16xf32>
    tpu.vector_store %arg6[%swap3A_246, %swap3A_247], %swap3A_250 {strides = array<i32>} : memref<40x16xf32, #tpu.memory_space<vmem>>, vector<1x16xf32>,
    %broadcast_in_dim3A_251 = arith.constant 1.000000e+00 : f32
    %broadcast_in_dim3A_252 = vector.broadcast %broadcast_in_dim3A_251 : f32 to vector<16xf32>
    %swap3A_253 = arith.constant 31 : i32
    %swap3A_254 = arith.index_cast %swap3A_253 : i32 to index
    %swap3A_255 = arith.constant 0 : index
    %swap3A_256 = tpu.vector_load %arg6[%swap3A_254, %swap3A_255] {strides = array<i32>} : memref<40x16xf32, #tpu.memory_space<vmem>>, vector<1x16xf32>,
    %swap3A_257 = vector.shape_cast %swap3A_256 : vector<1x16xf32> to vector<16xf32>
    %swap3A_258 = vector.shape_cast %broadcast_in_dim3A_252 : vector<16xf32> to vector<1x16xf32>
    tpu.vector_store %arg6[%swap3A_254, %swap3A_255], %swap3A_258 {strides = array<i32>} : memref<40x16xf32, #tpu.memory_space<vmem>>, vector<1x16xf32>,
    %broadcast_in_dim3A_259 = arith.constant 1.000000e+00 : f32
    %broadcast_in_dim3A_260 = vector.broadcast %broadcast_in_dim3A_259 : f32 to vector<16xf32>
    %swap3A_261 = arith.constant 32 : i32
    %swap3A_262 = arith.index_cast %swap3A_261 : i32 to index
    %swap3A_263 = arith.constant 0 : index
    %swap3A_264 = tpu.vector_load %arg6[%swap3A_262, %swap3A_263] {strides = array<i32>} : memref<40x16xf32, #tpu.memory_space<vmem>>, vector<1x16xf32>,
    %swap3A_265 = vector.shape_cast %swap3A_264 : vector<1x16xf32> to vector<16xf32>
    %swap3A_266 = vector.shape_cast %broadcast_in_dim3A_260 : vector<16xf32> to vector<1x16xf32>
    tpu.vector_store %arg6[%swap3A_262, %swap3A_263], %swap3A_266 {strides = array<i32>} : memref<40x16xf32, #tpu.memory_space<vmem>>, vector<1x16xf32>,
    %broadcast_in_dim3A_267 = arith.constant 1.000000e+00 : f32
    %broadcast_in_dim3A_268 = vector.broadcast %broadcast_in_dim3A_267 : f32 to vector<16xf32>
    %swap3A_269 = arith.constant 33 : i32
    %swap3A_270 = arith.index_cast %swap3A_269 : i32 to index
    %swap3A_271 = arith.constant 0 : index
    %swap3A_272 = tpu.vector_load %arg6[%swap3A_270, %swap3A_271] {strides = array<i32>} : memref<40x16xf32, #tpu.memory_space<vmem>>, vector<1x16xf32>,
    %swap3A_273 = vector.shape_cast %swap3A_272 : vector<1x16xf32> to vector<16xf32>
    %swap3A_274 = vector.shape_cast %broadcast_in_dim3A_268 : vector<16xf32> to vector<1x16xf32>
    tpu.vector_store %arg6[%swap3A_270, %swap3A_271], %swap3A_274 {strides = array<i32>} : memref<40x16xf32, #tpu.memory_space<vmem>>, vector<1x16xf32>,
    %broadcast_in_dim3A_275 = arith.constant 1.000000e+00 : f32
    %broadcast_in_dim3A_276 = vector.broadcast %broadcast_in_dim3A_275 : f32 to vector<16xf32>
    %swap3A_277 = arith.constant 34 : i32
    %swap3A_278 = arith.index_cast %swap3A_277 : i32 to index
    %swap3A_279 = arith.constant 0 : index
    %swap3A_280 = tpu.vector_load %arg6[%swap3A_278, %swap3A_279] {strides = array<i32>} : memref<40x16xf32, #tpu.memory_space<vmem>>, vector<1x16xf32>,
    %swap3A_281 = vector.shape_cast %swap3A_280 : vector<1x16xf32> to vector<16xf32>
    %swap3A_282 = vector.shape_cast %broadcast_in_dim3A_276 : vector<16xf32> to vector<1x16xf32>
    tpu.vector_store %arg6[%swap3A_278, %swap3A_279], %swap3A_282 {strides = array<i32>} : memref<40x16xf32, #tpu.memory_space<vmem>>, vector<1x16xf32>,
    %broadcast_in_dim3A_283 = arith.constant 1.000000e+00 : f32
    %broadcast_in_dim3A_284 = vector.broadcast %broadcast_in_dim3A_283 : f32 to vector<16xf32>
    %swap3A_285 = arith.constant 35 : i32
    %swap3A_286 = arith.index_cast %swap3A_285 : i32 to index
    %swap3A_287 = arith.constant 0 : index
    %swap3A_288 = tpu.vector_load %arg6[%swap3A_286, %swap3A_287] {strides = array<i32>} : memref<40x16xf32, #tpu.memory_space<vmem>>, vector<1x16xf32>,
    %swap3A_289 = vector.shape_cast %swap3A_288 : vector<1x16xf32> to vector<16xf32>
    %swap3A_290 = vector.shape_cast %broadcast_in_dim3A_284 : vector<16xf32> to vector<1x16xf32>
    tpu.vector_store %arg6[%swap3A_286, %swap3A_287], %swap3A_290 {strides = array<i32>} : memref<40x16xf32, #tpu.memory_space<vmem>>, vector<1x16xf32>,
    %broadcast_in_dim3A_291 = arith.constant 1.000000e+00 : f32
    %broadcast_in_dim3A_292 = vector.broadcast %broadcast_in_dim3A_291 : f32 to vector<16xf32>
    %swap3A_293 = arith.constant 36 : i32
    %swap3A_294 = arith.index_cast %swap3A_293 : i32 to index
    %swap3A_295 = arith.constant 0 : index
    %swap3A_296 = tpu.vector_load %arg6[%swap3A_294, %swap3A_295] {strides = array<i32>} : memref<40x16xf32, #tpu.memory_space<vmem>>, vector<1x16xf32>,
    %swap3A_297 = vector.shape_cast %swap3A_296 : vector<1x16xf32> to vector<16xf32>
    %swap3A_298 = vector.shape_cast %broadcast_in_dim3A_292 : vector<16xf32> to vector<1x16xf32>
    tpu.vector_store %arg6[%swap3A_294, %swap3A_295], %swap3A_298 {strides = array<i32>} : memref<40x16xf32, #tpu.memory_space<vmem>>, vector<1x16xf32>,
    %broadcast_in_dim3A_299 = arith.constant 1.000000e+00 : f32
    %broadcast_in_dim3A_300 = vector.broadcast %broadcast_in_dim3A_299 : f32 to vector<16xf32>
    %swap3A_301 = arith.constant 37 : i32
    %swap3A_302 = arith.index_cast %swap3A_301 : i32 to index
    %swap3A_303 = arith.constant 0 : index
    %swap3A_304 = tpu.vector_load %arg6[%swap3A_302, %swap3A_303] {strides = array<i32>} : memref<40x16xf32, #tpu.memory_space<vmem>>, vector<1x16xf32>,
    %swap3A_305 = vector.shape_cast %swap3A_304 : vector<1x16xf32> to vector<16xf32>
    %swap3A_306 = vector.shape_cast %broadcast_in_dim3A_300 : vector<16xf32> to vector<1x16xf32>
    tpu.vector_store %arg6[%swap3A_302, %swap3A_303], %swap3A_306 {strides = array<i32>} : memref<40x16xf32, #tpu.memory_space<vmem>>, vector<1x16xf32>,
    %broadcast_in_dim3A_307 = arith.constant 1.000000e+00 : f32
    %broadcast_in_dim3A_308 = vector.broadcast %broadcast_in_dim3A_307 : f32 to vector<16xf32>
    %swap3A_309 = arith.constant 38 : i32
    %swap3A_310 = arith.index_cast %swap3A_309 : i32 to index
    %swap3A_311 = arith.constant 0 : index
    %swap3A_312 = tpu.vector_load %arg6[%swap3A_310, %swap3A_311] {strides = array<i32>} : memref<40x16xf32, #tpu.memory_space<vmem>>, vector<1x16xf32>,
    %swap3A_313 = vector.shape_cast %swap3A_312 : vector<1x16xf32> to vector<16xf32>
    %swap3A_314 = vector.shape_cast %broadcast_in_dim3A_308 : vector<16xf32> to vector<1x16xf32>
    tpu.vector_store %arg6[%swap3A_310, %swap3A_311], %swap3A_314 {strides = array<i32>} : memref<40x16xf32, #tpu.memory_space<vmem>>, vector<1x16xf32>,
    %broadcast_in_dim3A_315 = arith.constant 1.000000e+00 : f32
    %broadcast_in_dim3A_316 = vector.broadcast %broadcast_in_dim3A_315 : f32 to vector<16xf32>
    %swap3A_317 = arith.constant 39 : i32
    %swap3A_318 = arith.index_cast %swap3A_317 : i32 to index
    %swap3A_319 = arith.constant 0 : index
    %swap3A_320 = tpu.vector_load %arg6[%swap3A_318, %swap3A_319] {strides = array<i32>} : memref<40x16xf32, #tpu.memory_space<vmem>>, vector<1x16xf32>,
    %swap3A_321 = vector.shape_cast %swap3A_320 : vector<1x16xf32> to vector<16xf32>
    %swap3A_322 = vector.shape_cast %broadcast_in_dim3A_316 : vector<16xf32> to vector<1x16xf32>
    tpu.vector_store %arg6[%swap3A_318, %swap3A_319], %swap3A_322 {strides = array<i32>} : memref<40x16xf32, #tpu.memory_space<vmem>>, vector<1x16xf32>,
    %barrier3A = arith.constant 0 : index
    tpu.barrier barrier_id(%barrier3A)
    %scan3A = arith.constant 0 : i32
    %scan3A_323 = arith.constant 0 : i32
    %scan3A_324 = arith.constant 250 : i32
    %scan3A_325 = arith.addi %scan3A_323, %scan3A_324 : i32
    %scan3A_326 = arith.constant 1 : i32
    scf.for %scan3A_335 = %scan3A_323 to %scan3A_325 step %scan3A_326  : i32 {
      %dma_start3A = arith.constant 0 : i32
      %dma_start3A_336 = tpu.memref_slice %arg5[%scan3A_335, %dma_start3A] : memref<250x40xi32, #tpu.memory_space<vmem>> -> memref<1x40xi32, #tpu.memory_space<vmem>>
      %dma_start3A_337 = tpu.memref_squeeze %dma_start3A_336 : memref<1x40xi32, #tpu.memory_space<vmem>> -> memref<40xi32, #tpu.memory_space<vmem>>
      %dma_start3A_338 = arith.constant 0 : i32
      %dma_start3A_339 = arith.constant 0 : i32
      %dma_start3A_340 = tpu.memref_slice %arg7[%dma_start3A_338, %dma_start3A_339] : memref<10016x16xf32, #tpu.memory_space<vmem_shared>> -> memref<10016x16xf32, #tpu.memory_space<vmem_shared>>
      tpu.enqueue_indirect_dma source(%arg6 : memref<40x16xf32, #tpu.memory_space<vmem>>) target(%dma_start3A_340 : memref<10016x16xf32, #tpu.memory_space<vmem_shared>>) offsets(%dma_start3A_337 : memref<40xi32, #tpu.memory_space<vmem>>) semaphore(%arg8 : memref<!tpu.dma_semaphore, #tpu.memory_space<semaphore_mem>>) {add = true}
    }
    %scan3A_327 = arith.constant 250 : i32
    %scan3A_328 = arith.constant 0 : i32
    %scan3A_329 = arith.constant 0 : i32
    %scan3A_330 = arith.constant 250 : i32
    %scan3A_331 = arith.addi %scan3A_329, %scan3A_330 : i32
    %scan3A_332 = arith.constant 1 : i32
    scf.for %scan3A_335 = %scan3A_329 to %scan3A_331 step %scan3A_332  : i32 {
      %dma_wait3A = arith.constant 0 : i32
      %dma_wait3A_336 = arith.constant 0 : i32
      %dma_wait3A_337 = tpu.memref_slice %arg5[%dma_wait3A, %dma_wait3A_336] : memref<250x40xi32, #tpu.memory_space<vmem>> -> memref<1x40xi32, #tpu.memory_space<vmem>>
      %dma_wait3A_338 = tpu.memref_squeeze %dma_wait3A_337 : memref<1x40xi32, #tpu.memory_space<vmem>> -> memref<40xi32, #tpu.memory_space<vmem>>
      %dma_wait3A_339 = arith.constant 0 : i32
      %dma_wait3A_340 = arith.constant 0 : i32
      %dma_wait3A_341 = tpu.memref_slice %arg7[%dma_wait3A_339, %dma_wait3A_340] : memref<10016x16xf32, #tpu.memory_space<vmem_shared>> -> memref<10016x16xf32, #tpu.memory_space<vmem_shared>>
      tpu.wait_indirect_dma semaphore(%arg8 : memref<!tpu.dma_semaphore, #tpu.memory_space<semaphore_mem>>) src(%arg6 : memref<40x16xf32, #tpu.memory_space<vmem>>) dst(%dma_wait3A_341 : memref<10016x16xf32, #tpu.memory_space<vmem_shared>>)
    }
    %scan3A_333 = arith.constant 250 : i32
    %barrier3A_334 = arith.constant 0 : index
    tpu.barrier barrier_id(%barrier3A_334)
    "tpu.region"() ({
      %run_scoped3A = tpu.sem_alloc : memref<!tpu.dma_semaphore, #tpu.memory_space<semaphore_mem>>
      %dma_start3A = arith.constant 0 : i32
      %dma_start3A_335 = tpu.memref_slice %arg4[%arg0, %mul3A_2, %dma_start3A] : memref<2x10000x16xf32, #tpu.memory_space<hbm>> -> memref<1x625x16xf32, #tpu.memory_space<hbm>>
      %dma_start3A_336 = tpu.memref_squeeze %dma_start3A_335 : memref<1x625x16xf32, #tpu.memory_space<hbm>> -> memref<625x16xf32, #tpu.memory_space<hbm>>
      %dma_start3A_337 = arith.constant 0 : i32
      %dma_start3A_338 = tpu.memref_slice %arg7[%mul3A_2, %dma_start3A_337] : memref<10016x16xf32, #tpu.memory_space<vmem_shared>> -> memref<625x16xf32, #tpu.memory_space<vmem_shared>>
      tpu.enqueue_dma source(%dma_start3A_338 : memref<625x16xf32, #tpu.memory_space<vmem_shared>>) target(%dma_start3A_336 : memref<625x16xf32, #tpu.memory_space<hbm>>) target_semaphore(%run_scoped3A : memref<!tpu.dma_semaphore, #tpu.memory_space<semaphore_mem>>)
      %dma_wait3A = arith.constant 0 : i32
      %dma_wait3A_339 = tpu.memref_slice %arg4[%arg0, %mul3A_2, %dma_wait3A] : memref<2x10000x16xf32, #tpu.memory_space<hbm>> -> memref<1x625x16xf32, #tpu.memory_space<hbm>>
      %dma_wait3A_340 = tpu.memref_squeeze %dma_wait3A_339 : memref<1x625x16xf32, #tpu.memory_space<hbm>> -> memref<625x16xf32, #tpu.memory_space<hbm>>
      %dma_wait3A_341 = arith.constant 0 : i32
      %dma_wait3A_342 = tpu.memref_slice %arg7[%mul3A_2, %dma_wait3A_341] : memref<10016x16xf32, #tpu.memory_space<vmem_shared>> -> memref<625x16xf32, #tpu.memory_space<vmem_shared>>
      tpu.wait_dma2 semaphore(%run_scoped3A : memref<!tpu.dma_semaphore, #tpu.memory_space<semaphore_mem>>) src(%dma_wait3A_342 : memref<625x16xf32, #tpu.memory_space<vmem_shared>>) dst(%dma_wait3A_340 : memref<625x16xf32, #tpu.memory_space<hbm>>)
      tpu.yield
    }) : () -> ()
    return
  }
}

#map = affine_map<(d0, d1) -> (0, 0)>
#map1 = affine_map<(d0, d1) -> (0, 0, 0)>
module attributes {stable_mosaic.version = 14 : i64} {
  func.func @body(%arg0: i32, %arg1: i32, %arg2: memref<10000x128xf32, #tpu.memory_space<hbm>>, %arg3: memref<32x250x40xi32, #tpu.memory_space<hbm>>, %arg4: memref<32x250x40xi32, #tpu.memory_space<hbm>>, %arg5: memref<10016x128xf32, #tpu.memory_space<hbm>>, %arg6: memref<2x10000x128xf32, #tpu.memory_space<hbm>>, %arg7: memref<250x40xi32, #tpu.memory_space<vmem>>, %arg8: memref<250x40xi32, #tpu.memory_space<vmem>>, %arg9: memref<10016x128xf32, #tpu.memory_space<vmem_shared>>, %arg10: memref<40x128xf32, #tpu.memory_space<vmem>>, %arg11: memref<40x128xf32, #tpu.memory_space<vmem>>, %arg12: memref<40x128xf32, #tpu.memory_space<vmem>>, %arg13: memref<40x128xf32, #tpu.memory_space<vmem>>, %arg14: memref<40x128xf32, #tpu.memory_space<vmem>>, %arg15: memref<!tpu.dma_semaphore, #tpu.memory_space<semaphore_mem>>, %arg16: memref<!tpu.dma_semaphore, #tpu.memory_space<semaphore_mem>>, %arg17: memref<!tpu.dma_semaphore, #tpu.memory_space<semaphore_mem>>, %arg18: memref<!tpu.dma_semaphore, #tpu.memory_space<semaphore_mem>>, %arg19: memref<!tpu.dma_semaphore, #tpu.memory_space<semaphore_mem>>, %arg20: memref<!tpu.dma_semaphore, #tpu.memory_space<semaphore_mem>>, %arg21: memref<!tpu.dma_semaphore, #tpu.memory_space<semaphore_mem>>, %arg22: memref<!tpu.dma_semaphore, #tpu.memory_space<semaphore_mem>>, %arg23: memref<!tpu.dma_semaphore, #tpu.memory_space<semaphore_mem>>, %arg24: memref<!tpu.dma_semaphore, #tpu.memory_space<semaphore_mem>>) attributes {dimension_semantics = [#tpu.dimension_semantics<core_parallel>, #tpu.dimension_semantics<subcore_parallel>], iteration_bounds = array<i64: 2, 16>, scalar_prefetch = 0 : i64, scratch_operands = 18 : i64, tpu.core_type = #tpu.core_type<sc_vector_subcore>, window_params = [{transform_indices = #map}, {transform_indices = #map1}, {transform_indices = #map1}, {transform_indices = #map}, {transform_indices = #map1}]} {
    %mul3A = arith.constant 16 : i32
    %mul3A_0 = arith.muli %arg0, %mul3A : i32
    %add3A = arith.addi %mul3A_0, %arg1 : i32
    %mul3A_1 = arith.constant 625 : i32
    %mul3A_2 = arith.muli %arg1, %mul3A_1 : i32
    %mul3A_3 = arith.constant 626 : i32
    %mul3A_4 = arith.muli %arg1, %mul3A_3 : i32
    "tpu.region"() ({
      %run_scoped3A = tpu.sem_alloc : memref<!tpu.dma_semaphore, #tpu.memory_space<semaphore_mem>>
      %dma_start3A_65 = arith.constant 0 : i32
      %dma_start3A_66 = tpu.memref_slice %arg9[%mul3A_4, %dma_start3A_65] : memref<10016x128xf32, #tpu.memory_space<vmem_shared>> -> memref<626x128xf32, #tpu.memory_space<vmem_shared>>
      %dma_start3A_67 = arith.constant 0 : i32
      %dma_start3A_68 = tpu.memref_slice %arg5[%mul3A_4, %dma_start3A_67] : memref<10016x128xf32, #tpu.memory_space<hbm>> -> memref<626x128xf32, #tpu.memory_space<hbm>>
      tpu.enqueue_dma source(%dma_start3A_68 : memref<626x128xf32, #tpu.memory_space<hbm>>) target(%dma_start3A_66 : memref<626x128xf32, #tpu.memory_space<vmem_shared>>) target_semaphore(%run_scoped3A : memref<!tpu.dma_semaphore, #tpu.memory_space<semaphore_mem>>)
      %dma_wait3A_69 = arith.constant 0 : i32
      %dma_wait3A_70 = tpu.memref_slice %arg9[%mul3A_4, %dma_wait3A_69] : memref<10016x128xf32, #tpu.memory_space<vmem_shared>> -> memref<626x128xf32, #tpu.memory_space<vmem_shared>>
      %dma_wait3A_71 = arith.constant 0 : i32
      %dma_wait3A_72 = tpu.memref_slice %arg5[%mul3A_4, %dma_wait3A_71] : memref<10016x128xf32, #tpu.memory_space<hbm>> -> memref<626x128xf32, #tpu.memory_space<hbm>>
      tpu.wait_dma2 semaphore(%run_scoped3A : memref<!tpu.dma_semaphore, #tpu.memory_space<semaphore_mem>>) src(%dma_wait3A_72 : memref<626x128xf32, #tpu.memory_space<hbm>>) dst(%dma_wait3A_70 : memref<626x128xf32, #tpu.memory_space<vmem_shared>>)
      tpu.yield
    }) : () -> ()
    "tpu.region"() ({
      %run_scoped3A = tpu.sem_alloc : memref<!tpu.dma_semaphore, #tpu.memory_space<semaphore_mem>>
      %dma_start3A_65 = arith.constant 0 : i32
      %dma_start3A_66 = arith.constant 0 : i32
      %dma_start3A_67 = tpu.memref_slice %arg3[%add3A, %dma_start3A_65, %dma_start3A_66] : memref<32x250x40xi32, #tpu.memory_space<hbm>> -> memref<1x250x40xi32, #tpu.memory_space<hbm>>
      %dma_start3A_68 = tpu.memref_squeeze %dma_start3A_67 : memref<1x250x40xi32, #tpu.memory_space<hbm>> -> memref<250x40xi32, #tpu.memory_space<hbm>>
      %dma_start3A_69 = arith.constant 0 : i32
      %dma_start3A_70 = arith.constant 0 : i32
      %dma_start3A_71 = tpu.memref_slice %arg3[%add3A, %dma_start3A_69, %dma_start3A_70] : memref<32x250x40xi32, #tpu.memory_space<hbm>> -> memref<1x250x40xi32, #tpu.memory_space<hbm>>
      %dma_start3A_72 = tpu.memref_squeeze %dma_start3A_71 : memref<1x250x40xi32, #tpu.memory_space<hbm>> -> memref<250x40xi32, #tpu.memory_space<hbm>>
      tpu.enqueue_dma source(%dma_start3A_72 : memref<250x40xi32, #tpu.memory_space<hbm>>) target(%arg7 : memref<250x40xi32, #tpu.memory_space<vmem>>) target_semaphore(%run_scoped3A : memref<!tpu.dma_semaphore, #tpu.memory_space<semaphore_mem>>)
      %dma_wait3A_73 = arith.constant 0 : i32
      %dma_wait3A_74 = arith.constant 0 : i32
      %dma_wait3A_75 = tpu.memref_slice %arg3[%add3A, %dma_wait3A_73, %dma_wait3A_74] : memref<32x250x40xi32, #tpu.memory_space<hbm>> -> memref<1x250x40xi32, #tpu.memory_space<hbm>>
      %dma_wait3A_76 = tpu.memref_squeeze %dma_wait3A_75 : memref<1x250x40xi32, #tpu.memory_space<hbm>> -> memref<250x40xi32, #tpu.memory_space<hbm>>
      %dma_wait3A_77 = arith.constant 0 : i32
      %dma_wait3A_78 = arith.constant 0 : i32
      %dma_wait3A_79 = tpu.memref_slice %arg3[%add3A, %dma_wait3A_77, %dma_wait3A_78] : memref<32x250x40xi32, #tpu.memory_space<hbm>> -> memref<1x250x40xi32, #tpu.memory_space<hbm>>
      %dma_wait3A_80 = tpu.memref_squeeze %dma_wait3A_79 : memref<1x250x40xi32, #tpu.memory_space<hbm>> -> memref<250x40xi32, #tpu.memory_space<hbm>>
      tpu.wait_dma2 semaphore(%run_scoped3A : memref<!tpu.dma_semaphore, #tpu.memory_space<semaphore_mem>>) src(%dma_wait3A_80 : memref<250x40xi32, #tpu.memory_space<hbm>>) dst(%arg7 : memref<250x40xi32, #tpu.memory_space<vmem>>)
      tpu.yield
    }) : () -> ()
    "tpu.region"() ({
      %run_scoped3A = tpu.sem_alloc : memref<!tpu.dma_semaphore, #tpu.memory_space<semaphore_mem>>
      %dma_start3A_65 = arith.constant 0 : i32
      %dma_start3A_66 = arith.constant 0 : i32
      %dma_start3A_67 = tpu.memref_slice %arg4[%add3A, %dma_start3A_65, %dma_start3A_66] : memref<32x250x40xi32, #tpu.memory_space<hbm>> -> memref<1x250x40xi32, #tpu.memory_space<hbm>>
      %dma_start3A_68 = tpu.memref_squeeze %dma_start3A_67 : memref<1x250x40xi32, #tpu.memory_space<hbm>> -> memref<250x40xi32, #tpu.memory_space<hbm>>
      %dma_start3A_69 = arith.constant 0 : i32
      %dma_start3A_70 = arith.constant 0 : i32
      %dma_start3A_71 = tpu.memref_slice %arg4[%add3A, %dma_start3A_69, %dma_start3A_70] : memref<32x250x40xi32, #tpu.memory_space<hbm>> -> memref<1x250x40xi32, #tpu.memory_space<hbm>>
      %dma_start3A_72 = tpu.memref_squeeze %dma_start3A_71 : memref<1x250x40xi32, #tpu.memory_space<hbm>> -> memref<250x40xi32, #tpu.memory_space<hbm>>
      tpu.enqueue_dma source(%dma_start3A_72 : memref<250x40xi32, #tpu.memory_space<hbm>>) target(%arg8 : memref<250x40xi32, #tpu.memory_space<vmem>>) target_semaphore(%run_scoped3A : memref<!tpu.dma_semaphore, #tpu.memory_space<semaphore_mem>>)
      %dma_wait3A_73 = arith.constant 0 : i32
      %dma_wait3A_74 = arith.constant 0 : i32
      %dma_wait3A_75 = tpu.memref_slice %arg4[%add3A, %dma_wait3A_73, %dma_wait3A_74] : memref<32x250x40xi32, #tpu.memory_space<hbm>> -> memref<1x250x40xi32, #tpu.memory_space<hbm>>
      %dma_wait3A_76 = tpu.memref_squeeze %dma_wait3A_75 : memref<1x250x40xi32, #tpu.memory_space<hbm>> -> memref<250x40xi32, #tpu.memory_space<hbm>>
      %dma_wait3A_77 = arith.constant 0 : i32
      %dma_wait3A_78 = arith.constant 0 : i32
      %dma_wait3A_79 = tpu.memref_slice %arg4[%add3A, %dma_wait3A_77, %dma_wait3A_78] : memref<32x250x40xi32, #tpu.memory_space<hbm>> -> memref<1x250x40xi32, #tpu.memory_space<hbm>>
      %dma_wait3A_80 = tpu.memref_squeeze %dma_wait3A_79 : memref<1x250x40xi32, #tpu.memory_space<hbm>> -> memref<250x40xi32, #tpu.memory_space<hbm>>
      tpu.wait_dma2 semaphore(%run_scoped3A : memref<!tpu.dma_semaphore, #tpu.memory_space<semaphore_mem>>) src(%dma_wait3A_80 : memref<250x40xi32, #tpu.memory_space<hbm>>) dst(%arg8 : memref<250x40xi32, #tpu.memory_space<vmem>>)
      tpu.yield
    }) : () -> ()
    %barrier3A = arith.constant 0 : index
    tpu.barrier barrier_id(%barrier3A)
    %dma_start3A = arith.constant 0 : i32
    %dma_start3A_5 = arith.constant 0 : i32
    %dma_start3A_6 = tpu.memref_slice %arg7[%dma_start3A, %dma_start3A_5] : memref<250x40xi32, #tpu.memory_space<vmem>> -> memref<1x40xi32, #tpu.memory_space<vmem>>
    %dma_start3A_7 = tpu.memref_squeeze %dma_start3A_6 : memref<1x40xi32, #tpu.memory_space<vmem>> -> memref<40xi32, #tpu.memory_space<vmem>>
    %dma_start3A_8 = arith.constant 0 : i32
    %dma_start3A_9 = arith.constant 0 : i32
    %dma_start3A_10 = tpu.memref_slice %arg2[%dma_start3A_8, %dma_start3A_9] : memref<10000x128xf32, #tpu.memory_space<hbm>> -> memref<10000x128xf32, #tpu.memory_space<hbm>>
    tpu.enqueue_indirect_dma source(%dma_start3A_10 : memref<10000x128xf32, #tpu.memory_space<hbm>>) target(%arg10 : memref<40x128xf32, #tpu.memory_space<vmem>>) offsets(%dma_start3A_7 : memref<40xi32, #tpu.memory_space<vmem>>) semaphore(%arg15 : memref<!tpu.dma_semaphore, #tpu.memory_space<semaphore_mem>>)
    %dma_start3A_11 = arith.constant 1 : i32
    %dma_start3A_12 = arith.constant 0 : i32
    %dma_start3A_13 = tpu.memref_slice %arg7[%dma_start3A_11, %dma_start3A_12] : memref<250x40xi32, #tpu.memory_space<vmem>> -> memref<1x40xi32, #tpu.memory_space<vmem>>
    %dma_start3A_14 = tpu.memref_squeeze %dma_start3A_13 : memref<1x40xi32, #tpu.memory_space<vmem>> -> memref<40xi32, #tpu.memory_space<vmem>>
    %dma_start3A_15 = arith.constant 0 : i32
    %dma_start3A_16 = arith.constant 0 : i32
    %dma_start3A_17 = tpu.memref_slice %arg2[%dma_start3A_15, %dma_start3A_16] : memref<10000x128xf32, #tpu.memory_space<hbm>> -> memref<10000x128xf32, #tpu.memory_space<hbm>>
    tpu.enqueue_indirect_dma source(%dma_start3A_17 : memref<10000x128xf32, #tpu.memory_space<hbm>>) target(%arg11 : memref<40x128xf32, #tpu.memory_space<vmem>>) offsets(%dma_start3A_14 : memref<40xi32, #tpu.memory_space<vmem>>) semaphore(%arg16 : memref<!tpu.dma_semaphore, #tpu.memory_space<semaphore_mem>>)
    %dma_start3A_18 = arith.constant 2 : i32
    %dma_start3A_19 = arith.constant 0 : i32
    %dma_start3A_20 = tpu.memref_slice %arg7[%dma_start3A_18, %dma_start3A_19] : memref<250x40xi32, #tpu.memory_space<vmem>> -> memref<1x40xi32, #tpu.memory_space<vmem>>
    %dma_start3A_21 = tpu.memref_squeeze %dma_start3A_20 : memref<1x40xi32, #tpu.memory_space<vmem>> -> memref<40xi32, #tpu.memory_space<vmem>>
    %dma_start3A_22 = arith.constant 0 : i32
    %dma_start3A_23 = arith.constant 0 : i32
    %dma_start3A_24 = tpu.memref_slice %arg2[%dma_start3A_22, %dma_start3A_23] : memref<10000x128xf32, #tpu.memory_space<hbm>> -> memref<10000x128xf32, #tpu.memory_space<hbm>>
    tpu.enqueue_indirect_dma source(%dma_start3A_24 : memref<10000x128xf32, #tpu.memory_space<hbm>>) target(%arg12 : memref<40x128xf32, #tpu.memory_space<vmem>>) offsets(%dma_start3A_21 : memref<40xi32, #tpu.memory_space<vmem>>) semaphore(%arg17 : memref<!tpu.dma_semaphore, #tpu.memory_space<semaphore_mem>>)
    %scan3A = arith.constant 0 : i32
    %scan3A_25 = arith.constant 0 : i32
    %scan3A_26 = arith.constant 50 : i32
    %scan3A_27 = arith.addi %scan3A_25, %scan3A_26 : i32
    %scan3A_28 = arith.constant 1 : i32
    scf.for %scan3A_65 = %scan3A_25 to %scan3A_27 step %scan3A_28  : i32 {
      %mul3A_66 = arith.constant 5 : i32
      %mul3A_67 = arith.muli %scan3A_65, %mul3A_66 : i32
      %add3A_68 = arith.constant 0 : i32
      %add3A_69 = arith.addi %mul3A_67, %add3A_68 : i32
      %add3A_70 = arith.constant 3 : i32
      %add3A_71 = arith.addi %add3A_69, %add3A_70 : i32
      %ge3A = arith.constant 5 : i32
      %ge3A_72 = arith.cmpi sge, %add3A_71, %ge3A : i32
      %lt3A = arith.constant 250 : i32
      %lt3A_73 = arith.cmpi slt, %add3A_71, %lt3A : i32
      %and3A = arith.andi %ge3A_72, %lt3A_73 : i1
      %convert_element_type3A = arith.extui %and3A : i1 to i32
      %cond3A = arith.constant 0 : i32
      %cond3A_74 = arith.cmpi ne, %convert_element_type3A, %cond3A : i32
      scf.if %cond3A_74 {
        %sub3A = arith.constant 5 : i32
        %sub3A_231 = arith.subi %add3A_71, %sub3A : i32
        %dma_wait3A_232 = arith.constant 0 : i32
        %dma_wait3A_233 = tpu.memref_slice %arg8[%sub3A_231, %dma_wait3A_232] : memref<250x40xi32, #tpu.memory_space<vmem>> -> memref<1x40xi32, #tpu.memory_space<vmem>>
        %dma_wait3A_234 = tpu.memref_squeeze %dma_wait3A_233 : memref<1x40xi32, #tpu.memory_space<vmem>> -> memref<40xi32, #tpu.memory_space<vmem>>
        %dma_wait3A_235 = arith.constant 0 : i32
        %dma_wait3A_236 = arith.constant 0 : i32
        %dma_wait3A_237 = tpu.memref_slice %arg9[%dma_wait3A_235, %dma_wait3A_236] : memref<10016x128xf32, #tpu.memory_space<vmem_shared>> -> memref<10016x128xf32, #tpu.memory_space<vmem_shared>>
        tpu.wait_indirect_dma semaphore(%arg23 : memref<!tpu.dma_semaphore, #tpu.memory_space<semaphore_mem>>) src(%arg13 : memref<40x128xf32, #tpu.memory_space<vmem>>) dst(%dma_wait3A_237 : memref<10016x128xf32, #tpu.memory_space<vmem_shared>>)
        %dma_start3A_238 = arith.constant 0 : i32
        %dma_start3A_239 = tpu.memref_slice %arg7[%add3A_71, %dma_start3A_238] : memref<250x40xi32, #tpu.memory_space<vmem>> -> memref<1x40xi32, #tpu.memory_space<vmem>>
        %dma_start3A_240 = tpu.memref_squeeze %dma_start3A_239 : memref<1x40xi32, #tpu.memory_space<vmem>> -> memref<40xi32, #tpu.memory_space<vmem>>
        %dma_start3A_241 = arith.constant 0 : i32
        %dma_start3A_242 = arith.constant 0 : i32
        %dma_start3A_243 = tpu.memref_slice %arg2[%dma_start3A_241, %dma_start3A_242] : memref<10000x128xf32, #tpu.memory_space<hbm>> -> memref<10000x128xf32, #tpu.memory_space<hbm>>
        tpu.enqueue_indirect_dma source(%dma_start3A_243 : memref<10000x128xf32, #tpu.memory_space<hbm>>) target(%arg13 : memref<40x128xf32, #tpu.memory_space<vmem>>) offsets(%dma_start3A_240 : memref<40xi32, #tpu.memory_space<vmem>>) semaphore(%arg18 : memref<!tpu.dma_semaphore, #tpu.memory_space<semaphore_mem>>)
      } else {
      }
      %lt3A_75 = arith.constant 5 : i32
      %lt3A_76 = arith.cmpi slt, %add3A_71, %lt3A_75 : i32
      %lt3A_77 = arith.constant 250 : i32
      %lt3A_78 = arith.cmpi slt, %add3A_71, %lt3A_77 : i32
      %and3A_79 = arith.andi %lt3A_76, %lt3A_78 : i1
      %convert_element_type3A_80 = arith.extui %and3A_79 : i1 to i32
      %cond3A_81 = arith.constant 0 : i32
      %cond3A_82 = arith.cmpi ne, %convert_element_type3A_80, %cond3A_81 : i32
      scf.if %cond3A_82 {
        %dma_start3A_231 = arith.constant 0 : i32
        %dma_start3A_232 = tpu.memref_slice %arg7[%add3A_71, %dma_start3A_231] : memref<250x40xi32, #tpu.memory_space<vmem>> -> memref<1x40xi32, #tpu.memory_space<vmem>>
        %dma_start3A_233 = tpu.memref_squeeze %dma_start3A_232 : memref<1x40xi32, #tpu.memory_space<vmem>> -> memref<40xi32, #tpu.memory_space<vmem>>
        %dma_start3A_234 = arith.constant 0 : i32
        %dma_start3A_235 = arith.constant 0 : i32
        %dma_start3A_236 = tpu.memref_slice %arg2[%dma_start3A_234, %dma_start3A_235] : memref<10000x128xf32, #tpu.memory_space<hbm>> -> memref<10000x128xf32, #tpu.memory_space<hbm>>
        tpu.enqueue_indirect_dma source(%dma_start3A_236 : memref<10000x128xf32, #tpu.memory_space<hbm>>) target(%arg13 : memref<40x128xf32, #tpu.memory_space<vmem>>) offsets(%dma_start3A_233 : memref<40xi32, #tpu.memory_space<vmem>>) semaphore(%arg18 : memref<!tpu.dma_semaphore, #tpu.memory_space<semaphore_mem>>)
      } else {
      }
      %dma_wait3A_83 = arith.constant 0 : i32
      %dma_wait3A_84 = tpu.memref_slice %arg7[%add3A_69, %dma_wait3A_83] : memref<250x40xi32, #tpu.memory_space<vmem>> -> memref<1x40xi32, #tpu.memory_space<vmem>>
      %dma_wait3A_85 = tpu.memref_squeeze %dma_wait3A_84 : memref<1x40xi32, #tpu.memory_space<vmem>> -> memref<40xi32, #tpu.memory_space<vmem>>
      %dma_wait3A_86 = arith.constant 0 : i32
      %dma_wait3A_87 = arith.constant 0 : i32
      %dma_wait3A_88 = tpu.memref_slice %arg2[%dma_wait3A_86, %dma_wait3A_87] : memref<10000x128xf32, #tpu.memory_space<hbm>> -> memref<10000x128xf32, #tpu.memory_space<hbm>>
      tpu.wait_indirect_dma semaphore(%arg15 : memref<!tpu.dma_semaphore, #tpu.memory_space<semaphore_mem>>) src(%dma_wait3A_88 : memref<10000x128xf32, #tpu.memory_space<hbm>>) dst(%arg10 : memref<40x128xf32, #tpu.memory_space<vmem>>)
      %dma_start3A_89 = arith.constant 0 : i32
      %dma_start3A_90 = tpu.memref_slice %arg8[%add3A_69, %dma_start3A_89] : memref<250x40xi32, #tpu.memory_space<vmem>> -> memref<1x40xi32, #tpu.memory_space<vmem>>
      %dma_start3A_91 = tpu.memref_squeeze %dma_start3A_90 : memref<1x40xi32, #tpu.memory_space<vmem>> -> memref<40xi32, #tpu.memory_space<vmem>>
      %dma_start3A_92 = arith.constant 0 : i32
      %dma_start3A_93 = arith.constant 0 : i32
      %dma_start3A_94 = tpu.memref_slice %arg9[%dma_start3A_92, %dma_start3A_93] : memref<10016x128xf32, #tpu.memory_space<vmem_shared>> -> memref<10016x128xf32, #tpu.memory_space<vmem_shared>>
      tpu.enqueue_indirect_dma source(%arg10 : memref<40x128xf32, #tpu.memory_space<vmem>>) target(%dma_start3A_94 : memref<10016x128xf32, #tpu.memory_space<vmem_shared>>) offsets(%dma_start3A_91 : memref<40xi32, #tpu.memory_space<vmem>>) semaphore(%arg20 : memref<!tpu.dma_semaphore, #tpu.memory_space<semaphore_mem>>) {add = true}
      %mul3A_95 = arith.constant 5 : i32
      %mul3A_96 = arith.muli %scan3A_65, %mul3A_95 : i32
      %add3A_97 = arith.constant 1 : i32
      %add3A_98 = arith.addi %mul3A_96, %add3A_97 : i32
      %add3A_99 = arith.constant 3 : i32
      %add3A_100 = arith.addi %add3A_98, %add3A_99 : i32
      %ge3A_101 = arith.constant 5 : i32
      %ge3A_102 = arith.cmpi sge, %add3A_100, %ge3A_101 : i32
      %lt3A_103 = arith.constant 250 : i32
      %lt3A_104 = arith.cmpi slt, %add3A_100, %lt3A_103 : i32
      %and3A_105 = arith.andi %ge3A_102, %lt3A_104 : i1
      %convert_element_type3A_106 = arith.extui %and3A_105 : i1 to i32
      %cond3A_107 = arith.constant 0 : i32
      %cond3A_108 = arith.cmpi ne, %convert_element_type3A_106, %cond3A_107 : i32
      scf.if %cond3A_108 {
        %sub3A = arith.constant 5 : i32
        %sub3A_231 = arith.subi %add3A_100, %sub3A : i32
        %dma_wait3A_232 = arith.constant 0 : i32
        %dma_wait3A_233 = tpu.memref_slice %arg8[%sub3A_231, %dma_wait3A_232] : memref<250x40xi32, #tpu.memory_space<vmem>> -> memref<1x40xi32, #tpu.memory_space<vmem>>
        %dma_wait3A_234 = tpu.memref_squeeze %dma_wait3A_233 : memref<1x40xi32, #tpu.memory_space<vmem>> -> memref<40xi32, #tpu.memory_space<vmem>>
        %dma_wait3A_235 = arith.constant 0 : i32
        %dma_wait3A_236 = arith.constant 0 : i32
        %dma_wait3A_237 = tpu.memref_slice %arg9[%dma_wait3A_235, %dma_wait3A_236] : memref<10016x128xf32, #tpu.memory_space<vmem_shared>> -> memref<10016x128xf32, #tpu.memory_space<vmem_shared>>
        tpu.wait_indirect_dma semaphore(%arg24 : memref<!tpu.dma_semaphore, #tpu.memory_space<semaphore_mem>>) src(%arg14 : memref<40x128xf32, #tpu.memory_space<vmem>>) dst(%dma_wait3A_237 : memref<10016x128xf32, #tpu.memory_space<vmem_shared>>)
        %dma_start3A_238 = arith.constant 0 : i32
        %dma_start3A_239 = tpu.memref_slice %arg7[%add3A_100, %dma_start3A_238] : memref<250x40xi32, #tpu.memory_space<vmem>> -> memref<1x40xi32, #tpu.memory_space<vmem>>
        %dma_start3A_240 = tpu.memref_squeeze %dma_start3A_239 : memref<1x40xi32, #tpu.memory_space<vmem>> -> memref<40xi32, #tpu.memory_space<vmem>>
        %dma_start3A_241 = arith.constant 0 : i32
        %dma_start3A_242 = arith.constant 0 : i32
        %dma_start3A_243 = tpu.memref_slice %arg2[%dma_start3A_241, %dma_start3A_242] : memref<10000x128xf32, #tpu.memory_space<hbm>> -> memref<10000x128xf32, #tpu.memory_space<hbm>>
        tpu.enqueue_indirect_dma source(%dma_start3A_243 : memref<10000x128xf32, #tpu.memory_space<hbm>>) target(%arg14 : memref<40x128xf32, #tpu.memory_space<vmem>>) offsets(%dma_start3A_240 : memref<40xi32, #tpu.memory_space<vmem>>) semaphore(%arg19 : memref<!tpu.dma_semaphore, #tpu.memory_space<semaphore_mem>>)
      } else {
      }
      %lt3A_109 = arith.constant 5 : i32
      %lt3A_110 = arith.cmpi slt, %add3A_100, %lt3A_109 : i32
      %lt3A_111 = arith.constant 250 : i32
      %lt3A_112 = arith.cmpi slt, %add3A_100, %lt3A_111 : i32
      %and3A_113 = arith.andi %lt3A_110, %lt3A_112 : i1
      %convert_element_type3A_114 = arith.extui %and3A_113 : i1 to i32
      %cond3A_115 = arith.constant 0 : i32
      %cond3A_116 = arith.cmpi ne, %convert_element_type3A_114, %cond3A_115 : i32
      scf.if %cond3A_116 {
        %dma_start3A_231 = arith.constant 0 : i32
        %dma_start3A_232 = tpu.memref_slice %arg7[%add3A_100, %dma_start3A_231] : memref<250x40xi32, #tpu.memory_space<vmem>> -> memref<1x40xi32, #tpu.memory_space<vmem>>
        %dma_start3A_233 = tpu.memref_squeeze %dma_start3A_232 : memref<1x40xi32, #tpu.memory_space<vmem>> -> memref<40xi32, #tpu.memory_space<vmem>>
        %dma_start3A_234 = arith.constant 0 : i32
        %dma_start3A_235 = arith.constant 0 : i32
        %dma_start3A_236 = tpu.memref_slice %arg2[%dma_start3A_234, %dma_start3A_235] : memref<10000x128xf32, #tpu.memory_space<hbm>> -> memref<10000x128xf32, #tpu.memory_space<hbm>>
        tpu.enqueue_indirect_dma source(%dma_start3A_236 : memref<10000x128xf32, #tpu.memory_space<hbm>>) target(%arg14 : memref<40x128xf32, #tpu.memory_space<vmem>>) offsets(%dma_start3A_233 : memref<40xi32, #tpu.memory_space<vmem>>) semaphore(%arg19 : memref<!tpu.dma_semaphore, #tpu.memory_space<semaphore_mem>>)
      } else {
      }
      %dma_wait3A_117 = arith.constant 0 : i32
      %dma_wait3A_118 = tpu.memref_slice %arg7[%add3A_98, %dma_wait3A_117] : memref<250x40xi32, #tpu.memory_space<vmem>> -> memref<1x40xi32, #tpu.memory_space<vmem>>
      %dma_wait3A_119 = tpu.memref_squeeze %dma_wait3A_118 : memref<1x40xi32, #tpu.memory_space<vmem>> -> memref<40xi32, #tpu.memory_space<vmem>>
      %dma_wait3A_120 = arith.constant 0 : i32
      %dma_wait3A_121 = arith.constant 0 : i32
      %dma_wait3A_122 = tpu.memref_slice %arg2[%dma_wait3A_120, %dma_wait3A_121] : memref<10000x128xf32, #tpu.memory_space<hbm>> -> memref<10000x128xf32, #tpu.memory_space<hbm>>
      tpu.wait_indirect_dma semaphore(%arg16 : memref<!tpu.dma_semaphore, #tpu.memory_space<semaphore_mem>>) src(%dma_wait3A_122 : memref<10000x128xf32, #tpu.memory_space<hbm>>) dst(%arg11 : memref<40x128xf32, #tpu.memory_space<vmem>>)
      %dma_start3A_123 = arith.constant 0 : i32
      %dma_start3A_124 = tpu.memref_slice %arg8[%add3A_98, %dma_start3A_123] : memref<250x40xi32, #tpu.memory_space<vmem>> -> memref<1x40xi32, #tpu.memory_space<vmem>>
      %dma_start3A_125 = tpu.memref_squeeze %dma_start3A_124 : memref<1x40xi32, #tpu.memory_space<vmem>> -> memref<40xi32, #tpu.memory_space<vmem>>
      %dma_start3A_126 = arith.constant 0 : i32
      %dma_start3A_127 = arith.constant 0 : i32
      %dma_start3A_128 = tpu.memref_slice %arg9[%dma_start3A_126, %dma_start3A_127] : memref<10016x128xf32, #tpu.memory_space<vmem_shared>> -> memref<10016x128xf32, #tpu.memory_space<vmem_shared>>
      tpu.enqueue_indirect_dma source(%arg11 : memref<40x128xf32, #tpu.memory_space<vmem>>) target(%dma_start3A_128 : memref<10016x128xf32, #tpu.memory_space<vmem_shared>>) offsets(%dma_start3A_125 : memref<40xi32, #tpu.memory_space<vmem>>) semaphore(%arg21 : memref<!tpu.dma_semaphore, #tpu.memory_space<semaphore_mem>>) {add = true}
      %mul3A_129 = arith.constant 5 : i32
      %mul3A_130 = arith.muli %scan3A_65, %mul3A_129 : i32
      %add3A_131 = arith.constant 2 : i32
      %add3A_132 = arith.addi %mul3A_130, %add3A_131 : i32
      %add3A_133 = arith.constant 3 : i32
      %add3A_134 = arith.addi %add3A_132, %add3A_133 : i32
      %ge3A_135 = arith.constant 5 : i32
      %ge3A_136 = arith.cmpi sge, %add3A_134, %ge3A_135 : i32
      %lt3A_137 = arith.constant 250 : i32
      %lt3A_138 = arith.cmpi slt, %add3A_134, %lt3A_137 : i32
      %and3A_139 = arith.andi %ge3A_136, %lt3A_138 : i1
      %convert_element_type3A_140 = arith.extui %and3A_139 : i1 to i32
      %cond3A_141 = arith.constant 0 : i32
      %cond3A_142 = arith.cmpi ne, %convert_element_type3A_140, %cond3A_141 : i32
      scf.if %cond3A_142 {
        %sub3A = arith.constant 5 : i32
        %sub3A_231 = arith.subi %add3A_134, %sub3A : i32
        %dma_wait3A_232 = arith.constant 0 : i32
        %dma_wait3A_233 = tpu.memref_slice %arg8[%sub3A_231, %dma_wait3A_232] : memref<250x40xi32, #tpu.memory_space<vmem>> -> memref<1x40xi32, #tpu.memory_space<vmem>>
        %dma_wait3A_234 = tpu.memref_squeeze %dma_wait3A_233 : memref<1x40xi32, #tpu.memory_space<vmem>> -> memref<40xi32, #tpu.memory_space<vmem>>
        %dma_wait3A_235 = arith.constant 0 : i32
        %dma_wait3A_236 = arith.constant 0 : i32
        %dma_wait3A_237 = tpu.memref_slice %arg9[%dma_wait3A_235, %dma_wait3A_236] : memref<10016x128xf32, #tpu.memory_space<vmem_shared>> -> memref<10016x128xf32, #tpu.memory_space<vmem_shared>>
        tpu.wait_indirect_dma semaphore(%arg20 : memref<!tpu.dma_semaphore, #tpu.memory_space<semaphore_mem>>) src(%arg10 : memref<40x128xf32, #tpu.memory_space<vmem>>) dst(%dma_wait3A_237 : memref<10016x128xf32, #tpu.memory_space<vmem_shared>>)
        %dma_start3A_238 = arith.constant 0 : i32
        %dma_start3A_239 = tpu.memref_slice %arg7[%add3A_134, %dma_start3A_238] : memref<250x40xi32, #tpu.memory_space<vmem>> -> memref<1x40xi32, #tpu.memory_space<vmem>>
        %dma_start3A_240 = tpu.memref_squeeze %dma_start3A_239 : memref<1x40xi32, #tpu.memory_space<vmem>> -> memref<40xi32, #tpu.memory_space<vmem>>
        %dma_start3A_241 = arith.constant 0 : i32
        %dma_start3A_242 = arith.constant 0 : i32
        %dma_start3A_243 = tpu.memref_slice %arg2[%dma_start3A_241, %dma_start3A_242] : memref<10000x128xf32, #tpu.memory_space<hbm>> -> memref<10000x128xf32, #tpu.memory_space<hbm>>
        tpu.enqueue_indirect_dma source(%dma_start3A_243 : memref<10000x128xf32, #tpu.memory_space<hbm>>) target(%arg10 : memref<40x128xf32, #tpu.memory_space<vmem>>) offsets(%dma_start3A_240 : memref<40xi32, #tpu.memory_space<vmem>>) semaphore(%arg15 : memref<!tpu.dma_semaphore, #tpu.memory_space<semaphore_mem>>)
      } else {
      }
      %lt3A_143 = arith.constant 5 : i32
      %lt3A_144 = arith.cmpi slt, %add3A_134, %lt3A_143 : i32
      %lt3A_145 = arith.constant 250 : i32
      %lt3A_146 = arith.cmpi slt, %add3A_134, %lt3A_145 : i32
      %and3A_147 = arith.andi %lt3A_144, %lt3A_146 : i1
      %convert_element_type3A_148 = arith.extui %and3A_147 : i1 to i32
      %cond3A_149 = arith.constant 0 : i32
      %cond3A_150 = arith.cmpi ne, %convert_element_type3A_148, %cond3A_149 : i32
      scf.if %cond3A_150 {
        %dma_start3A_231 = arith.constant 0 : i32
        %dma_start3A_232 = tpu.memref_slice %arg7[%add3A_134, %dma_start3A_231] : memref<250x40xi32, #tpu.memory_space<vmem>> -> memref<1x40xi32, #tpu.memory_space<vmem>>
        %dma_start3A_233 = tpu.memref_squeeze %dma_start3A_232 : memref<1x40xi32, #tpu.memory_space<vmem>> -> memref<40xi32, #tpu.memory_space<vmem>>
        %dma_start3A_234 = arith.constant 0 : i32
        %dma_start3A_235 = arith.constant 0 : i32
        %dma_start3A_236 = tpu.memref_slice %arg2[%dma_start3A_234, %dma_start3A_235] : memref<10000x128xf32, #tpu.memory_space<hbm>> -> memref<10000x128xf32, #tpu.memory_space<hbm>>
        tpu.enqueue_indirect_dma source(%dma_start3A_236 : memref<10000x128xf32, #tpu.memory_space<hbm>>) target(%arg10 : memref<40x128xf32, #tpu.memory_space<vmem>>) offsets(%dma_start3A_233 : memref<40xi32, #tpu.memory_space<vmem>>) semaphore(%arg15 : memref<!tpu.dma_semaphore, #tpu.memory_space<semaphore_mem>>)
      } else {
      }
      %dma_wait3A_151 = arith.constant 0 : i32
      %dma_wait3A_152 = tpu.memref_slice %arg7[%add3A_132, %dma_wait3A_151] : memref<250x40xi32, #tpu.memory_space<vmem>> -> memref<1x40xi32, #tpu.memory_space<vmem>>
      %dma_wait3A_153 = tpu.memref_squeeze %dma_wait3A_152 : memref<1x40xi32, #tpu.memory_space<vmem>> -> memref<40xi32, #tpu.memory_space<vmem>>
      %dma_wait3A_154 = arith.constant 0 : i32
      %dma_wait3A_155 = arith.constant 0 : i32
      %dma_wait3A_156 = tpu.memref_slice %arg2[%dma_wait3A_154, %dma_wait3A_155] : memref<10000x128xf32, #tpu.memory_space<hbm>> -> memref<10000x128xf32, #tpu.memory_space<hbm>>
      tpu.wait_indirect_dma semaphore(%arg17 : memref<!tpu.dma_semaphore, #tpu.memory_space<semaphore_mem>>) src(%dma_wait3A_156 : memref<10000x128xf32, #tpu.memory_space<hbm>>) dst(%arg12 : memref<40x128xf32, #tpu.memory_space<vmem>>)
      %dma_start3A_157 = arith.constant 0 : i32
      %dma_start3A_158 = tpu.memref_slice %arg8[%add3A_132, %dma_start3A_157] : memref<250x40xi32, #tpu.memory_space<vmem>> -> memref<1x40xi32, #tpu.memory_space<vmem>>
      %dma_start3A_159 = tpu.memref_squeeze %dma_start3A_158 : memref<1x40xi32, #tpu.memory_space<vmem>> -> memref<40xi32, #tpu.memory_space<vmem>>
      %dma_start3A_160 = arith.constant 0 : i32
      %dma_start3A_161 = arith.constant 0 : i32
      %dma_start3A_162 = tpu.memref_slice %arg9[%dma_start3A_160, %dma_start3A_161] : memref<10016x128xf32, #tpu.memory_space<vmem_shared>> -> memref<10016x128xf32, #tpu.memory_space<vmem_shared>>
      tpu.enqueue_indirect_dma source(%arg12 : memref<40x128xf32, #tpu.memory_space<vmem>>) target(%dma_start3A_162 : memref<10016x128xf32, #tpu.memory_space<vmem_shared>>) offsets(%dma_start3A_159 : memref<40xi32, #tpu.memory_space<vmem>>) semaphore(%arg22 : memref<!tpu.dma_semaphore, #tpu.memory_space<semaphore_mem>>) {add = true}
      %mul3A_163 = arith.constant 5 : i32
      %mul3A_164 = arith.muli %scan3A_65, %mul3A_163 : i32
      %add3A_165 = arith.constant 3 : i32
      %add3A_166 = arith.addi %mul3A_164, %add3A_165 : i32
      %add3A_167 = arith.constant 3 : i32
      %add3A_168 = arith.addi %add3A_166, %add3A_167 : i32
      %ge3A_169 = arith.constant 5 : i32
      %ge3A_170 = arith.cmpi sge, %add3A_168, %ge3A_169 : i32
      %lt3A_171 = arith.constant 250 : i32
      %lt3A_172 = arith.cmpi slt, %add3A_168, %lt3A_171 : i32
      %and3A_173 = arith.andi %ge3A_170, %lt3A_172 : i1
      %convert_element_type3A_174 = arith.extui %and3A_173 : i1 to i32
      %cond3A_175 = arith.constant 0 : i32
      %cond3A_176 = arith.cmpi ne, %convert_element_type3A_174, %cond3A_175 : i32
      scf.if %cond3A_176 {
        %sub3A = arith.constant 5 : i32
        %sub3A_231 = arith.subi %add3A_168, %sub3A : i32
        %dma_wait3A_232 = arith.constant 0 : i32
        %dma_wait3A_233 = tpu.memref_slice %arg8[%sub3A_231, %dma_wait3A_232] : memref<250x40xi32, #tpu.memory_space<vmem>> -> memref<1x40xi32, #tpu.memory_space<vmem>>
        %dma_wait3A_234 = tpu.memref_squeeze %dma_wait3A_233 : memref<1x40xi32, #tpu.memory_space<vmem>> -> memref<40xi32, #tpu.memory_space<vmem>>
        %dma_wait3A_235 = arith.constant 0 : i32
        %dma_wait3A_236 = arith.constant 0 : i32
        %dma_wait3A_237 = tpu.memref_slice %arg9[%dma_wait3A_235, %dma_wait3A_236] : memref<10016x128xf32, #tpu.memory_space<vmem_shared>> -> memref<10016x128xf32, #tpu.memory_space<vmem_shared>>
        tpu.wait_indirect_dma semaphore(%arg21 : memref<!tpu.dma_semaphore, #tpu.memory_space<semaphore_mem>>) src(%arg11 : memref<40x128xf32, #tpu.memory_space<vmem>>) dst(%dma_wait3A_237 : memref<10016x128xf32, #tpu.memory_space<vmem_shared>>)
        %dma_start3A_238 = arith.constant 0 : i32
        %dma_start3A_239 = tpu.memref_slice %arg7[%add3A_168, %dma_start3A_238] : memref<250x40xi32, #tpu.memory_space<vmem>> -> memref<1x40xi32, #tpu.memory_space<vmem>>
        %dma_start3A_240 = tpu.memref_squeeze %dma_start3A_239 : memref<1x40xi32, #tpu.memory_space<vmem>> -> memref<40xi32, #tpu.memory_space<vmem>>
        %dma_start3A_241 = arith.constant 0 : i32
        %dma_start3A_242 = arith.constant 0 : i32
        %dma_start3A_243 = tpu.memref_slice %arg2[%dma_start3A_241, %dma_start3A_242] : memref<10000x128xf32, #tpu.memory_space<hbm>> -> memref<10000x128xf32, #tpu.memory_space<hbm>>
        tpu.enqueue_indirect_dma source(%dma_start3A_243 : memref<10000x128xf32, #tpu.memory_space<hbm>>) target(%arg11 : memref<40x128xf32, #tpu.memory_space<vmem>>) offsets(%dma_start3A_240 : memref<40xi32, #tpu.memory_space<vmem>>) semaphore(%arg16 : memref<!tpu.dma_semaphore, #tpu.memory_space<semaphore_mem>>)
      } else {
      }
      %lt3A_177 = arith.constant 5 : i32
      %lt3A_178 = arith.cmpi slt, %add3A_168, %lt3A_177 : i32
      %lt3A_179 = arith.constant 250 : i32
      %lt3A_180 = arith.cmpi slt, %add3A_168, %lt3A_179 : i32
      %and3A_181 = arith.andi %lt3A_178, %lt3A_180 : i1
      %convert_element_type3A_182 = arith.extui %and3A_181 : i1 to i32
      %cond3A_183 = arith.constant 0 : i32
      %cond3A_184 = arith.cmpi ne, %convert_element_type3A_182, %cond3A_183 : i32
      scf.if %cond3A_184 {
        %dma_start3A_231 = arith.constant 0 : i32
        %dma_start3A_232 = tpu.memref_slice %arg7[%add3A_168, %dma_start3A_231] : memref<250x40xi32, #tpu.memory_space<vmem>> -> memref<1x40xi32, #tpu.memory_space<vmem>>
        %dma_start3A_233 = tpu.memref_squeeze %dma_start3A_232 : memref<1x40xi32, #tpu.memory_space<vmem>> -> memref<40xi32, #tpu.memory_space<vmem>>
        %dma_start3A_234 = arith.constant 0 : i32
        %dma_start3A_235 = arith.constant 0 : i32
        %dma_start3A_236 = tpu.memref_slice %arg2[%dma_start3A_234, %dma_start3A_235] : memref<10000x128xf32, #tpu.memory_space<hbm>> -> memref<10000x128xf32, #tpu.memory_space<hbm>>
        tpu.enqueue_indirect_dma source(%dma_start3A_236 : memref<10000x128xf32, #tpu.memory_space<hbm>>) target(%arg11 : memref<40x128xf32, #tpu.memory_space<vmem>>) offsets(%dma_start3A_233 : memref<40xi32, #tpu.memory_space<vmem>>) semaphore(%arg16 : memref<!tpu.dma_semaphore, #tpu.memory_space<semaphore_mem>>)
      } else {
      }
      %dma_wait3A_185 = arith.constant 0 : i32
      %dma_wait3A_186 = tpu.memref_slice %arg7[%add3A_166, %dma_wait3A_185] : memref<250x40xi32, #tpu.memory_space<vmem>> -> memref<1x40xi32, #tpu.memory_space<vmem>>
      %dma_wait3A_187 = tpu.memref_squeeze %dma_wait3A_186 : memref<1x40xi32, #tpu.memory_space<vmem>> -> memref<40xi32, #tpu.memory_space<vmem>>
      %dma_wait3A_188 = arith.constant 0 : i32
      %dma_wait3A_189 = arith.constant 0 : i32
      %dma_wait3A_190 = tpu.memref_slice %arg2[%dma_wait3A_188, %dma_wait3A_189] : memref<10000x128xf32, #tpu.memory_space<hbm>> -> memref<10000x128xf32, #tpu.memory_space<hbm>>
      tpu.wait_indirect_dma semaphore(%arg18 : memref<!tpu.dma_semaphore, #tpu.memory_space<semaphore_mem>>) src(%dma_wait3A_190 : memref<10000x128xf32, #tpu.memory_space<hbm>>) dst(%arg13 : memref<40x128xf32, #tpu.memory_space<vmem>>)
      %dma_start3A_191 = arith.constant 0 : i32
      %dma_start3A_192 = tpu.memref_slice %arg8[%add3A_166, %dma_start3A_191] : memref<250x40xi32, #tpu.memory_space<vmem>> -> memref<1x40xi32, #tpu.memory_space<vmem>>
      %dma_start3A_193 = tpu.memref_squeeze %dma_start3A_192 : memref<1x40xi32, #tpu.memory_space<vmem>> -> memref<40xi32, #tpu.memory_space<vmem>>
      %dma_start3A_194 = arith.constant 0 : i32
      %dma_start3A_195 = arith.constant 0 : i32
      %dma_start3A_196 = tpu.memref_slice %arg9[%dma_start3A_194, %dma_start3A_195] : memref<10016x128xf32, #tpu.memory_space<vmem_shared>> -> memref<10016x128xf32, #tpu.memory_space<vmem_shared>>
      tpu.enqueue_indirect_dma source(%arg13 : memref<40x128xf32, #tpu.memory_space<vmem>>) target(%dma_start3A_196 : memref<10016x128xf32, #tpu.memory_space<vmem_shared>>) offsets(%dma_start3A_193 : memref<40xi32, #tpu.memory_space<vmem>>) semaphore(%arg23 : memref<!tpu.dma_semaphore, #tpu.memory_space<semaphore_mem>>) {add = true}
      %mul3A_197 = arith.constant 5 : i32
      %mul3A_198 = arith.muli %scan3A_65, %mul3A_197 : i32
      %add3A_199 = arith.constant 4 : i32
      %add3A_200 = arith.addi %mul3A_198, %add3A_199 : i32
      %add3A_201 = arith.constant 3 : i32
      %add3A_202 = arith.addi %add3A_200, %add3A_201 : i32
      %ge3A_203 = arith.constant 5 : i32
      %ge3A_204 = arith.cmpi sge, %add3A_202, %ge3A_203 : i32
      %lt3A_205 = arith.constant 250 : i32
      %lt3A_206 = arith.cmpi slt, %add3A_202, %lt3A_205 : i32
      %and3A_207 = arith.andi %ge3A_204, %lt3A_206 : i1
      %convert_element_type3A_208 = arith.extui %and3A_207 : i1 to i32
      %cond3A_209 = arith.constant 0 : i32
      %cond3A_210 = arith.cmpi ne, %convert_element_type3A_208, %cond3A_209 : i32
      scf.if %cond3A_210 {
        %sub3A = arith.constant 5 : i32
        %sub3A_231 = arith.subi %add3A_202, %sub3A : i32
        %dma_wait3A_232 = arith.constant 0 : i32
        %dma_wait3A_233 = tpu.memref_slice %arg8[%sub3A_231, %dma_wait3A_232] : memref<250x40xi32, #tpu.memory_space<vmem>> -> memref<1x40xi32, #tpu.memory_space<vmem>>
        %dma_wait3A_234 = tpu.memref_squeeze %dma_wait3A_233 : memref<1x40xi32, #tpu.memory_space<vmem>> -> memref<40xi32, #tpu.memory_space<vmem>>
        %dma_wait3A_235 = arith.constant 0 : i32
        %dma_wait3A_236 = arith.constant 0 : i32
        %dma_wait3A_237 = tpu.memref_slice %arg9[%dma_wait3A_235, %dma_wait3A_236] : memref<10016x128xf32, #tpu.memory_space<vmem_shared>> -> memref<10016x128xf32, #tpu.memory_space<vmem_shared>>
        tpu.wait_indirect_dma semaphore(%arg22 : memref<!tpu.dma_semaphore, #tpu.memory_space<semaphore_mem>>) src(%arg12 : memref<40x128xf32, #tpu.memory_space<vmem>>) dst(%dma_wait3A_237 : memref<10016x128xf32, #tpu.memory_space<vmem_shared>>)
        %dma_start3A_238 = arith.constant 0 : i32
        %dma_start3A_239 = tpu.memref_slice %arg7[%add3A_202, %dma_start3A_238] : memref<250x40xi32, #tpu.memory_space<vmem>> -> memref<1x40xi32, #tpu.memory_space<vmem>>
        %dma_start3A_240 = tpu.memref_squeeze %dma_start3A_239 : memref<1x40xi32, #tpu.memory_space<vmem>> -> memref<40xi32, #tpu.memory_space<vmem>>
        %dma_start3A_241 = arith.constant 0 : i32
        %dma_start3A_242 = arith.constant 0 : i32
        %dma_start3A_243 = tpu.memref_slice %arg2[%dma_start3A_241, %dma_start3A_242] : memref<10000x128xf32, #tpu.memory_space<hbm>> -> memref<10000x128xf32, #tpu.memory_space<hbm>>
        tpu.enqueue_indirect_dma source(%dma_start3A_243 : memref<10000x128xf32, #tpu.memory_space<hbm>>) target(%arg12 : memref<40x128xf32, #tpu.memory_space<vmem>>) offsets(%dma_start3A_240 : memref<40xi32, #tpu.memory_space<vmem>>) semaphore(%arg17 : memref<!tpu.dma_semaphore, #tpu.memory_space<semaphore_mem>>)
      } else {
      }
      %lt3A_211 = arith.constant 5 : i32
      %lt3A_212 = arith.cmpi slt, %add3A_202, %lt3A_211 : i32
      %lt3A_213 = arith.constant 250 : i32
      %lt3A_214 = arith.cmpi slt, %add3A_202, %lt3A_213 : i32
      %and3A_215 = arith.andi %lt3A_212, %lt3A_214 : i1
      %convert_element_type3A_216 = arith.extui %and3A_215 : i1 to i32
      %cond3A_217 = arith.constant 0 : i32
      %cond3A_218 = arith.cmpi ne, %convert_element_type3A_216, %cond3A_217 : i32
      scf.if %cond3A_218 {
        %dma_start3A_231 = arith.constant 0 : i32
        %dma_start3A_232 = tpu.memref_slice %arg7[%add3A_202, %dma_start3A_231] : memref<250x40xi32, #tpu.memory_space<vmem>> -> memref<1x40xi32, #tpu.memory_space<vmem>>
        %dma_start3A_233 = tpu.memref_squeeze %dma_start3A_232 : memref<1x40xi32, #tpu.memory_space<vmem>> -> memref<40xi32, #tpu.memory_space<vmem>>
        %dma_start3A_234 = arith.constant 0 : i32
        %dma_start3A_235 = arith.constant 0 : i32
        %dma_start3A_236 = tpu.memref_slice %arg2[%dma_start3A_234, %dma_start3A_235] : memref<10000x128xf32, #tpu.memory_space<hbm>> -> memref<10000x128xf32, #tpu.memory_space<hbm>>
        tpu.enqueue_indirect_dma source(%dma_start3A_236 : memref<10000x128xf32, #tpu.memory_space<hbm>>) target(%arg12 : memref<40x128xf32, #tpu.memory_space<vmem>>) offsets(%dma_start3A_233 : memref<40xi32, #tpu.memory_space<vmem>>) semaphore(%arg17 : memref<!tpu.dma_semaphore, #tpu.memory_space<semaphore_mem>>)
      } else {
      }
      %dma_wait3A_219 = arith.constant 0 : i32
      %dma_wait3A_220 = tpu.memref_slice %arg7[%add3A_200, %dma_wait3A_219] : memref<250x40xi32, #tpu.memory_space<vmem>> -> memref<1x40xi32, #tpu.memory_space<vmem>>
      %dma_wait3A_221 = tpu.memref_squeeze %dma_wait3A_220 : memref<1x40xi32, #tpu.memory_space<vmem>> -> memref<40xi32, #tpu.memory_space<vmem>>
      %dma_wait3A_222 = arith.constant 0 : i32
      %dma_wait3A_223 = arith.constant 0 : i32
      %dma_wait3A_224 = tpu.memref_slice %arg2[%dma_wait3A_222, %dma_wait3A_223] : memref<10000x128xf32, #tpu.memory_space<hbm>> -> memref<10000x128xf32, #tpu.memory_space<hbm>>
      tpu.wait_indirect_dma semaphore(%arg19 : memref<!tpu.dma_semaphore, #tpu.memory_space<semaphore_mem>>) src(%dma_wait3A_224 : memref<10000x128xf32, #tpu.memory_space<hbm>>) dst(%arg14 : memref<40x128xf32, #tpu.memory_space<vmem>>)
      %dma_start3A_225 = arith.constant 0 : i32
      %dma_start3A_226 = tpu.memref_slice %arg8[%add3A_200, %dma_start3A_225] : memref<250x40xi32, #tpu.memory_space<vmem>> -> memref<1x40xi32, #tpu.memory_space<vmem>>
      %dma_start3A_227 = tpu.memref_squeeze %dma_start3A_226 : memref<1x40xi32, #tpu.memory_space<vmem>> -> memref<40xi32, #tpu.memory_space<vmem>>
      %dma_start3A_228 = arith.constant 0 : i32
      %dma_start3A_229 = arith.constant 0 : i32
      %dma_start3A_230 = tpu.memref_slice %arg9[%dma_start3A_228, %dma_start3A_229] : memref<10016x128xf32, #tpu.memory_space<vmem_shared>> -> memref<10016x128xf32, #tpu.memory_space<vmem_shared>>
      tpu.enqueue_indirect_dma source(%arg14 : memref<40x128xf32, #tpu.memory_space<vmem>>) target(%dma_start3A_230 : memref<10016x128xf32, #tpu.memory_space<vmem_shared>>) offsets(%dma_start3A_227 : memref<40xi32, #tpu.memory_space<vmem>>) semaphore(%arg24 : memref<!tpu.dma_semaphore, #tpu.memory_space<semaphore_mem>>) {add = true}
    }
    %scan3A_29 = arith.constant 50 : i32
    %dma_wait3A = arith.constant 245 : i32
    %dma_wait3A_30 = arith.constant 0 : i32
    %dma_wait3A_31 = tpu.memref_slice %arg8[%dma_wait3A, %dma_wait3A_30] : memref<250x40xi32, #tpu.memory_space<vmem>> -> memref<1x40xi32, #tpu.memory_space<vmem>>
    %dma_wait3A_32 = tpu.memref_squeeze %dma_wait3A_31 : memref<1x40xi32, #tpu.memory_space<vmem>> -> memref<40xi32, #tpu.memory_space<vmem>>
    %dma_wait3A_33 = arith.constant 0 : i32
    %dma_wait3A_34 = arith.constant 0 : i32
    %dma_wait3A_35 = tpu.memref_slice %arg9[%dma_wait3A_33, %dma_wait3A_34] : memref<10016x128xf32, #tpu.memory_space<vmem_shared>> -> memref<10016x128xf32, #tpu.memory_space<vmem_shared>>
    tpu.wait_indirect_dma semaphore(%arg20 : memref<!tpu.dma_semaphore, #tpu.memory_space<semaphore_mem>>) src(%arg10 : memref<40x128xf32, #tpu.memory_space<vmem>>) dst(%dma_wait3A_35 : memref<10016x128xf32, #tpu.memory_space<vmem_shared>>)
    %dma_wait3A_36 = arith.constant 246 : i32
    %dma_wait3A_37 = arith.constant 0 : i32
    %dma_wait3A_38 = tpu.memref_slice %arg8[%dma_wait3A_36, %dma_wait3A_37] : memref<250x40xi32, #tpu.memory_space<vmem>> -> memref<1x40xi32, #tpu.memory_space<vmem>>
    %dma_wait3A_39 = tpu.memref_squeeze %dma_wait3A_38 : memref<1x40xi32, #tpu.memory_space<vmem>> -> memref<40xi32, #tpu.memory_space<vmem>>
    %dma_wait3A_40 = arith.constant 0 : i32
    %dma_wait3A_41 = arith.constant 0 : i32
    %dma_wait3A_42 = tpu.memref_slice %arg9[%dma_wait3A_40, %dma_wait3A_41] : memref<10016x128xf32, #tpu.memory_space<vmem_shared>> -> memref<10016x128xf32, #tpu.memory_space<vmem_shared>>
    tpu.wait_indirect_dma semaphore(%arg21 : memref<!tpu.dma_semaphore, #tpu.memory_space<semaphore_mem>>) src(%arg11 : memref<40x128xf32, #tpu.memory_space<vmem>>) dst(%dma_wait3A_42 : memref<10016x128xf32, #tpu.memory_space<vmem_shared>>)
    %dma_wait3A_43 = arith.constant 247 : i32
    %dma_wait3A_44 = arith.constant 0 : i32
    %dma_wait3A_45 = tpu.memref_slice %arg8[%dma_wait3A_43, %dma_wait3A_44] : memref<250x40xi32, #tpu.memory_space<vmem>> -> memref<1x40xi32, #tpu.memory_space<vmem>>
    %dma_wait3A_46 = tpu.memref_squeeze %dma_wait3A_45 : memref<1x40xi32, #tpu.memory_space<vmem>> -> memref<40xi32, #tpu.memory_space<vmem>>
    %dma_wait3A_47 = arith.constant 0 : i32
    %dma_wait3A_48 = arith.constant 0 : i32
    %dma_wait3A_49 = tpu.memref_slice %arg9[%dma_wait3A_47, %dma_wait3A_48] : memref<10016x128xf32, #tpu.memory_space<vmem_shared>> -> memref<10016x128xf32, #tpu.memory_space<vmem_shared>>
    tpu.wait_indirect_dma semaphore(%arg22 : memref<!tpu.dma_semaphore, #tpu.memory_space<semaphore_mem>>) src(%arg12 : memref<40x128xf32, #tpu.memory_space<vmem>>) dst(%dma_wait3A_49 : memref<10016x128xf32, #tpu.memory_space<vmem_shared>>)
    %dma_wait3A_50 = arith.constant 248 : i32
    %dma_wait3A_51 = arith.constant 0 : i32
    %dma_wait3A_52 = tpu.memref_slice %arg8[%dma_wait3A_50, %dma_wait3A_51] : memref<250x40xi32, #tpu.memory_space<vmem>> -> memref<1x40xi32, #tpu.memory_space<vmem>>
    %dma_wait3A_53 = tpu.memref_squeeze %dma_wait3A_52 : memref<1x40xi32, #tpu.memory_space<vmem>> -> memref<40xi32, #tpu.memory_space<vmem>>
    %dma_wait3A_54 = arith.constant 0 : i32
    %dma_wait3A_55 = arith.constant 0 : i32
    %dma_wait3A_56 = tpu.memref_slice %arg9[%dma_wait3A_54, %dma_wait3A_55] : memref<10016x128xf32, #tpu.memory_space<vmem_shared>> -> memref<10016x128xf32, #tpu.memory_space<vmem_shared>>
    tpu.wait_indirect_dma semaphore(%arg23 : memref<!tpu.dma_semaphore, #tpu.memory_space<semaphore_mem>>) src(%arg13 : memref<40x128xf32, #tpu.memory_space<vmem>>) dst(%dma_wait3A_56 : memref<10016x128xf32, #tpu.memory_space<vmem_shared>>)
    %dma_wait3A_57 = arith.constant 249 : i32
    %dma_wait3A_58 = arith.constant 0 : i32
    %dma_wait3A_59 = tpu.memref_slice %arg8[%dma_wait3A_57, %dma_wait3A_58] : memref<250x40xi32, #tpu.memory_space<vmem>> -> memref<1x40xi32, #tpu.memory_space<vmem>>
    %dma_wait3A_60 = tpu.memref_squeeze %dma_wait3A_59 : memref<1x40xi32, #tpu.memory_space<vmem>> -> memref<40xi32, #tpu.memory_space<vmem>>
    %dma_wait3A_61 = arith.constant 0 : i32
    %dma_wait3A_62 = arith.constant 0 : i32
    %dma_wait3A_63 = tpu.memref_slice %arg9[%dma_wait3A_61, %dma_wait3A_62] : memref<10016x128xf32, #tpu.memory_space<vmem_shared>> -> memref<10016x128xf32, #tpu.memory_space<vmem_shared>>
    tpu.wait_indirect_dma semaphore(%arg24 : memref<!tpu.dma_semaphore, #tpu.memory_space<semaphore_mem>>) src(%arg14 : memref<40x128xf32, #tpu.memory_space<vmem>>) dst(%dma_wait3A_63 : memref<10016x128xf32, #tpu.memory_space<vmem_shared>>)
    %barrier3A_64 = arith.constant 0 : index
    tpu.barrier barrier_id(%barrier3A_64)
    "tpu.region"() ({
      %run_scoped3A = tpu.sem_alloc : memref<!tpu.dma_semaphore, #tpu.memory_space<semaphore_mem>>
      %dma_start3A_65 = arith.constant 0 : i32
      %dma_start3A_66 = tpu.memref_slice %arg6[%arg0, %mul3A_2, %dma_start3A_65] : memref<2x10000x128xf32, #tpu.memory_space<hbm>> -> memref<1x625x128xf32, #tpu.memory_space<hbm>>
      %dma_start3A_67 = tpu.memref_squeeze %dma_start3A_66 : memref<1x625x128xf32, #tpu.memory_space<hbm>> -> memref<625x128xf32, #tpu.memory_space<hbm>>
      %dma_start3A_68 = arith.constant 0 : i32
      %dma_start3A_69 = tpu.memref_slice %arg9[%mul3A_2, %dma_start3A_68] : memref<10016x128xf32, #tpu.memory_space<vmem_shared>> -> memref<625x128xf32, #tpu.memory_space<vmem_shared>>
      tpu.enqueue_dma source(%dma_start3A_69 : memref<625x128xf32, #tpu.memory_space<vmem_shared>>) target(%dma_start3A_67 : memref<625x128xf32, #tpu.memory_space<hbm>>) target_semaphore(%run_scoped3A : memref<!tpu.dma_semaphore, #tpu.memory_space<semaphore_mem>>)
      %dma_wait3A_70 = arith.constant 0 : i32
      %dma_wait3A_71 = tpu.memref_slice %arg6[%arg0, %mul3A_2, %dma_wait3A_70] : memref<2x10000x128xf32, #tpu.memory_space<hbm>> -> memref<1x625x128xf32, #tpu.memory_space<hbm>>
      %dma_wait3A_72 = tpu.memref_squeeze %dma_wait3A_71 : memref<1x625x128xf32, #tpu.memory_space<hbm>> -> memref<625x128xf32, #tpu.memory_space<hbm>>
      %dma_wait3A_73 = arith.constant 0 : i32
      %dma_wait3A_74 = tpu.memref_slice %arg9[%mul3A_2, %dma_wait3A_73] : memref<10016x128xf32, #tpu.memory_space<vmem_shared>> -> memref<625x128xf32, #tpu.memory_space<vmem_shared>>
      tpu.wait_dma2 semaphore(%run_scoped3A : memref<!tpu.dma_semaphore, #tpu.memory_space<semaphore_mem>>) src(%dma_wait3A_74 : memref<625x128xf32, #tpu.memory_space<vmem_shared>>) dst(%dma_wait3A_72 : memref<625x128xf32, #tpu.memory_space<hbm>>)
      tpu.yield
    }) : () -> ()
    return
  }
}

module attributes {stable_mosaic.version = 14 : i64} {
  func.func @body(%arg0: i32, %arg1: memref<2x1000x128xf32, #tpu.memory_space<vmem>>, %arg2: memref<2x1000x16xf32, #tpu.memory_space<vmem>>, %arg3: memref<1000x128xf32, #tpu.memory_space<vmem>>, %arg4: memref<128x128xf32, #tpu.memory_space<vmem>>, %arg5: memref<128x128xf32, #tpu.memory_space<vmem>>, %arg6: memref<1x128xf32, #tpu.memory_space<vmem>>, %arg7: memref<1000x128xf32, #tpu.memory_space<vmem>>) attributes {dimension_semantics = [#tpu.dimension_semantics<arbitrary>], iteration_bounds = array<i64: 10>, scalar_prefetch = 0 : i64, scratch_operands = 0 : i64, tpu.core_type = #tpu.core_type<tc>, window_params = [{transform_indices = @transform_0, window_bounds = array<i64: 2, 1000, 128>}, {transform_indices = @transform_1, window_bounds = array<i64: 2, 1000, 16>}, {transform_indices = @transform_2, window_bounds = array<i64: 1000, 128>}, {pipeline_mode = #tpu.pipeline_mode<synchronous>, transform_indices = @transform_3, window_bounds = array<i64: 128, 128>}, {pipeline_mode = #tpu.pipeline_mode<synchronous>, transform_indices = @transform_4, window_bounds = array<i64: 128, 128>}, {pipeline_mode = #tpu.pipeline_mode<synchronous>, transform_indices = @transform_5, window_bounds = array<i64: 1, 128>}, {transform_indices = @transform_6, window_bounds = array<i64: 1000, 128>}]} {
    %get3A = arith.constant 0 : index
    %get3A_0 = arith.constant 0 : index
    %get3A_1 = arith.constant 0 : index
    %get3A_2 = vector.load %arg1[%get3A, %get3A_0, %get3A_1] : memref<2x1000x128xf32, #tpu.memory_space<vmem>>, vector<1x1000x128xf32>
    %get3A_3 = vector.shape_cast %get3A_2 : vector<1x1000x128xf32> to vector<1000x128xf32>
    %get3A_4 = arith.constant 1 : index
    %get3A_5 = arith.constant 0 : index
    %get3A_6 = arith.constant 0 : index
    %get3A_7 = vector.load %arg1[%get3A_4, %get3A_5, %get3A_6] : memref<2x1000x128xf32, #tpu.memory_space<vmem>>, vector<1x1000x128xf32>
    %get3A_8 = vector.shape_cast %get3A_7 : vector<1x1000x128xf32> to vector<1000x128xf32>
    %add3A = arith.addf %get3A_3, %get3A_8 : vector<1000x128xf32>
    %get3A_9 = arith.constant 0 : index
    %get3A_10 = arith.constant 0 : index
    %get3A_11 = arith.constant 0 : index
    %get3A_12 = vector.load %arg2[%get3A_9, %get3A_10, %get3A_11] : memref<2x1000x16xf32, #tpu.memory_space<vmem>>, vector<1x1000x16xf32>
    %get3A_13 = vector.shape_cast %get3A_12 : vector<1x1000x16xf32> to vector<1000x16xf32>
    %get3A_14 = arith.constant 1 : index
    %get3A_15 = arith.constant 0 : index
    %get3A_16 = arith.constant 0 : index
    %get3A_17 = vector.load %arg2[%get3A_14, %get3A_15, %get3A_16] : memref<2x1000x16xf32, #tpu.memory_space<vmem>>, vector<1x1000x16xf32>
    %get3A_18 = vector.shape_cast %get3A_17 : vector<1x1000x16xf32> to vector<1000x16xf32>
    %add3A_19 = arith.addf %get3A_13, %get3A_18 : vector<1000x16xf32>
    %slice3A = vector.extract_strided_slice %add3A_19 {offsets = [0, 0], sizes = [1000, 1], strides = [1, 1]} : vector<1000x16xf32> to vector<1000x1xf32>
    %max3A = arith.constant 1.000000e+00 : f32
    %max3A_20 = vector.broadcast %max3A : f32 to vector<1000x1xf32>
    %max3A_21 = arith.maximumf %slice3A, %max3A_20 : vector<1000x1xf32>
    %get3A_22 = arith.constant 0 : index
    %get3A_23 = arith.constant 0 : index
    %get3A_24 = vector.load %arg4[%get3A_22, %get3A_23] : memref<128x128xf32, #tpu.memory_space<vmem>>, vector<128x128xf32>
    %dot_general3A = arith.constant dense<0.000000e+00> : vector<1000x128xf32>
    %dot_general3A_25 = tpu.matmul %add3A, %get3A_24, %dot_general3A {dimension_numbers = #tpu.dot_dimension_numbers<[1], [0], [0], [1], [0, 0, 1, 1], [], []>, transpose_lhs_hint = false} : vector<1000x128xf32>, vector<128x128xf32>, vector<1000x128xf32> -> vector<1000x128xf32>
    %div3A = vector.broadcast %max3A_21 : vector<1000x1xf32> to vector<1000x128xf32>
    %div3A_26 = arith.divf %dot_general3A_25, %div3A : vector<1000x128xf32>
    %get3A_27 = arith.constant 0 : index
    %get3A_28 = arith.constant 0 : index
    %get3A_29 = vector.load %arg3[%get3A_27, %get3A_28] : memref<1000x128xf32, #tpu.memory_space<vmem>>, vector<1000x128xf32>
    %get3A_30 = arith.constant 0 : index
    %get3A_31 = arith.constant 0 : index
    %get3A_32 = vector.load %arg5[%get3A_30, %get3A_31] : memref<128x128xf32, #tpu.memory_space<vmem>>, vector<128x128xf32>
    %dot_general3A_33 = arith.constant dense<0.000000e+00> : vector<1000x128xf32>
    %dot_general3A_34 = tpu.matmul %get3A_29, %get3A_32, %dot_general3A_33 {dimension_numbers = #tpu.dot_dimension_numbers<[1], [0], [0], [1], [0, 0, 1, 1], [], []>, transpose_lhs_hint = false} : vector<1000x128xf32>, vector<128x128xf32>, vector<1000x128xf32> -> vector<1000x128xf32>
    %add3A_35 = arith.addf %div3A_26, %dot_general3A_34 : vector<1000x128xf32>
    %get3A_36 = arith.constant 0 : index
    %get3A_37 = arith.constant 0 : index
    %get3A_38 = vector.load %arg6[%get3A_36, %get3A_37] : memref<1x128xf32, #tpu.memory_space<vmem>>, vector<1x128xf32>
    %add3A_39 = vector.broadcast %get3A_38 : vector<1x128xf32> to vector<1000x128xf32>
    %add3A_40 = arith.addf %add3A_35, %add3A_39 : vector<1000x128xf32>
    %mul3A = arith.mulf %add3A_40, %add3A_40 : vector<1000x128xf32>
    %reduce_sum3A = arith.constant dense<0.000000e+00> : vector<1000xf32>
    %reduce_sum3A_41 = vector.multi_reduction <add>, %mul3A, %reduce_sum3A [1] : vector<1000x128xf32> to vector<1000xf32>
    %broadcast_in_dim3A = vector.shape_cast %reduce_sum3A_41 : vector<1000xf32> to vector<1000x1xf32>
    %sqrt3A = math.sqrt %broadcast_in_dim3A : vector<1000x1xf32>
    %max3A_42 = arith.constant 9.99999996E-13 : f32
    %max3A_43 = vector.broadcast %max3A_42 : f32 to vector<1000x1xf32>
    %max3A_44 = arith.maximumf %sqrt3A, %max3A_43 : vector<1000x1xf32>
    %div3A_45 = vector.broadcast %max3A_44 : vector<1000x1xf32> to vector<1000x128xf32>
    %div3A_46 = arith.divf %add3A_40, %div3A_45 : vector<1000x128xf32>
    %swap3A = arith.constant 0 : index
    %swap3A_47 = arith.constant 0 : index
    %swap3A_48 = vector.load %arg7[%swap3A, %swap3A_47] : memref<1000x128xf32, #tpu.memory_space<vmem>>, vector<1000x128xf32>
    tpu.vector_store %arg7[%swap3A, %swap3A_47], %div3A_46 {strides = array<i32>} : memref<1000x128xf32, #tpu.memory_space<vmem>>, vector<1000x128xf32>,
    return
  }
  func.func @transform_0(%arg0: i32) -> (i32, i32, i32) {
    %c0_i32 = arith.constant 0 : i32
    %c0_i32_0 = arith.constant 0 : i32
    %c0_i32_1 = arith.constant 0 : i32
    return %c0_i32, %arg0, %c0_i32_0 : i32, i32, i32
  }
  func.func @transform_1(%arg0: i32) -> (i32, i32, i32) {
    %c0_i32 = arith.constant 0 : i32
    %c0_i32_0 = arith.constant 0 : i32
    %c0_i32_1 = arith.constant 0 : i32
    return %c0_i32, %arg0, %c0_i32_0 : i32, i32, i32
  }
  func.func @transform_2(%arg0: i32) -> (i32, i32) {
    %c0_i32 = arith.constant 0 : i32
    %c0_i32_0 = arith.constant 0 : i32
    return %arg0, %c0_i32 : i32, i32
  }
  func.func @transform_3(%arg0: i32) -> (i32, i32) {
    %c0_i32 = arith.constant 0 : i32
    %c0_i32_0 = arith.constant 0 : i32
    %c0_i32_1 = arith.constant 0 : i32
    return %c0_i32, %c0_i32_0 : i32, i32
  }
  func.func @transform_4(%arg0: i32) -> (i32, i32) {
    %c0_i32 = arith.constant 0 : i32
    %c0_i32_0 = arith.constant 0 : i32
    %c0_i32_1 = arith.constant 0 : i32
    return %c0_i32, %c0_i32_0 : i32, i32
  }
  func.func @transform_5(%arg0: i32) -> (i32, i32) {
    %c0_i32 = arith.constant 0 : i32
    %c0_i32_0 = arith.constant 0 : i32
    %c0_i32_1 = arith.constant 0 : i32
    return %c0_i32, %c0_i32_0 : i32, i32
  }
  func.func @transform_6(%arg0: i32) -> (i32, i32) {
    %c0_i32 = arith.constant 0 : i32
    %c0_i32_0 = arith.constant 0 : i32
    return %arg0, %c0_i32 : i32, i32
  }
}

module attributes {stable_mosaic.version = 14 : i64} {
  func.func @body(%arg0: i32, %arg1: memref<2x1000x128xf32, #tpu.memory_space<vmem>>, %arg2: memref<2x1000x16xf32, #tpu.memory_space<vmem>>, %arg3: memref<1000x128xf32, #tpu.memory_space<vmem>>, %arg4: memref<128x128xf32, #tpu.memory_space<vmem>>, %arg5: memref<128x128xf32, #tpu.memory_space<vmem>>, %arg6: memref<1x128xf32, #tpu.memory_space<vmem>>, %arg7: memref<1000x128xf32, #tpu.memory_space<vmem>>) attributes {dimension_semantics = [#tpu.dimension_semantics<arbitrary>], iteration_bounds = array<i64: 10>, scalar_prefetch = 0 : i64, scratch_operands = 0 : i64, tpu.core_type = #tpu.core_type<tc>, window_params = [{transform_indices = @transform_0, window_bounds = array<i64: 2, 1000, 128>}, {transform_indices = @transform_1, window_bounds = array<i64: 2, 1000, 16>}, {transform_indices = @transform_2, window_bounds = array<i64: 1000, 128>}, {pipeline_mode = #tpu.pipeline_mode<synchronous>, transform_indices = @transform_3, window_bounds = array<i64: 128, 128>}, {pipeline_mode = #tpu.pipeline_mode<synchronous>, transform_indices = @transform_4, window_bounds = array<i64: 128, 128>}, {pipeline_mode = #tpu.pipeline_mode<synchronous>, transform_indices = @transform_5, window_bounds = array<i64: 1, 128>}, {transform_indices = @transform_6, window_bounds = array<i64: 1000, 128>}]} {
    %get3A = arith.constant 0 : index
    %get3A_0 = arith.constant 0 : index
    %get3A_1 = arith.constant 0 : index
    %get3A_2 = vector.load %arg1[%get3A, %get3A_0, %get3A_1] : memref<2x1000x128xf32, #tpu.memory_space<vmem>>, vector<1x1000x128xf32>
    %get3A_3 = vector.shape_cast %get3A_2 : vector<1x1000x128xf32> to vector<1000x128xf32>
    %get3A_4 = arith.constant 1 : index
    %get3A_5 = arith.constant 0 : index
    %get3A_6 = arith.constant 0 : index
    %get3A_7 = vector.load %arg1[%get3A_4, %get3A_5, %get3A_6] : memref<2x1000x128xf32, #tpu.memory_space<vmem>>, vector<1x1000x128xf32>
    %get3A_8 = vector.shape_cast %get3A_7 : vector<1x1000x128xf32> to vector<1000x128xf32>
    %add3A = arith.addf %get3A_3, %get3A_8 : vector<1000x128xf32>
    %get3A_9 = arith.constant 0 : index
    %get3A_10 = arith.constant 0 : index
    %get3A_11 = arith.constant 0 : index
    %get3A_12 = vector.load %arg2[%get3A_9, %get3A_10, %get3A_11] : memref<2x1000x16xf32, #tpu.memory_space<vmem>>, vector<1x1000x16xf32>
    %get3A_13 = vector.shape_cast %get3A_12 : vector<1x1000x16xf32> to vector<1000x16xf32>
    %get3A_14 = arith.constant 1 : index
    %get3A_15 = arith.constant 0 : index
    %get3A_16 = arith.constant 0 : index
    %get3A_17 = vector.load %arg2[%get3A_14, %get3A_15, %get3A_16] : memref<2x1000x16xf32, #tpu.memory_space<vmem>>, vector<1x1000x16xf32>
    %get3A_18 = vector.shape_cast %get3A_17 : vector<1x1000x16xf32> to vector<1000x16xf32>
    %add3A_19 = arith.addf %get3A_13, %get3A_18 : vector<1000x16xf32>
    %slice3A = vector.extract_strided_slice %add3A_19 {offsets = [0, 0], sizes = [1000, 1], strides = [1, 1]} : vector<1000x16xf32> to vector<1000x1xf32>
    %max3A = arith.constant 1.000000e+00 : f32
    %max3A_20 = vector.broadcast %max3A : f32 to vector<1000x1xf32>
    %max3A_21 = arith.maximumf %slice3A, %max3A_20 : vector<1000x1xf32>
    %get3A_22 = arith.constant 0 : index
    %get3A_23 = arith.constant 0 : index
    %get3A_24 = vector.load %arg4[%get3A_22, %get3A_23] : memref<128x128xf32, #tpu.memory_space<vmem>>, vector<128x128xf32>
    %dot_general3A = arith.constant dense<0.000000e+00> : vector<1000x128xf32>
    %dot_general3A_25 = tpu.matmul %add3A, %get3A_24, %dot_general3A {dimension_numbers = #tpu.dot_dimension_numbers<[1], [0], [0], [1], [0, 0, 1, 1], [], []>, transpose_lhs_hint = false} : vector<1000x128xf32>, vector<128x128xf32>, vector<1000x128xf32> -> vector<1000x128xf32>
    %div3A = vector.broadcast %max3A_21 : vector<1000x1xf32> to vector<1000x128xf32>
    %div3A_26 = arith.divf %dot_general3A_25, %div3A : vector<1000x128xf32>
    %get3A_27 = arith.constant 0 : index
    %get3A_28 = arith.constant 0 : index
    %get3A_29 = vector.load %arg3[%get3A_27, %get3A_28] : memref<1000x128xf32, #tpu.memory_space<vmem>>, vector<1000x128xf32>
    %get3A_30 = arith.constant 0 : index
    %get3A_31 = arith.constant 0 : index
    %get3A_32 = vector.load %arg5[%get3A_30, %get3A_31] : memref<128x128xf32, #tpu.memory_space<vmem>>, vector<128x128xf32>
    %dot_general3A_33 = arith.constant dense<0.000000e+00> : vector<1000x128xf32>
    %dot_general3A_34 = tpu.matmul %get3A_29, %get3A_32, %dot_general3A_33 {dimension_numbers = #tpu.dot_dimension_numbers<[1], [0], [0], [1], [0, 0, 1, 1], [], []>, transpose_lhs_hint = false} : vector<1000x128xf32>, vector<128x128xf32>, vector<1000x128xf32> -> vector<1000x128xf32>
    %add3A_35 = arith.addf %div3A_26, %dot_general3A_34 : vector<1000x128xf32>
    %get3A_36 = arith.constant 0 : index
    %get3A_37 = arith.constant 0 : index
    %get3A_38 = vector.load %arg6[%get3A_36, %get3A_37] : memref<1x128xf32, #tpu.memory_space<vmem>>, vector<1x128xf32>
    %add3A_39 = vector.broadcast %get3A_38 : vector<1x128xf32> to vector<1000x128xf32>
    %add3A_40 = arith.addf %add3A_35, %add3A_39 : vector<1000x128xf32>
    %mul3A = arith.mulf %add3A_40, %add3A_40 : vector<1000x128xf32>
    %reduce_sum3A = arith.constant dense<0.000000e+00> : vector<1000xf32>
    %reduce_sum3A_41 = vector.multi_reduction <add>, %mul3A, %reduce_sum3A [1] : vector<1000x128xf32> to vector<1000xf32>
    %broadcast_in_dim3A = vector.shape_cast %reduce_sum3A_41 : vector<1000xf32> to vector<1000x1xf32>
    %sqrt3A = math.sqrt %broadcast_in_dim3A : vector<1000x1xf32>
    %max3A_42 = arith.constant 9.99999996E-13 : f32
    %max3A_43 = vector.broadcast %max3A_42 : f32 to vector<1000x1xf32>
    %max3A_44 = arith.maximumf %sqrt3A, %max3A_43 : vector<1000x1xf32>
    %div3A_45 = vector.broadcast %max3A_44 : vector<1000x1xf32> to vector<1000x128xf32>
    %div3A_46 = arith.divf %add3A_40, %div3A_45 : vector<1000x128xf32>
    %max3A_47 = arith.constant 0.000000e+00 : f32
    %max3A_48 = vector.broadcast %max3A_47 : f32 to vector<1000x128xf32>
    %max3A_49 = arith.maximumf %div3A_46, %max3A_48 : vector<1000x128xf32>
    %swap3A = arith.constant 0 : index
    %swap3A_50 = arith.constant 0 : index
    %swap3A_51 = vector.load %arg7[%swap3A, %swap3A_50] : memref<1000x128xf32, #tpu.memory_space<vmem>>, vector<1000x128xf32>
    tpu.vector_store %arg7[%swap3A, %swap3A_50], %max3A_49 {strides = array<i32>} : memref<1000x128xf32, #tpu.memory_space<vmem>>, vector<1000x128xf32>,
    return
  }
  func.func @transform_0(%arg0: i32) -> (i32, i32, i32) {
    %c0_i32 = arith.constant 0 : i32
    %c0_i32_0 = arith.constant 0 : i32
    %c0_i32_1 = arith.constant 0 : i32
    return %c0_i32, %arg0, %c0_i32_0 : i32, i32, i32
  }
  func.func @transform_1(%arg0: i32) -> (i32, i32, i32) {
    %c0_i32 = arith.constant 0 : i32
    %c0_i32_0 = arith.constant 0 : i32
    %c0_i32_1 = arith.constant 0 : i32
    return %c0_i32, %arg0, %c0_i32_0 : i32, i32, i32
  }
  func.func @transform_2(%arg0: i32) -> (i32, i32) {
    %c0_i32 = arith.constant 0 : i32
    %c0_i32_0 = arith.constant 0 : i32
    return %arg0, %c0_i32 : i32, i32
  }
  func.func @transform_3(%arg0: i32) -> (i32, i32) {
    %c0_i32 = arith.constant 0 : i32
    %c0_i32_0 = arith.constant 0 : i32
    %c0_i32_1 = arith.constant 0 : i32
    return %c0_i32, %c0_i32_0 : i32, i32
  }
  func.func @transform_4(%arg0: i32) -> (i32, i32) {
    %c0_i32 = arith.constant 0 : i32
    %c0_i32_0 = arith.constant 0 : i32
    %c0_i32_1 = arith.constant 0 : i32
    return %c0_i32, %c0_i32_0 : i32, i32
  }
  func.func @transform_5(%arg0: i32) -> (i32, i32) {
    %c0_i32 = arith.constant 0 : i32
    %c0_i32_0 = arith.constant 0 : i32
    %c0_i32_1 = arith.constant 0 : i32
    return %c0_i32, %c0_i32_0 : i32, i32
  }
  func.func @transform_6(%arg0: i32) -> (i32, i32) {
    %c0_i32 = arith.constant 0 : i32
    %c0_i32_0 = arith.constant 0 : i32
    return %arg0, %c0_i32 : i32, i32
  }
}

</mosaic_0001>

<sc_bundles>
// kernel: kernel.10.cloned.1.call-start
scs
__scs_entry_jumppad:
0x0: {  	(pc) =	sbr.rel $0x88, $3  }
0x1: {  	(tag) =	ssettag $0x0;
	lr =	simm.s32 $0x1  }
0x2: {  	[smem:$0x3F99] =	sst lr;
	_ =	strace $0xD0000000  }
0x3: {  	_ = 	snop  }
0x4: {  	_ = 	snop  }
0x5: {  	_ = 	snop  }
0x6: {  	_ = 	snop  }
0x7: {  	_ = 	snop  }
__scs_overlays_trampoline_lowered:
0x8: {  	[smem:$0x3FA8] =	sst s0  }
0x9: {  	[smem:$0x3FA9] =	sst s1  }
0xa: {  	[smem:$0x3FAA] =	sst s2  }
0xb: {  	[smem:$0x3FAB] =	sst s3  }
0xc: {  	[smem:$0x3FAC] =	sst s4  }
0xd: {  	[smem:$0x3FAD] =	sst s5  }
0xe: {  	[smem:$0x3FAE] =	sst s6  }
0xf: {  	[smem:$0x3FAF] =	sst s7  }
0x10: {  	[smem:$0x3FB0] =	sst s8  }
0x11: {  	[smem:$0x3FB1] =	sst s9;
	s0 =	simm.s32 @!p0 $0x0  }
0x12: {  	s1 =	sld [smem:$0x3F97];
	s0 =	simm.s32 @p0 $0x1  }
0x13: {  	[smem:$0x3FB2] =	sst s0;
	s0 =	simm.s32 @!p1 $0x0  }
0x14: {  	s2 =	sld [smem:$0x3F96];
	s0 =	simm.s32 @p1 $0x1  }
0x15: {  	[smem:$0x3FB3] =	sst s0;
	s0 =	simm.s32 @!p2 $0x0  }
0x16: {  	s3 =	sld [smem:$0x3FDB];
	s0 =	simm.s32 @p2 $0x1  }
0x17: {  	s4 =	simm.s32 $0x1BF5;
	[smem:$0x3FB5] =	sst s0  }
0x18: {  	s0 =	sld [smem:$0x3F98];
	_ =	swait.ge [sflag:s4], $0x0  }
0x19: {  	s7 =	sld [smem:$0x3F99]  }
0x1a: {  	s8 =	sadd.s32 $0xFFFFE003, lr  }
0x1b: {  	s9 =	sadd.s32 $0xFFFFFEF7, lr;
	s5 =	simm.s32 $0xFFFFFFFF;
	p2 =	slt.u32 s8, $0xFFFFF086  }
0x1c: {  	p1 =	slt.u32 s9, $0xF7A;
	s5 =	simm.s32 @!p2 $0x0  }
0x1d: {  	s5 =	simm.s32 @p1 $0x1;
	p0 =	seq.s32 s7, s2  }
0x1e: {  	s7 =	smul.u32 @!p0 $0xF7A, s2;
	p2 =	seq.s32 @!p0 s5, $0x0  }
0x1f: {  	s9 =	smul.u32 $0xF7A, s1;
	s8 =	simm.s32 @!p0 $0x1BF5;
	p2 =	por !p2, p0  }
0x20: {  	[sflag:s8] =	ssyncset.s32 @!p0 $0xFFFFF086;
	s6 =	sadd.s32 @!p0 s3, s7;
	s7 =	simm.s32 @!p0 $0x108  }
0x21: {  	s3 =	sadd.s32 s3, s9;
	s6 =	sadd.s32 @!p0 $0x88, s6;
	s7 =	simm.s32 @p2 $0x1082  }
0x22: {  	[simem:s7], [sflag:s8] =	dma.local @!p0 [hbm:s6], $0xF7A  }
0x23: {  	s9 =	sor.u32 $0xD0000000, s2;
	s6 =	simm.s32 $0x108;
	_ =	swait.ge @!p0 [sflag:s8], $0x0  }
0x24: {  	s3 =	sadd.s32 $0x88, s3;
	s6 =	simm.s32 @!p1 $0x1082;
	[sflag:s4] =	ssyncset.s32 $0xFFFFF086  }
0x25: {  	[simem:s6], [sflag:s4] =	dma.local [hbm:s3], $0xF7A  }
0x26: {  	[smem:$0x3F99] =	sst s1;
	(tag) =	ssettag s2;
	_ =	strace s9  }
0x27: {  	s1 =	sld [smem:$0x3FA9]  }
0x28: {  	s2 =	sld [smem:$0x3FAA]  }
0x29: {  	s4 =	sld [smem:$0x3FAC]  }
0x2a: {  	p0 =	seq.s32 s5, $0x0;
	s5 =	sld [smem:$0x3FAD]  }
0x2b: {  	s6 =	sld [smem:$0x3FAE]  }
0x2c: {  	s7 =	sld [smem:$0x3FAF]  }
0x2d: {  	s3 =	simm.s32 $0x108;
	s8 =	sld [smem:$0x3FB0]  }
0x2e: {  	s3 =	simm.s32 @!p0 $0x1082;
	s9 =	sld [smem:$0x3FB1]  }
0x2f: {  	lr =	sadd.s32 s0, s3;
	s0 =	sld [smem:$0x3FA8]  }
0x30: {  	s3 =	sld [smem:$0x3FAB]  }
0x31: {  	[smem:$0x3FB4] =	sst s10  }
0x32: {  	s10 =	sld [smem:$0x3FB2];
	_ =	sdelay $0x3  }
0x33: {  	p0 =	seq.s32 s10, $0x1;
	s10 =	sld [smem:$0x3FB4];
	_ =	sdelay $0x3  }
0x34: {  	[smem:$0x3FB4] =	sst s10  }
0x35: {  	s10 =	sld [smem:$0x3FB3];
	_ =	sdelay $0x3  }
0x36: {  	p1 =	seq.s32 s10, $0x1;
	s10 =	sld [smem:$0x3FB4];
	_ =	sdelay $0x3  }
0x37: {  	[smem:$0x3FB4] =	sst s10  }
0x38: {  	s10 =	sld [smem:$0x3FB5]  }
0x39: {  	_ = 	snop;
	(pc) =	sbr.ind lr, $3  }
0x3a: {  	_ = 	snop  }
0x3b: {  	_ = 	snop  }
0x3c: {  	p2 =	seq.s32 s10, $0x1;
	s10 =	sld [smem:$0x3FB4]  }
0x3d: {  	_ =	shalt  }
0x3e: {  	_ =	shalt  }
0x3f: {  	_ =	shalt  }
0x40: {  	_ =	shalt  }
0x41: {  	_ =	shalt  }
0x42: {  	_ =	shalt  }
0x43: {  	_ =	shalt  }
0x44: {  	_ =	shalt  }
0x45: {  	_ =	shalt  }
0x46: {  	_ =	shalt  }
0x47: {  	_ =	shalt  }
0x48: {  	_ =	shalt  }
0x49: {  	_ =	shalt  }
0x4a: {  	_ =	shalt  }
0x4b: {  	_ =	shalt  }
0x4c: {  	_ =	shalt  }
0x4d: {  	_ =	shalt  }
0x4e: {  	_ =	shalt  }
0x4f: {  	_ =	shalt  }
0x50: {  	_ =	shalt  }
0x51: {  	_ =	shalt  }
0x52: {  	_ =	shalt  }
0x53: {  	_ =	shalt  }
0x54: {  	_ =	shalt  }
0x55: {  	_ =	shalt  }
0x56: {  	_ =	shalt  }
0x57: {  	_ =	shalt  }
0x58: {  	_ =	shalt  }
0x59: {  	_ =	shalt  }
0x5a: {  	_ =	shalt  }
0x5b: {  	_ =	shalt  }
0x5c: {  	_ =	shalt  }
0x5d: {  	_ =	shalt  }
0x5e: {  	_ =	shalt  }
0x5f: {  	_ =	shalt  }
0x60: {  	_ =	shalt  }
0x61: {  	_ =	shalt  }
0x62: {  	_ =	shalt  }
0x63: {  	_ =	shalt  }
0x64: {  	_ =	shalt  }
0x65: {  	_ =	shalt  }
0x66: {  	_ =	shalt  }
0x67: {  	_ =	shalt  }
0x68: {  	_ =	shalt  }
0x69: {  	_ =	shalt  }
0x6a: {  	_ =	shalt  }
0x6b: {  	_ =	shalt  }
0x6c: {  	_ =	shalt  }
0x6d: {  	_ =	shalt  }
0x6e: {  	_ =	shalt  }
0x6f: {  	_ =	shalt  }
0x70: {  	_ =	shalt  }
0x71: {  	_ =	shalt  }
0x72: {  	_ =	shalt  }
0x73: {  	_ =	shalt  }
0x74: {  	_ =	shalt  }
0x75: {  	_ =	shalt  }
0x76: {  	_ =	shalt  }
0x77: {  	_ =	shalt  }
0x78: {  	_ =	shalt  }
0x79: {  	_ =	shalt  }
0x7a: {  	_ =	shalt  }
0x7b: {  	_ =	shalt  }
0x7c: {  	_ =	shalt  }
0x7d: {  	_ =	shalt  }
0x7e: {  	_ =	shalt  }
0x7f: {  	_ =	shalt  }
0x80: {  	_ =	shalt  }
0x81: {  	_ =	shalt  }
0x82: {  	_ =	shalt  }
0x83: {  	_ =	shalt  }
0x84: {  	_ =	shalt  }
0x85: {  	_ =	shalt  }
0x86: {  	_ =	shalt  }
0x87: {  	_ =	shalt  }
.Lfunc_end0:
.L_simem_size_0:
called_computation.1_lowered:
.L_overlay_start_0:
0x88: {  	s2 =	sld [smem:$0x3FD9]  }
0x89: {  	s3 =	sld [smem:$0x3FFE];
	_ =	sdelay $0x1  }
0x8a: {  	s1 =	srdreg.scid  }
0x8b: {  	s0 =	sand.u32 $0x1, s1  }
0x8c: {  	s17 =	sshll.u32 s0, $0xA;
	s2 =	sadd.s32 s3, s2  }
0x8d: {  	s2 =	sadd.s32 s2, s17  }
0x8e: {  	[smem:$0x3FC0] =	sst s2  }
0x8f: {  	_ = 	snop  }
0x90: {  	s18 =	sld [smem:$0x3FC9];
	(tm) =	ssettm $0x1  }
0x91: {  	s19 =	sld [smem:$0x3FFB];
	_ =	sdelay $0x3  }
0x92: {  	_ =	strace s19  }
0x93: {  	s2 =	sld [smem:$0x3FFC];
	_ =	sdelay $0x3  }
0x94: {  	_ =	strace s2  }
0x95: {  	s2 =	sld [smem:$0x3FFD];
	_ =	sdelay $0x3  }
0x96: {  	_ =	strace s2  }
0x97: {  	_ =	strace $0x8FFFFFFF  }
0x98: {  	s20 =	sld [smem:$0x3FDB];
	_ =	sdelay $0x1  }
0x99: {  	s4 =	simm.s32 $_scs_section_size  }
0x9a: {  	s5 =	simm.s32 $_size__tile_overlayer_lowered;
	s6 =	simm.s32 $_tile_overlayer_lowered  }
0x9b: {  	s7 =	simm.s32 $0x1BFF;
	s21 =	sshll.u32 s6, $0x1;
	s4 =	sadd.s32 s4, s20  }
0x9c: {  	s22 =	simm.s32 $0x0;
	s5 =	sshll.u32 s5, $0x1;
	s6 =	sadd.s32 s21, s4  }
0x9d: {  	[timem:s22], [sflag:s7] =	dma.local [hbm:s6], s5  }
0x9e: {  	_ =	swait.ge [sflag:s7], s5  }
0x9f: {  	s5 =	ssub.s32 $0x0, s5;
	[sflag:s7] =	ssyncset.done $0x0  }
0xa0: {  	[sflag:s7] =	ssyncadd.s32 s5;
	_ =	sdelay $0x1  }
0xa1: {  	s23 =	simm.s32 $0x1B8B  }
0xa2: {  	_ =	swait.ge [sflag:s23], $0x1  }
0xa3: {  	[sflag:s23] =	ssyncset.done $0x0  }
0xa4: {  	[sflag:s23] =	ssyncadd.s32 $0xFFFFFFFF  }
0xa5: {  	s5 =	sld [smem:$0x0]  }
0xa6: {  	s6 =	sand.u32 $0xFFFFFFFE, s1  }
0xa7: {  	p0 =	sne.s32 s1, s6  }
0xa8: {  	s6 =	sshll.u32 @p0 s6, $0xE  }
0xa9: {  	s6 =	sadd.s32 @p0 $0x11B8D, s6;
	s7 =	sshll.u32 @p0 s5, $0x11  }
0xaa: {  	s6 =	sor.u32 @p0 s7, s6  }
0xab: {  	[sflag:s6] =	ssyncadd.remote.s32 @p0 $0x1;
	_ =	sdelay $0x1  }
0xac: {  	s6 =	simm.s32 @p0 $0x1B8D  }
0xad: {  	_ =	swait.eq @p0 [sflag:s6], $0x1  }
0xae: {  	[sflag:s6] =	ssyncadd.s32 @p0 $0xFFFFFFFF  }
0xaf: {  	s7 =	sshll.u32 @!p0 s1, $0xE  }
0xb0: {  	s7 =	sor.u32 @!p0 $0x4000, s7;
	s6 =	simm.s32 @!p0 $0x1B8D  }
0xb1: {  	s5 =	sshll.u32 @!p0 s5, $0x11;
	s7 =	sadd.s32 @!p0 $0x11B8D, s7;
	_ =	swait.eq @!p0 [sflag:s6], $0x1  }
0xb2: {  	s5 =	sor.u32 @!p0 s5, s7;
	[sflag:s6] =	ssyncadd.s32 @!p0 $0xFFFFFFFF  }
0xb3: {  	s25 =	simm.s32 $0x1B8E;
	s24 =	sld [smem:$0x3FFE];
	[sflag:s5] =	ssyncadd.remote.s32 @!p0 $0x1  }
0xb4: {  	s26 =	simm.s32 $execute0_lowered;
	[smem:$0x3FD2] =	sst s25  }
0xb5: {  	s6 =	sshll.u32 s26, $0x1;
	_ =	strace $0x80000049;
	[dreg:$0x1] =	wrdreg $0xFFFFFFFF  }
0xb6: {  	s28 =	simm.s32 $_size_execute0_lowered;
	s4 =	sadd.s32 s4, s6;
	[dreg:$0x0] =	wrdreg $0x0  }
0xb7: {  	s6 =	sshll.u32 s28, $0x1;
	[dreg:$0x2] =	wrdreg s4  }
0xb8: {  	[dreg:$0x3] =	wrdreg s6  }
0xb9: {  	[dreg:$0x4] =	wrdreg $0xC0  }
0xba: {  	_ =	task [dreg:s22], $0x5FFFF  }
0xbb: {  	[dreg:$0x1] =	wrdreg $0xFFFFFFFF  }
0xbc: {  	[dreg:$0x0] =	wrdreg $0x60  }
0xbd: {  	[dreg:$0x2] =	wrdreg s18  }
0xbe: {  	[dreg:$0x3] =	wrdreg s24  }
0xbf: {  	[dreg:$0x4] =	wrdreg $0x4E200  }
0xc0: {  	[dreg:$0x5] =	wrdreg $0xA  }
0xc1: {  	_ =	task.clear_ibuf [dreg:s22], $0x6FFFF;
	_ =	strace $0x90000049  }
0xc2: {  	s29 =	simm.s32 $0xA;
	_ =	strace $0x8000004B  }
0xc3: {  	_ =	swait.ge [sflag:s29], $0x1  }
0xc4: {  	[sflag:s29] =	ssyncadd.s32 $0xFFFFFFFF  }
0xc5: {  	_ =	strace $0x9000004B  }
0xc6: {  	_ =	sfence  }
0xc7: {  	s30 =	sld [smem:$0x0];
	_ =	sdelay $0x2  }
0xc8: {  	s31 =	sshll.u32 s1, $0xD;
	s1 =	sshrl.u32 s1, $0x2  }
0xc9: {  	s4 =	sand.u32 $0x4000, s31;
	s1 =	sadd.s32 s1, s30  }
0xca: {  	s0 =	sor.u32 s4, s0;
	s1 =	sshll.u32 s1, $0x11  }
0xcb: {  	s0 =	sor.u32 s1, s0  }
0xcc: {  	s0 =	sadd.s32 $0x8F2B, s0  }
0xcd: {  	[sflag:s0] =	ssyncadd.remote.s32 $0x1  }
0xce: {  	_ =	sfence.sel $0xFFFF  }
0xcf: {  	[dreg:$0x0] =	wrdreg $0xFFFFFFFF;
	(pc) =	sbr.abs _section_cstart, $3  }
0xd0: {  	[dreg:$0x1] =	wrdreg $0xFFFFFFFF  }
0xd1: {  	_ =	task.clear_ibuf [dreg:s22], $0x2FFFF;
	_ =	strace $0x9FFFFFFF  }
0xd2: {  	(tm) =	ssettm $0x7FFFFFFF  }
0xd3: {  	_ =	shalt  }
tec
execute0_lowered:
.L_overlay_start_1:
0x0: {  	(tag) =	ssettag $0x1  }
0x1: {  	s2 =	rddreg [dreg:$0x0]  }
0x2: {  	s0 =	srdreg.scid;
	s5 =	rddreg [dreg:$0x1]  }
0x3: {  	s10 =	stileid.u32;
	s3 =	rddreg [dreg:$0x2];
	s4 =	simm.s32 $0x0  }
0x4: {  	s12 =	simm.s32 $0xB;
	s19 =	simm.s32 $0x1;
	s20 =	simm.s32 $0x2  }
0x5: {  	s25 =	simm.s32 $0x1C320;
	s21 =	simm.s32 $0x4;
	s26 =	simm.s32 $0x1D720  }
0x6: {  	s22 =	simm.s32 $0x5;
	s23 =	simm.s32 $0x6;
	s28 =	simm.s32 $0x9  }
0x7: {  	s29 =	simm.s32 $0xA;
	s30 =	simm.s32 $0x0;
	s7 =	smul.u32 $0x13880, s10  }
0x8: {  	s0 =	sand.u32 $0x1, s0;
	[smem:$0x7FF] =	sst s4;
	s8 =	smul.u32 $0x13900, s10  }
0x9: {  	s14 =	sshll.u32 s10, $0x6;
	s1 =	sshll.u32 s0, $0x4;
	s6 =	smul.u32 $0x138800, s0  }
0xa: {  	_ =	strace $0x8000004A;
	s0 =	ssub.s32 $0x2, s0;
	[dreg:$0x4] =	wrdreg s25  }
0xb: {  	[dreg:$0x5] =	wrdreg s26;
	s26 =	simm.s32 $0x8;
	s1 =	sor.u32 s10, s1  }
0xc: {  	s9 =	sshrl.u32 s8, $0x3;
	s13 =	sshrl.u32 s0, $0x1;
	s11 =	sadd.s32 s8, s3  }
0xd: {  	s18 =	sadd.s32 s7, s3;
	s1 =	smul.u32 $0x4E2, s1;
	s6 =	sadd.s32 s7, s6  }
0xe: {  	s9 =	sadd.s32 s9, s5;
	s0 =	ssub.s32 s0, s13;
	s24 =	sshrl.u32 s11, $0x3  }
0xf: {  	s31 =	sshrl.u32 s18, $0x3;
	s6 =	sshrl.u32 s6, $0x3;
	[dreg:$0xb] =	wrdreg s24  }
0x10: {  	s15 =	sadd.s32 $0x1B200, s9;
	s0 =	smax.u32 s0, $0x1;
	[dreg:$0xc] =	wrdreg s31  }
0x11: {  	s24 =	simm.s32 $0x7;
	s1 =	sadd.s32 s1, s5;
	[dreg:$0x6] =	wrdreg s15  }
0x12: {  	s5 =	sadd.s32 s6, s5;
	[dreg:$0xa] =	wrdreg s0;
	s16 =	sadd.s32 $0xC400, s1  }
0x13: {  	s6 =	sor.u32 $0x1C0B, s14;
	s1 =	sadd.s32 $0x2600, s1;
	[dreg:$0x7] =	wrdreg s16  }
0x14: {  	s14 =	simm.s32 $0x28;
	s17 =	sadd.s32 $0x42400, s5;
	[dreg:$0x8] =	wrdreg s1  }
0x15: {  	s15 =	simm.s32 $0x18720;
	[dreg:$0x9] =	wrdreg s17;
	s16 =	simm.s32 $0x19B20  }
.LBB2_1:
0x16: {  	s0 =	rddreg [dreg:$0x6]  }
0x17: {  	s1 =	rddreg [dreg:$0xb]  }
0x18: {  	[spmem:s1], [sflag:s6] =	dma.local [hbm:s0], $0x2720  }
0x19: {  	_ =	swait.ge [sflag:s12], $0x2720  }
0x1a: {  	[sflag:s12] =	ssyncset.done $0x0  }
0x1b: {  	s7 =	rddreg [dreg:$0x7];
	[sflag:s12] =	ssyncadd.s32 $0xFFFFD8E0  }
0x1c: {  	[tilespmem:s4], [sflag:$0xB] =	stream.linear.gather [hbm4b:s7+s4], $0x2710, $0x38;
	[tilespmem:$0x1EB20] =	vst v63  }
0x1d: {  	_ =	swait.ge [sflag:s12], $0x2710  }
0x1e: {  	[sflag:s12] =	ssyncset.done $0x0  }
0x1f: {  	s9 =	simm.s32 $0x2710;
	s8 =	rddreg [dreg:$0x8];
	[sflag:s12] =	ssyncadd.s32 $0xFFFFD8F0  }
0x20: {  	[tilespmem:s9], [sflag:$0xB] =	stream.linear.gather [hbm4b:s8+s4], $0x2710, $0x38;
	[tilespmem:$0x1EB20] =	vst v63  }
0x21: {  	_ =	swait.ge [sflag:s12], $0x2710  }
0x22: {  	[sflag:s12] =	ssyncset.done $0x0  }
0x23: {  	[sflag:s12] =	ssyncadd.s32 $0xFFFFD8F0  }
0x24: {  	p0 =	por $0x1, $0x1;
	[bflag:$0x0] =	sbarrier.arrive $0xFFFF  }
0x25: {  	[tilespmem:s15], [sflag:$0x1] =	stream.indirect.gather [hbm4b:s2+s14], $0x80, s4, s14, $0xb8;
	[tilespmem:$0x1EB20] =	vst v63  }
0x26: {  	p1 =	por p0, p0  }
0x27: {  	[tilespmem:s16], [sflag:$0x2] =	stream.indirect.gather [hbm4b:s2+s14], $0x80, s14, s14, $0xb8;
	[tilespmem:$0x1EB20] =	vst v63  }
0x28: {  	s10 =	simm.s32 $0x50;
	s11 =	simm.s32 $0x1AF20;
	s0 =	simm.s32 @!p1 $0x9  }
0x29: {  	[tilespmem:s11], [sflag:$0x3] =	stream.indirect.gather [hbm4b:s2+s14], $0x80, s10, s14, $0xb8;
	[tilespmem:$0x1EB20] =	vst v63  }
0x2a: {  	_ =	swait.ge @!p1 [sflag:s0], $0x1400  }
0x2b: {  	s1 =	simm.s32 @!p0 $0x78;
	p0 =	por $0x0, $0x0;
	[sflag:s0] =	ssyncset.done @!p1 $0x0  }
0x2c: {  	s5 =	simm.s32 @!p1 $0x1C320;
	[sflag:s0] =	ssyncadd.s32 @!p1 $0xFFFFEC00;
	s0 =	simm.s32 @!p1 $0x28  }
0x2d: {  	[tilespmem:s5], [sflag:$0x4] =	stream.indirect.gather @!p1 [hbm4b:s2+s0], $0x80, s1, s0, $0xb8;
	[tilespmem:$0x1EB20] =	vst v63  }
0x2e: {  	s0 =	simm.s32 @!p0 $0x78;
	s1 =	simm.s32 @!p0 $0x28;
	s5 =	simm.s32 @!p0 $0x1C320  }
0x2f: {  	[tilespmem:s5], [sflag:$0x4] =	stream.indirect.gather @!p0 [hbm4b:s2+s1], $0x80, s0, s1, $0xb8;
	[tilespmem:$0x1EB20] =	vst v63  }
0x30: {  	_ =	swait.ge [sflag:s19], $0x1400  }
0x31: {  	p1 =	por $0x1, $0x1;
	[sflag:s19] =	ssyncset.done $0x0  }
0x32: {  	s13 =	simm.s32 $0x2710;
	s0 =	simm.s32 @!p1 $0xA;
	[sflag:s19] =	ssyncadd.s32 $0xFFFFEC00  }
0x33: {  	[spmem:s3] =	stream.indirect.scatter.add.f32 [tilespmem:s15], [sflag:$0x6], $0x80, s13, s14, $0xb8;
	[tilespmem:$0x1EB20] =	vst v63  }
0x34: {  	_ =	swait.ge @!p1 [sflag:s0], $0x1400  }
0x35: {  	s7 =	simm.s32 @!p1 $0x28;
	[sflag:s0] =	ssyncset.done @!p1 $0x0  }
0x36: {  	s5 =	simm.s32 @!p1 $0xA0;
	s13 =	simm.s32 @!p1 $0x1D720;
	[sflag:s0] =	ssyncadd.s32 @!p1 $0xFFFFEC00  }
0x37: {  	[tilespmem:s13], [sflag:$0x5] =	stream.indirect.gather @!p1 [hbm4b:s2+s7], $0x80, s5, s7, $0xb8;
	[tilespmem:$0x1EB20] =	vst v63  }
0x38: {  	s0 =	simm.s32 @!p0 $0xA0;
	s5 =	simm.s32 @!p0 $0x1D720  }
0x39: {  	[tilespmem:s5], [sflag:$0x5] =	stream.indirect.gather @!p0 [hbm4b:s2+s1], $0x80, s0, s1, $0xb8;
	[tilespmem:$0x1EB20] =	vst v63  }
0x3a: {  	_ =	swait.ge [sflag:s20], $0x1400  }
0x3b: {  	p0 =	por $0x0, $0x0;
	[sflag:s20] =	ssyncset.done $0x0  }
0x3c: {  	s17 =	simm.s32 $0x2738;
	s1 =	simm.s32 @p0 $0x3;
	[sflag:s20] =	ssyncadd.s32 $0xFFFFEC00  }
0x3d: {  	[spmem:s3] =	stream.indirect.scatter.add.f32 [tilespmem:s16], [sflag:$0x7], $0x80, s17, s14, $0xb8;
	[tilespmem:$0x1EB20] =	vst v63  }
0x3e: {  	_ =	swait.ge @p0 [sflag:s1], $0x1400  }
0x3f: {  	s0 =	simm.s32 @p0 $0x2760;
	s5 =	simm.s32 @p0 $0x28;
	[sflag:s1] =	ssyncset.done @p0 $0x0  }
0x40: {  	s7 =	simm.s32 @p0 $0x1AF20;
	[sflag:s1] =	ssyncadd.s32 @p0 $0xFFFFEC00;
	s1 =	simm.s32 @!p0 $0x6  }
0x41: {  	[spmem:s3] =	stream.indirect.scatter.add.f32 @p0 [tilespmem:s7], [sflag:$0x8], $0x80, s0, s5, $0xb8;
	[tilespmem:$0x1EB20] =	vst v63  }
0x42: {  	_ =	swait.ge @!p0 [sflag:s1], $0x1400  }
0x43: {  	s0 =	simm.s32 @!p0 $0xC8;
	s5 =	simm.s32 @!p0 $0x28;
	[sflag:s1] =	ssyncset.done @!p0 $0x0  }
0x44: {  	s7 =	simm.s32 @!p0 $0x18720;
	[sflag:s1] =	ssyncadd.s32 @!p0 $0xFFFFEC00;
	s1 =	simm.s32 @!p0 $0x3  }
0x45: {  	[tilespmem:s7], [sflag:$0x1] =	stream.indirect.gather @!p0 [hbm4b:s2+s5], $0x80, s0, s5, $0xb8;
	[tilespmem:$0x1EB20] =	vst v63  }
0x46: {  	_ =	swait.ge @!p0 [sflag:s1], $0x1400  }
0x47: {  	s0 =	simm.s32 @!p0 $0x2760;
	[sflag:s1] =	ssyncset.done @!p0 $0x0  }
0x48: {  	s7 =	simm.s32 @!p0 $0x1AF20;
	[sflag:s1] =	ssyncadd.s32 @!p0 $0xFFFFEC00;
	s1 =	simm.s32 @!p0 $0x7  }
0x49: {  	[spmem:s3] =	stream.indirect.scatter.add.f32 @!p0 [tilespmem:s7], [sflag:$0x8], $0x80, s0, s5, $0xb8;
	[tilespmem:$0x1EB20] =	vst v63  }
0x4a: {  	_ =	swait.ge @!p0 [sflag:s1], $0x1400  }
0x4b: {  	[sflag:s1] =	ssyncset.done @!p0 $0x0  }
0x4c: {  	s13 =	simm.s32 @!p0 $0x19B20;
	s0 =	simm.s32 @!p0 $0xF0;
	[sflag:s1] =	ssyncadd.s32 @!p0 $0xFFFFEC00  }
0x4d: {  	[tilespmem:s13], [sflag:$0x2] =	stream.indirect.gather @!p0 [hbm4b:s2+s5], $0x80, s0, s5, $0xb8;
	[tilespmem:$0x1EB20] =	vst v63  }
0x4e: {  	_ =	swait.ge [sflag:s21], $0x1400  }
0x4f: {  	s25 =	simm.s32 $0x2788;
	[sflag:s21] =	ssyncset.done $0x0  }
0x50: {  	s13 =	simm.s32 @!p0 $0x8;
	s18 =	rddreg [dreg:$0x4];
	[sflag:s21] =	ssyncadd.s32 $0xFFFFEC00  }
0x51: {  	[spmem:s3] =	stream.indirect.scatter.add.f32 [tilespmem:s18], [sflag:$0x9], $0x80, s25, s14, $0xb8;
	[tilespmem:$0x1EB20] =	vst v63  }
0x52: {  	_ =	swait.ge @!p0 [sflag:s13], $0x1400  }
0x53: {  	s31 =	simm.s32 $0x320;
	p1 =	por $0x0, $0x0;
	[sflag:s13] =	ssyncset.done @!p0 $0x0  }
0x54: {  	s17 =	simm.s32 @!p1 $0x140;
	s0 =	simm.s32 @!p0 $0x118;
	[sflag:s13] =	ssyncadd.s32 @!p0 $0xFFFFEC00  }
0x55: {  	[tilespmem:s7], [sflag:$0x3] =	stream.indirect.gather @!p0 [hbm4b:s2+s5], $0x80, s0, s5, $0xb8;
	[tilespmem:$0x1EB20] =	vst v63  }
0x56: {  	s1 =	simm.s32 $0x3;
	s18 =	simm.s32 $0x27B0;
	_ =	swait.ge [sflag:s22], $0x1400  }
0x57: {  	s13 =	simm.s32 $0x8;
	s0 =	simm.s32 $0x640;
	[sflag:s22] =	ssyncset.done $0x0  }
0x58: {  	p0 =	por p1, p1;
	s7 =	rddreg [dreg:$0x5];
	[sflag:s22] =	ssyncadd.s32 $0xFFFFEC00  }
.LBB2_2:
0x59: {  	p2 =	sgt.u32 s13, $0xF4;
	s8 =	simm.s32 @!p0 $0x9  }
0x5a: {  	[spmem:s3] =	stream.indirect.scatter.add.f32 [tilespmem:s7], [sflag:$0xA], $0x80, s18, s14, $0xb8;
	[tilespmem:$0x1EB20] =	vst v63  }
0x5b: {  	s5 =	smov.u32 s0;
	s18 =	simm.s32 @!p0 $0x1C320;
	_ =	swait.ge @!p0 [sflag:s8], $0x1400  }
0x5c: {  	p3 =	sne.s32 s31, $0x0;
	s1 =	sadd.s32 $0x1, s1;
	[sflag:s8] =	ssyncset.done @!p0 $0x0  }
0x5d: {  	s9 =	sshra.s32 @!p3 s31, $0x2;
	[sflag:s8] =	ssyncadd.s32 @!p0 $0xFFFFEC00;
	s8 =	simm.s32 @!p0 $0x28  }
0x5e: {  	[tilespmem:s18], [sflag:$0x4] =	stream.indirect.gather @!p0 [hbm4b:s2+s8], $0x80, s17, s8, $0xb8;
	[tilespmem:$0x1EB20] =	vst v63  }
0x5f: {  	s10 =	simm.s32 @!p3 $0x28;
	s8 =	sadd.s32 @!p3 $0x78, s9;
	s17 =	simm.s32 @!p3 $0x1C320  }
0x60: {  	[tilespmem:s17], [sflag:$0x4] =	stream.indirect.gather @!p3 [hbm4b:s2+s10], $0x80, s8, s10, $0xb8;
	[tilespmem:$0x1EB20] =	vst v63  }
0x61: {  	s7 =	sshra.s32 @!p2 s5, $0x2;
	p4 =	sgt.u32 s1, $0xF4;
	_ =	swait.ge [sflag:s19], $0x1400  }
0x62: {  	s18 =	sshra.s32 s31, $0x2;
	s8 =	sadd.s32 @!p3 $0xA0, s9;
	[sflag:s19] =	ssyncset.done $0x0  }
0x63: {  	s17 =	sadd.s32 $0x2710, s18;
	s9 =	simm.s32 @!p4 $0xA;
	[sflag:s19] =	ssyncadd.s32 $0xFFFFEC00  }
0x64: {  	[spmem:s3] =	stream.indirect.scatter.add.f32 [tilespmem:s15], [sflag:$0x6], $0x80, s17, s14, $0xb8;
	[tilespmem:$0x1EB20] =	vst v63  }
0x65: {  	s7 =	sadd.s32 @!p2 $0x78, s7;
	s1 =	sshra.s32 @!p4 s31, $0x2;
	_ =	swait.ge @!p4 [sflag:s9], $0x1400  }
0x66: {  	s11 =	simm.s32 @!p4 $0x28;
	s25 =	simm.s32 @!p4 $0x1D720;
	[sflag:s9] =	ssyncset.done @!p4 $0x0  }
0x67: {  	s17 =	smov.u32 s7;
	s7 =	sadd.s32 @!p4 $0xA0, s1;
	[sflag:s9] =	ssyncadd.s32 @!p4 $0xFFFFEC00  }
0x68: {  	[tilespmem:s25], [sflag:$0x5] =	stream.indirect.gather @!p4 [hbm4b:s2+s11], $0x80, s7, s11, $0xb8;
	[tilespmem:$0x1EB20] =	vst v63  }
0x69: {  	s7 =	simm.s32 @!p3 $0x1D720  }
0x6a: {  	[tilespmem:s7], [sflag:$0x5] =	stream.indirect.gather @!p3 [hbm4b:s2+s10], $0x80, s8, s10, $0xb8;
	[tilespmem:$0x1EB20] =	vst v63  }
0x6b: {  	_ =	swait.ge [sflag:s20], $0x1400  }
0x6c: {  	p0 =	por p2, p2;
	p2 =	seq.s32 s31, $0x9920;
	[sflag:s20] =	ssyncset.done $0x0  }
0x6d: {  	s25 =	sadd.s32 $0x2738, s18;
	s8 =	simm.s32 @p2 $0x3;
	[sflag:s20] =	ssyncadd.s32 $0xFFFFEC00  }
0x6e: {  	[spmem:s3] =	stream.indirect.scatter.add.f32 [tilespmem:s16], [sflag:$0x7], $0x80, s25, s14, $0xb8;
	[tilespmem:$0x1EB20] =	vst v63  }
0x6f: {  	s9 =	sshra.s32 @p2 s31, $0x2;
	_ =	swait.ge @p2 [sflag:s8], $0x1400  }
0x70: {  	s11 =	simm.s32 @p2 $0x1AF20;
	s7 =	sadd.s32 @p2 $0x2760, s9;
	[sflag:s8] =	ssyncset.done @p2 $0x0  }
0x71: {  	s10 =	simm.s32 @p2 $0x28;
	[sflag:s8] =	ssyncadd.s32 @p2 $0xFFFFEC00;
	s8 =	simm.s32 @!p2 $0x6  }
0x72: {  	[spmem:s3] =	stream.indirect.scatter.add.f32 @p2 [tilespmem:s11], [sflag:$0x8], $0x80, s7, s10, $0xb8;
	[tilespmem:$0x1EB20] =	vst v63  }
0x73: {  	s9 =	sshra.s32 @!p2 s31, $0x2;
	_ =	swait.ge @!p2 [sflag:s8], $0x1400  }
0x74: {  	s31 =	simm.s32 @!p2 $0x18720;
	s25 =	sadd.s32 @!p2 $0xC8, s9;
	[sflag:s8] =	ssyncset.done @!p2 $0x0  }
0x75: {  	s11 =	simm.s32 @!p2 $0x28;
	[sflag:s8] =	ssyncadd.s32 @!p2 $0xFFFFEC00;
	s8 =	simm.s32 @!p2 $0x3  }
0x76: {  	[tilespmem:s31], [sflag:$0x1] =	stream.indirect.gather @!p2 [hbm4b:s2+s11], $0x80, s25, s11, $0xb8;
	[tilespmem:$0x1EB20] =	vst v63  }
0x77: {  	_ =	swait.ge @!p2 [sflag:s8], $0x1400  }
0x78: {  	s7 =	sadd.s32 @!p2 $0x2760, s9;
	s31 =	smov.u32 s5;
	[sflag:s8] =	ssyncset.done @!p2 $0x0  }
0x79: {  	s5 =	simm.s32 @!p2 $0x1AF20;
	[sflag:s8] =	ssyncadd.s32 @!p2 $0xFFFFEC00;
	s8 =	simm.s32 @!p2 $0x7  }
0x7a: {  	[spmem:s3] =	stream.indirect.scatter.add.f32 @!p2 [tilespmem:s5], [sflag:$0x8], $0x80, s7, s11, $0xb8;
	[tilespmem:$0x1EB20] =	vst v63  }
0x7b: {  	_ =	swait.ge @!p2 [sflag:s8], $0x1400  }
0x7c: {  	[sflag:s8] =	ssyncset.done @!p2 $0x0  }
0x7d: {  	s10 =	sadd.s32 @!p2 $0xF0, s9;
	s7 =	simm.s32 @!p2 $0x19B20;
	[sflag:s8] =	ssyncadd.s32 @!p2 $0xFFFFEC00  }
0x7e: {  	[tilespmem:s7], [sflag:$0x2] =	stream.indirect.gather @!p2 [hbm4b:s2+s11], $0x80, s10, s11, $0xb8;
	[tilespmem:$0x1EB20] =	vst v63  }
0x7f: {  	_ =	swait.ge [sflag:s21], $0x1400  }
0x80: {  	s25 =	sadd.s32 $0x2788, s18;
	[sflag:s21] =	ssyncset.done $0x0  }
0x81: {  	s10 =	simm.s32 @!p2 $0x8;
	s8 =	rddreg [dreg:$0x4];
	[sflag:s21] =	ssyncadd.s32 $0xFFFFEC00  }
0x82: {  	[spmem:s3] =	stream.indirect.scatter.add.f32 [tilespmem:s8], [sflag:$0x9], $0x80, s25, s14, $0xb8;
	[tilespmem:$0x1EB20] =	vst v63  }
0x83: {  	s0 =	sadd.s32 $0x320, s0;
	_ =	swait.ge @!p2 [sflag:s10], $0x1400  }
0x84: {  	p1 =	sne.s32 s0, $0x9C40;
	[sflag:s10] =	ssyncset.done @!p2 $0x0  }
.Ltmp0:
0x85: {  	s9 =	sadd.s32 @!p2 $0x118, s9;
	[sflag:s10] =	ssyncadd.s32 @!p2 $0xFFFFEC00;
	(pc) =	sbr.rel @p1 .LBB2_2-.Ltmp0, $4  }
0x86: {  	[tilespmem:s5], [sflag:$0x3] =	stream.indirect.gather @!p2 [hbm4b:s2+s11], $0x80, s9, s11, $0xb8;
	[tilespmem:$0x1EB20] =	vst v63  }
0x87: {  	_ =	swait.ge [sflag:s22], $0x1400  }
0x88: {  	s1 =	smov.u32 s13;
	s13 =	sadd.s32 $0x5, s13;
	[sflag:s22] =	ssyncset.done $0x0  }
0x89: {  	s18 =	sadd.s32 $0x27B0, s18;
	s7 =	rddreg [dreg:$0x5];
	[sflag:s22] =	ssyncadd.s32 $0xFFFFEC00  }
0x8a: {  	s0 =	simm.s32 @!p0 $0x9  }
0x8b: {  	[spmem:s3] =	stream.indirect.scatter.add.f32 [tilespmem:s7], [sflag:$0xA], $0x80, s18, s14, $0xb8;
	[tilespmem:$0x1EB20] =	vst v63  }
0x8c: {  	_ =	swait.ge @!p0 [sflag:s0], $0x1400  }
0x8d: {  	s5 =	simm.s32 @!p0 $0x1C320;
	p1 =	sne.s32 s31, $0x0;
	[sflag:s0] =	ssyncset.done @!p0 $0x0  }
0x8e: {  	s7 =	sshra.s32 @!p1 s31, $0x2;
	[sflag:s0] =	ssyncadd.s32 @!p0 $0xFFFFEC00;
	s0 =	simm.s32 @!p0 $0x28  }
0x8f: {  	[tilespmem:s5], [sflag:$0x4] =	stream.indirect.gather @!p0 [hbm4b:s2+s0], $0x80, s17, s0, $0xb8;
	[tilespmem:$0x1EB20] =	vst v63  }
0x90: {  	s8 =	simm.s32 @!p1 $0x1C320;
	s0 =	sadd.s32 @!p1 $0x78, s7;
	s5 =	simm.s32 @!p1 $0x28  }
0x91: {  	[tilespmem:s8], [sflag:$0x4] =	stream.indirect.gather @!p1 [hbm4b:s2+s5], $0x80, s0, s5, $0xb8;
	[tilespmem:$0x1EB20] =	vst v63  }
0x92: {  	s1 =	sadd.s32 $0x1, s1;
	_ =	swait.ge [sflag:s19], $0x1400  }
0x93: {  	s25 =	sshra.s32 s31, $0x2;
	p0 =	sgt.u32 s1, $0xF4;
	[sflag:s19] =	ssyncset.done $0x0  }
0x94: {  	s9 =	sadd.s32 $0x2710, s25;
	s1 =	simm.s32 @!p0 $0xA;
	[sflag:s19] =	ssyncadd.s32 $0xFFFFEC00  }
0x95: {  	[spmem:s3] =	stream.indirect.scatter.add.f32 [tilespmem:s15], [sflag:$0x6], $0x80, s9, s14, $0xb8;
	[tilespmem:$0x1EB20] =	vst v63  }
0x96: {  	s8 =	sshra.s32 @!p0 s31, $0x2;
	_ =	swait.ge @!p0 [sflag:s1], $0x1400  }
0x97: {  	s8 =	sadd.s32 @!p0 $0xA0, s8;
	[sflag:s1] =	ssyncset.done @!p0 $0x0  }
0x98: {  	s9 =	simm.s32 @!p0 $0x28;
	[sflag:s1] =	ssyncadd.s32 @!p0 $0xFFFFEC00;
	s1 =	simm.s32 @!p0 $0x1D720  }
0x99: {  	[tilespmem:s1], [sflag:$0x5] =	stream.indirect.gather @!p0 [hbm4b:s2+s9], $0x80, s8, s9, $0xb8;
	[tilespmem:$0x1EB20] =	vst v63  }
0x9a: {  	s1 =	sadd.s32 @!p1 $0xA0, s7;
	s7 =	simm.s32 @!p1 $0x1D720  }
0x9b: {  	[tilespmem:s7], [sflag:$0x5] =	stream.indirect.gather @!p1 [hbm4b:s2+s5], $0x80, s1, s5, $0xb8;
	[tilespmem:$0x1EB20] =	vst v63  }
0x9c: {  	_ =	swait.ge [sflag:s20], $0x1400  }
0x9d: {  	p0 =	seq.s32 s31, $0x9920;
	[sflag:s20] =	ssyncset.done $0x0  }
0x9e: {  	s10 =	sadd.s32 $0x2738, s25;
	s5 =	simm.s32 @p0 $0x3;
	[sflag:s20] =	ssyncadd.s32 $0xFFFFEC00  }
0x9f: {  	[spmem:s3] =	stream.indirect.scatter.add.f32 [tilespmem:s16], [sflag:$0x7], $0x80, s10, s14, $0xb8;
	[tilespmem:$0x1EB20] =	vst v63  }
0xa0: {  	s8 =	simm.s32 @p0 $0x1AF20;
	_ =	swait.ge @p0 [sflag:s5], $0x1400  }
0xa1: {  	s1 =	sshra.s32 @p0 s31, $0x2;
	s7 =	simm.s32 @p0 $0x28;
	[sflag:s5] =	ssyncset.done @p0 $0x0  }
0xa2: {  	s1 =	sadd.s32 @p0 $0x2760, s1;
	[sflag:s5] =	ssyncadd.s32 @p0 $0xFFFFEC00;
	s5 =	simm.s32 @!p0 $0x6  }
0xa3: {  	[spmem:s3] =	stream.indirect.scatter.add.f32 @p0 [tilespmem:s8], [sflag:$0x8], $0x80, s1, s7, $0xb8;
	[tilespmem:$0x1EB20] =	vst v63  }
0xa4: {  	s9 =	simm.s32 @!p0 $0x18720;
	_ =	swait.ge @!p0 [sflag:s5], $0x1400  }
0xa5: {  	s1 =	sshra.s32 @!p0 s31, $0x2;
	s8 =	simm.s32 @!p0 $0x28;
	[sflag:s5] =	ssyncset.done @!p0 $0x0  }
0xa6: {  	s7 =	sadd.s32 @!p0 $0xC8, s1;
	[sflag:s5] =	ssyncadd.s32 @!p0 $0xFFFFEC00;
	s5 =	simm.s32 @!p0 $0x3  }
0xa7: {  	[tilespmem:s9], [sflag:$0x1] =	stream.indirect.gather @!p0 [hbm4b:s2+s8], $0x80, s7, s8, $0xb8;
	[tilespmem:$0x1EB20] =	vst v63  }
0xa8: {  	_ =	swait.ge @!p0 [sflag:s5], $0x1400  }
0xa9: {  	s7 =	sadd.s32 @!p0 $0x2760, s1;
	[sflag:s5] =	ssyncset.done @!p0 $0x0  }
0xaa: {  	s9 =	simm.s32 @!p0 $0x1AF20;
	[sflag:s5] =	ssyncadd.s32 @!p0 $0xFFFFEC00;
	s5 =	simm.s32 @!p0 $0x7  }
0xab: {  	[spmem:s3] =	stream.indirect.scatter.add.f32 @!p0 [tilespmem:s9], [sflag:$0x8], $0x80, s7, s8, $0xb8;
	[tilespmem:$0x1EB20] =	vst v63  }
0xac: {  	_ =	swait.ge @!p0 [sflag:s5], $0x1400  }
0xad: {  	[sflag:s5] =	ssyncset.done @!p0 $0x0  }
0xae: {  	s7 =	sadd.s32 @!p0 $0xF0, s1;
	[sflag:s5] =	ssyncadd.s32 @!p0 $0xFFFFEC00;
	s5 =	simm.s32 @!p0 $0x19B20  }
0xaf: {  	[tilespmem:s5], [sflag:$0x2] =	stream.indirect.gather @!p0 [hbm4b:s2+s8], $0x80, s7, s8, $0xb8;
	[tilespmem:$0x1EB20] =	vst v63  }
0xb0: {  	_ =	swait.ge [sflag:s21], $0x1400  }
0xb1: {  	s13 =	sadd.s32 $0x2788, s25;
	[sflag:s21] =	ssyncset.done $0x0  }
0xb2: {  	s5 =	simm.s32 @!p0 $0x8;
	s11 =	rddreg [dreg:$0x4];
	[sflag:s21] =	ssyncadd.s32 $0xFFFFEC00  }
0xb3: {  	[spmem:s3] =	stream.indirect.scatter.add.f32 [tilespmem:s11], [sflag:$0x9], $0x80, s13, s14, $0xb8;
	[tilespmem:$0x1EB20] =	vst v63  }
0xb4: {  	_ =	swait.ge @!p0 [sflag:s5], $0x1400  }
0xb5: {  	[sflag:s5] =	ssyncset.done @!p0 $0x0  }
0xb6: {  	s1 =	sadd.s32 @!p0 $0x118, s1;
	[sflag:s5] =	ssyncadd.s32 @!p0 $0xFFFFEC00  }
0xb7: {  	[tilespmem:s9], [sflag:$0x3] =	stream.indirect.gather @!p0 [hbm4b:s2+s8], $0x80, s1, s8, $0xb8;
	[tilespmem:$0x1EB20] =	vst v63  }
0xb8: {  	_ =	swait.ge [sflag:s22], $0x1400  }
0xb9: {  	[sflag:s22] =	ssyncset.done $0x0  }
0xba: {  	s0 =	sadd.s32 $0x27B0, s25;
	s17 =	rddreg [dreg:$0x5];
	[sflag:s22] =	ssyncadd.s32 $0xFFFFEC00  }
0xbb: {  	[spmem:s3] =	stream.indirect.scatter.add.f32 [tilespmem:s17], [sflag:$0xA], $0x80, s0, s14, $0xb8;
	[tilespmem:$0x1EB20] =	vst v63  }
0xbc: {  	_ =	swait.ge [sflag:s23], $0x1400  }
0xbd: {  	[sflag:s23] =	ssyncset.done $0x0  }
0xbe: {  	[sflag:s23] =	ssyncadd.s32 $0xFFFFEC00  }
0xbf: {  	_ =	swait.ge [sflag:s24], $0x1400  }
0xc0: {  	[sflag:s24] =	ssyncset.done $0x0  }
0xc1: {  	[sflag:s24] =	ssyncadd.s32 $0xFFFFEC00  }
0xc2: {  	_ =	swait.ge [sflag:s26], $0x1400  }
0xc3: {  	[sflag:s26] =	ssyncset.done $0x0  }
0xc4: {  	[sflag:s26] =	ssyncadd.s32 $0xFFFFEC00  }
0xc5: {  	_ =	swait.ge [sflag:s28], $0x1400  }
0xc6: {  	[sflag:s28] =	ssyncset.done $0x0  }
0xc7: {  	[sflag:s28] =	ssyncadd.s32 $0xFFFFEC00  }
0xc8: {  	_ =	swait.ge [sflag:s29], $0x1400  }
0xc9: {  	[sflag:s29] =	ssyncset.done $0x0  }
0xca: {  	[sflag:s29] =	ssyncadd.s32 $0xFFFFEC00  }
0xcb: {  	[bflag:$0x0] =	sbarrier.arrive $0xFFFF  }
0xcc: {  	s18 =	rddreg [dreg:$0x9]  }
0xcd: {  	s25 =	rddreg [dreg:$0xc]  }
0xce: {  	[hbm:s18], [sflag:s6] =	dma.local [spmem:s25], $0x2710  }
0xcf: {  	_ =	swait.ge [sflag:s12], $0x2710  }
0xd0: {  	s30 =	sadd.s32 $0x1, s30;
	s31 =	rddreg [dreg:$0xa]  }
0xd1: {  	p0 =	sne.s32 s30, s31  }
.Ltmp1:
0xd2: {  	_ = 	snop;
	(pc) =	sbr.rel @p0 .LBB2_1-.Ltmp1, $3  }
0xd3: {  	_ =	sdelay $0x1  }
0xd4: {  	[sflag:s12] =	ssyncset.done $0x0  }
0xd5: {  	[sflag:s12] =	ssyncadd.s32 $0xFFFFD8F0  }
0xd6: {  	_ =	sfence.sel $0x180000  }
0xd7: {  	[bflag:$0x0] =	sbarrier.arrive $0xFFFF  }
0xd8: {  	_ =	strace $0x9000004A  }
0xd9: {  	s0 =	stileid.u32;
	[bflag:$0x2] =	sbarrier.arrive $0xFFFF  }
0xda: {  	p0 =	sne.s32 s0, $0x0;
	s0 =	rddreg [dreg:$0x3]  }
0xdb: {  	s0 =	sadd.s32 @!p0 $0x100000, s0  }
0xdc: {  	[sflag:s0] =	ssyncadd.tile.s32 @!p0 $0x1;
	_ =	shalt  }
.Lfunc_end2:
_tile_overlayer_lowered:
.L_overlay_start_2:
0xdd: {  	(tag) =	ssettag $0x2  }
0xde: {  	s0 =	rddreg [dreg:$0x0];
	s2 =	stileid.u32  }
0xdf: {  	s1 =	rddreg [dreg:$0x1];
	p0 =	sne.s32 s2, $0x0  }
0xe0: {  	s3 =	rddreg [dreg:$0x2];
	[bflag:$0x3] =	sbarrier.arrive $0xFFFF;
	s2 =	simm.s32 @!p0 $0x1C0B  }
0xe1: {  	[timem:s3], [sflag:s2] =	dma.local @!p0 [hbm:s0], s1  }
0xe2: {  	s0 =	simm.s32 @!p0 $0xB  }
0xe3: {  	_ =	swait.ge @!p0 [sflag:s0], s1  }
0xe4: {  	s1 =	ssub.s32 @!p0 $0x0, s1;
	[sflag:s0] =	ssyncset.done @!p0 $0x0  }
0xe5: {  	[sflag:s0] =	ssyncadd.s32 @!p0 s1  }
0xe6: {  	[bflag:$0x3] =	sbarrier.arrive $0xFFFF  }
0xe7: {  	_ =	shalt  }

// kernel: kernel.13.cloned.1.call-start
scs
__scs_entry_jumppad:
0x0: {  	(pc) =	sbr.rel $0x88, $3  }
0x1: {  	(tag) =	ssettag $0x0;
	lr =	simm.s32 $0x1  }
0x2: {  	[smem:$0x3F99] =	sst lr;
	_ =	strace $0xD0000000  }
0x3: {  	_ = 	snop  }
0x4: {  	_ = 	snop  }
0x5: {  	_ = 	snop  }
0x6: {  	_ = 	snop  }
0x7: {  	_ = 	snop  }
__scs_overlays_trampoline_lowered:
0x8: {  	[smem:$0x3FA8] =	sst s0  }
0x9: {  	[smem:$0x3FA9] =	sst s1  }
0xa: {  	[smem:$0x3FAA] =	sst s2  }
0xb: {  	[smem:$0x3FAB] =	sst s3  }
0xc: {  	[smem:$0x3FAC] =	sst s4  }
0xd: {  	[smem:$0x3FAD] =	sst s5  }
0xe: {  	[smem:$0x3FAE] =	sst s6  }
0xf: {  	[smem:$0x3FAF] =	sst s7  }
0x10: {  	[smem:$0x3FB0] =	sst s8  }
0x11: {  	[smem:$0x3FB1] =	sst s9;
	s0 =	simm.s32 @!p0 $0x0  }
0x12: {  	s1 =	sld [smem:$0x3F97];
	s0 =	simm.s32 @p0 $0x1  }
0x13: {  	[smem:$0x3FB2] =	sst s0;
	s0 =	simm.s32 @!p1 $0x0  }
0x14: {  	s2 =	sld [smem:$0x3F96];
	s0 =	simm.s32 @p1 $0x1  }
0x15: {  	[smem:$0x3FB3] =	sst s0;
	s0 =	simm.s32 @!p2 $0x0  }
0x16: {  	s3 =	sld [smem:$0x3FDB];
	s0 =	simm.s32 @p2 $0x1  }
0x17: {  	s4 =	simm.s32 $0x1BF5;
	[smem:$0x3FB5] =	sst s0  }
0x18: {  	s0 =	sld [smem:$0x3F98];
	_ =	swait.ge [sflag:s4], $0x0  }
0x19: {  	s7 =	sld [smem:$0x3F99]  }
0x1a: {  	s8 =	sadd.s32 $0xFFFFE003, lr  }
0x1b: {  	s9 =	sadd.s32 $0xFFFFFEF7, lr;
	s5 =	simm.s32 $0xFFFFFFFF;
	p2 =	slt.u32 s8, $0xFFFFF086  }
0x1c: {  	p1 =	slt.u32 s9, $0xF7A;
	s5 =	simm.s32 @!p2 $0x0  }
0x1d: {  	s5 =	simm.s32 @p1 $0x1;
	p0 =	seq.s32 s7, s2  }
0x1e: {  	s7 =	smul.u32 @!p0 $0xF7A, s2;
	p2 =	seq.s32 @!p0 s5, $0x0  }
0x1f: {  	s9 =	smul.u32 $0xF7A, s1;
	s8 =	simm.s32 @!p0 $0x1BF5;
	p2 =	por !p2, p0  }
0x20: {  	[sflag:s8] =	ssyncset.s32 @!p0 $0xFFFFF086;
	s6 =	sadd.s32 @!p0 s3, s7;
	s7 =	simm.s32 @!p0 $0x108  }
0x21: {  	s3 =	sadd.s32 s3, s9;
	s6 =	sadd.s32 @!p0 $0x88, s6;
	s7 =	simm.s32 @p2 $0x1082  }
0x22: {  	[simem:s7], [sflag:s8] =	dma.local @!p0 [hbm:s6], $0xF7A  }
0x23: {  	s9 =	sor.u32 $0xD0000000, s2;
	s6 =	simm.s32 $0x108;
	_ =	swait.ge @!p0 [sflag:s8], $0x0  }
0x24: {  	s3 =	sadd.s32 $0x88, s3;
	s6 =	simm.s32 @!p1 $0x1082;
	[sflag:s4] =	ssyncset.s32 $0xFFFFF086  }
0x25: {  	[simem:s6], [sflag:s4] =	dma.local [hbm:s3], $0xF7A  }
0x26: {  	[smem:$0x3F99] =	sst s1;
	(tag) =	ssettag s2;
	_ =	strace s9  }
0x27: {  	s1 =	sld [smem:$0x3FA9]  }
0x28: {  	s2 =	sld [smem:$0x3FAA]  }
0x29: {  	s4 =	sld [smem:$0x3FAC]  }
0x2a: {  	p0 =	seq.s32 s5, $0x0;
	s5 =	sld [smem:$0x3FAD]  }
0x2b: {  	s6 =	sld [smem:$0x3FAE]  }
0x2c: {  	s7 =	sld [smem:$0x3FAF]  }
0x2d: {  	s3 =	simm.s32 $0x108;
	s8 =	sld [smem:$0x3FB0]  }
0x2e: {  	s3 =	simm.s32 @!p0 $0x1082;
	s9 =	sld [smem:$0x3FB1]  }
0x2f: {  	lr =	sadd.s32 s0, s3;
	s0 =	sld [smem:$0x3FA8]  }
0x30: {  	s3 =	sld [smem:$0x3FAB]  }
0x31: {  	[smem:$0x3FB4] =	sst s10  }
0x32: {  	s10 =	sld [smem:$0x3FB2];
	_ =	sdelay $0x3  }
0x33: {  	p0 =	seq.s32 s10, $0x1;
	s10 =	sld [smem:$0x3FB4];
	_ =	sdelay $0x3  }
0x34: {  	[smem:$0x3FB4] =	sst s10  }
0x35: {  	s10 =	sld [smem:$0x3FB3];
	_ =	sdelay $0x3  }
0x36: {  	p1 =	seq.s32 s10, $0x1;
	s10 =	sld [smem:$0x3FB4];
	_ =	sdelay $0x3  }
0x37: {  	[smem:$0x3FB4] =	sst s10  }
0x38: {  	s10 =	sld [smem:$0x3FB5]  }
0x39: {  	_ = 	snop;
	(pc) =	sbr.ind lr, $3  }
0x3a: {  	_ = 	snop  }
0x3b: {  	_ = 	snop  }
0x3c: {  	p2 =	seq.s32 s10, $0x1;
	s10 =	sld [smem:$0x3FB4]  }
0x3d: {  	_ =	shalt  }
0x3e: {  	_ =	shalt  }
0x3f: {  	_ =	shalt  }
0x40: {  	_ =	shalt  }
0x41: {  	_ =	shalt  }
0x42: {  	_ =	shalt  }
0x43: {  	_ =	shalt  }
0x44: {  	_ =	shalt  }
0x45: {  	_ =	shalt  }
0x46: {  	_ =	shalt  }
0x47: {  	_ =	shalt  }
0x48: {  	_ =	shalt  }
0x49: {  	_ =	shalt  }
0x4a: {  	_ =	shalt  }
0x4b: {  	_ =	shalt  }
0x4c: {  	_ =	shalt  }
0x4d: {  	_ =	shalt  }
0x4e: {  	_ =	shalt  }
0x4f: {  	_ =	shalt  }
0x50: {  	_ =	shalt  }
0x51: {  	_ =	shalt  }
0x52: {  	_ =	shalt  }
0x53: {  	_ =	shalt  }
0x54: {  	_ =	shalt  }
0x55: {  	_ =	shalt  }
0x56: {  	_ =	shalt  }
0x57: {  	_ =	shalt  }
0x58: {  	_ =	shalt  }
0x59: {  	_ =	shalt  }
0x5a: {  	_ =	shalt  }
0x5b: {  	_ =	shalt  }
0x5c: {  	_ =	shalt  }
0x5d: {  	_ =	shalt  }
0x5e: {  	_ =	shalt  }
0x5f: {  	_ =	shalt  }
0x60: {  	_ =	shalt  }
0x61: {  	_ =	shalt  }
0x62: {  	_ =	shalt  }
0x63: {  	_ =	shalt  }
0x64: {  	_ =	shalt  }
0x65: {  	_ =	shalt  }
0x66: {  	_ =	shalt  }
0x67: {  	_ =	shalt  }
0x68: {  	_ =	shalt  }
0x69: {  	_ =	shalt  }
0x6a: {  	_ =	shalt  }
0x6b: {  	_ =	shalt  }
0x6c: {  	_ =	shalt  }
0x6d: {  	_ =	shalt  }
0x6e: {  	_ =	shalt  }
0x6f: {  	_ =	shalt  }
0x70: {  	_ =	shalt  }
0x71: {  	_ =	shalt  }
0x72: {  	_ =	shalt  }
0x73: {  	_ =	shalt  }
0x74: {  	_ =	shalt  }
0x75: {  	_ =	shalt  }
0x76: {  	_ =	shalt  }
0x77: {  	_ =	shalt  }
0x78: {  	_ =	shalt  }
0x79: {  	_ =	shalt  }
0x7a: {  	_ =	shalt  }
0x7b: {  	_ =	shalt  }
0x7c: {  	_ =	shalt  }
0x7d: {  	_ =	shalt  }
0x7e: {  	_ =	shalt  }
0x7f: {  	_ =	shalt  }
0x80: {  	_ =	shalt  }
0x81: {  	_ =	shalt  }
0x82: {  	_ =	shalt  }
0x83: {  	_ =	shalt  }
0x84: {  	_ =	shalt  }
0x85: {  	_ =	shalt  }
0x86: {  	_ =	shalt  }
0x87: {  	_ =	shalt  }
.Lfunc_end0:
.L_simem_size_0:
called_computation.2_lowered:
.L_overlay_start_0:
0x88: {  	s2 =	sld [smem:$0x3FD9]  }
0x89: {  	s3 =	sld [smem:$0x3FFE];
	_ =	sdelay $0x1  }
0x8a: {  	s1 =	srdreg.scid  }
0x8b: {  	s0 =	sand.u32 $0x1, s1  }
0x8c: {  	s17 =	sshll.u32 s0, $0xA;
	s2 =	sadd.s32 s3, s2  }
0x8d: {  	s2 =	sadd.s32 s2, s17  }
0x8e: {  	[smem:$0x3FC0] =	sst s2  }
0x8f: {  	_ = 	snop  }
0x90: {  	s2 =	sld [smem:$0x3FD0];
	(tm) =	ssettm $0x1  }
0x91: {  	s18 =	sld [smem:$0x3FFB];
	_ =	sdelay $0x3  }
0x92: {  	_ =	strace s18  }
0x93: {  	s3 =	sld [smem:$0x3FFC];
	_ =	sdelay $0x3  }
0x94: {  	_ =	strace s3  }
0x95: {  	s3 =	sld [smem:$0x3FFD];
	_ =	sdelay $0x3  }
0x96: {  	_ =	strace s3  }
0x97: {  	_ =	strace $0x8FFFFFFF  }
0x98: {  	s19 =	sld [smem:$0x3FDB];
	_ =	sdelay $0x1  }
0x99: {  	s4 =	simm.s32 $_scs_section_size  }
0x9a: {  	s5 =	simm.s32 $_size__tile_overlayer_lowered;
	s6 =	simm.s32 $_tile_overlayer_lowered  }
0x9b: {  	s22 =	simm.s32 $0x1BFF;
	s21 =	sshll.u32 s6, $0x1;
	s3 =	sadd.s32 s4, s19  }
0x9c: {  	s7 =	simm.s32 $0x0;
	s20 =	sshll.u32 s5, $0x1;
	s5 =	sadd.s32 s21, s3  }
0x9d: {  	[timem:s7], [sflag:s22] =	dma.local [hbm:s5], s20  }
0x9e: {  	_ =	swait.ge [sflag:s22], s20  }
0x9f: {  	s4 =	ssub.s32 $0x0, s20;
	[sflag:s22] =	ssyncset.done $0x0  }
0xa0: {  	[sflag:s22] =	ssyncadd.s32 s4;
	_ =	sdelay $0x1  }
0xa1: {  	s23 =	simm.s32 $0x1B8B  }
0xa2: {  	_ =	swait.ge [sflag:s23], $0x1  }
0xa3: {  	[sflag:s23] =	ssyncset.done $0x0  }
0xa4: {  	s25 =	simm.s32 $0x1B8E;
	s24 =	sld [smem:$0x3FFE];
	[sflag:s23] =	ssyncadd.s32 $0xFFFFFFFF  }
0xa5: {  	s26 =	simm.s32 $execute0_lowered;
	[smem:$0x3FD2] =	sst s25  }
0xa6: {  	s5 =	sshll.u32 s26, $0x1;
	_ =	strace $0x8000004C;
	[dreg:$0x1] =	wrdreg $0xFFFFFFFF  }
0xa7: {  	s28 =	simm.s32 $_size_execute0_lowered;
	s3 =	sadd.s32 s3, s5;
	[dreg:$0x0] =	wrdreg $0x0  }
0xa8: {  	s5 =	sshll.u32 s28, $0x1;
	[dreg:$0x2] =	wrdreg s3  }
0xa9: {  	[dreg:$0x3] =	wrdreg s5  }
0xaa: {  	[dreg:$0x4] =	wrdreg $0xC0  }
0xab: {  	_ =	task [dreg:s7], $0x5FFFF  }
0xac: {  	[dreg:$0x1] =	wrdreg $0xFFFFFFFF  }
0xad: {  	[dreg:$0x0] =	wrdreg $0x60  }
0xae: {  	[dreg:$0x2] =	wrdreg s2  }
0xaf: {  	[dreg:$0x3] =	wrdreg s24  }
0xb0: {  	[dreg:$0x4] =	wrdreg $0x4E200  }
0xb1: {  	[dreg:$0x5] =	wrdreg $0x9  }
0xb2: {  	_ =	task.clear_ibuf [dreg:s7], $0x6FFFF;
	_ =	strace $0x9000004C  }
0xb3: {  	s29 =	simm.s32 $0x9;
	_ =	strace $0x8000004E  }
0xb4: {  	_ =	swait.ge [sflag:s29], $0x1  }
0xb5: {  	[sflag:s29] =	ssyncadd.s32 $0xFFFFFFFF  }
0xb6: {  	_ =	strace $0x9000004E  }
0xb7: {  	_ =	sfence  }
0xb8: {  	s30 =	sld [smem:$0x0];
	_ =	sdelay $0x2  }
0xb9: {  	s31 =	sshll.u32 s1, $0xD;
	s1 =	sshrl.u32 s1, $0x2  }
0xba: {  	s3 =	sand.u32 $0x4000, s31;
	s1 =	sadd.s32 s1, s30  }
0xbb: {  	s0 =	sor.u32 s3, s0;
	s1 =	sshll.u32 s1, $0x11  }
0xbc: {  	s0 =	sor.u32 s1, s0  }
0xbd: {  	s0 =	sadd.s32 $0x8F2B, s0  }
0xbe: {  	[sflag:s0] =	ssyncadd.remote.s32 $0x1  }
0xbf: {  	_ =	sfence.sel $0xFFFF  }
0xc0: {  	[dreg:$0x0] =	wrdreg $0xFFFFFFFF;
	(pc) =	sbr.abs _section_cstart, $3  }
0xc1: {  	[dreg:$0x1] =	wrdreg $0xFFFFFFFF  }
0xc2: {  	_ =	task.clear_ibuf [dreg:s7], $0x2FFFF;
	_ =	strace $0x9FFFFFFF  }
0xc3: {  	(tm) =	ssettm $0x7FFFFFFF  }
tec
execute0_lowered:
.L_overlay_start_1:
0x0: {  	(tag) =	ssettag $0x1  }
0x1: {  	s2 =	rddreg [dreg:$0x0]  }
0x2: {  	s0 =	srdreg.scid;
	s5 =	rddreg [dreg:$0x1]  }
0x3: {  	s10 =	stileid.u32;
	s3 =	rddreg [dreg:$0x2];
	s4 =	simm.s32 $0x0  }
0x4: {  	s12 =	simm.s32 $0xB;
	s19 =	simm.s32 $0x1;
	s20 =	simm.s32 $0x2  }
0x5: {  	s25 =	simm.s32 $0x1C320;
	s21 =	simm.s32 $0x4;
	s26 =	simm.s32 $0x1D720  }
0x6: {  	s22 =	simm.s32 $0x5;
	s23 =	simm.s32 $0x6;
	s28 =	simm.s32 $0x9  }
0x7: {  	s29 =	simm.s32 $0xA;
	s30 =	simm.s32 $0x0;
	s7 =	smul.u32 $0x13880, s10  }
0x8: {  	s0 =	sand.u32 $0x1, s0;
	[smem:$0x7FF] =	sst s4;
	s8 =	smul.u32 $0x13900, s10  }
0x9: {  	s14 =	sshll.u32 s10, $0x6;
	s1 =	sshll.u32 s0, $0x4;
	s6 =	smul.u32 $0x138800, s0  }
0xa: {  	_ =	strace $0x8000004D;
	s0 =	ssub.s32 $0x2, s0;
	[dreg:$0x4] =	wrdreg s25  }
0xb: {  	[dreg:$0x5] =	wrdreg s26;
	s26 =	simm.s32 $0x8;
	s1 =	sor.u32 s10, s1  }
0xc: {  	s9 =	sshrl.u32 s8, $0x3;
	s13 =	sshrl.u32 s0, $0x1;
	s11 =	sadd.s32 s8, s3  }
0xd: {  	s18 =	sadd.s32 s7, s3;
	s1 =	smul.u32 $0x4E2, s1;
	s6 =	sadd.s32 s7, s6  }
0xe: {  	s9 =	sadd.s32 s9, s5;
	s0 =	ssub.s32 s0, s13;
	s24 =	sshrl.u32 s11, $0x3  }
0xf: {  	s31 =	sshrl.u32 s18, $0x3;
	s6 =	sshrl.u32 s6, $0x3;
	[dreg:$0xb] =	wrdreg s24  }
0x10: {  	s15 =	sadd.s32 $0x1B200, s9;
	s0 =	smax.u32 s0, $0x1;
	[dreg:$0xc] =	wrdreg s31  }
0x11: {  	s24 =	simm.s32 $0x7;
	s1 =	sadd.s32 s1, s5;
	[dreg:$0x6] =	wrdreg s15  }
0x12: {  	s5 =	sadd.s32 s6, s5;
	[dreg:$0xa] =	wrdreg s0;
	s16 =	sadd.s32 $0xC400, s1  }
0x13: {  	s6 =	sor.u32 $0x1C0B, s14;
	s1 =	sadd.s32 $0x2600, s1;
	[dreg:$0x7] =	wrdreg s16  }
0x14: {  	s14 =	simm.s32 $0x28;
	s17 =	sadd.s32 $0x42400, s5;
	[dreg:$0x8] =	wrdreg s1  }
0x15: {  	s15 =	simm.s32 $0x18720;
	[dreg:$0x9] =	wrdreg s17;
	s16 =	simm.s32 $0x19B20  }
.LBB2_1:
0x16: {  	s0 =	rddreg [dreg:$0x6]  }
0x17: {  	s1 =	rddreg [dreg:$0xb]  }
0x18: {  	[spmem:s1], [sflag:s6] =	dma.local [hbm:s0], $0x2720  }
0x19: {  	_ =	swait.ge [sflag:s12], $0x2720  }
0x1a: {  	[sflag:s12] =	ssyncset.done $0x0  }
0x1b: {  	s7 =	rddreg [dreg:$0x7];
	[sflag:s12] =	ssyncadd.s32 $0xFFFFD8E0  }
0x1c: {  	[tilespmem:s4], [sflag:$0xB] =	stream.linear.gather [hbm4b:s7+s4], $0x2710, $0x38;
	[tilespmem:$0x1EB20] =	vst v63  }
0x1d: {  	_ =	swait.ge [sflag:s12], $0x2710  }
0x1e: {  	[sflag:s12] =	ssyncset.done $0x0  }
0x1f: {  	s9 =	simm.s32 $0x2710;
	s8 =	rddreg [dreg:$0x8];
	[sflag:s12] =	ssyncadd.s32 $0xFFFFD8F0  }
0x20: {  	[tilespmem:s9], [sflag:$0xB] =	stream.linear.gather [hbm4b:s8+s4], $0x2710, $0x38;
	[tilespmem:$0x1EB20] =	vst v63  }
0x21: {  	_ =	swait.ge [sflag:s12], $0x2710  }
0x22: {  	[sflag:s12] =	ssyncset.done $0x0  }
0x23: {  	[sflag:s12] =	ssyncadd.s32 $0xFFFFD8F0  }
0x24: {  	p0 =	por $0x1, $0x1;
	[bflag:$0x0] =	sbarrier.arrive $0xFFFF  }
0x25: {  	[tilespmem:s15], [sflag:$0x1] =	stream.indirect.gather [hbm4b:s2+s14], $0x80, s4, s14, $0xb8;
	[tilespmem:$0x1EB20] =	vst v63  }
0x26: {  	p1 =	por p0, p0  }
0x27: {  	[tilespmem:s16], [sflag:$0x2] =	stream.indirect.gather [hbm4b:s2+s14], $0x80, s14, s14, $0xb8;
	[tilespmem:$0x1EB20] =	vst v63  }
0x28: {  	s10 =	simm.s32 $0x50;
	s11 =	simm.s32 $0x1AF20;
	s0 =	simm.s32 @!p1 $0x9  }
0x29: {  	[tilespmem:s11], [sflag:$0x3] =	stream.indirect.gather [hbm4b:s2+s14], $0x80, s10, s14, $0xb8;
	[tilespmem:$0x1EB20] =	vst v63  }
0x2a: {  	_ =	swait.ge @!p1 [sflag:s0], $0x1400  }
0x2b: {  	s1 =	simm.s32 @!p0 $0x78;
	p0 =	por $0x0, $0x0;
	[sflag:s0] =	ssyncset.done @!p1 $0x0  }
0x2c: {  	s5 =	simm.s32 @!p1 $0x1C320;
	[sflag:s0] =	ssyncadd.s32 @!p1 $0xFFFFEC00;
	s0 =	simm.s32 @!p1 $0x28  }
0x2d: {  	[tilespmem:s5], [sflag:$0x4] =	stream.indirect.gather @!p1 [hbm4b:s2+s0], $0x80, s1, s0, $0xb8;
	[tilespmem:$0x1EB20] =	vst v63  }
0x2e: {  	s0 =	simm.s32 @!p0 $0x78;
	s1 =	simm.s32 @!p0 $0x28;
	s5 =	simm.s32 @!p0 $0x1C320  }
0x2f: {  	[tilespmem:s5], [sflag:$0x4] =	stream.indirect.gather @!p0 [hbm4b:s2+s1], $0x80, s0, s1, $0xb8;
	[tilespmem:$0x1EB20] =	vst v63  }
0x30: {  	_ =	swait.ge [sflag:s19], $0x1400  }
0x31: {  	p1 =	por $0x1, $0x1;
	[sflag:s19] =	ssyncset.done $0x0  }
0x32: {  	s13 =	simm.s32 $0x2710;
	s0 =	simm.s32 @!p1 $0xA;
	[sflag:s19] =	ssyncadd.s32 $0xFFFFEC00  }
0x33: {  	[spmem:s3] =	stream.indirect.scatter.add.f32 [tilespmem:s15], [sflag:$0x6], $0x80, s13, s14, $0xb8;
	[tilespmem:$0x1EB20] =	vst v63  }
0x34: {  	_ =	swait.ge @!p1 [sflag:s0], $0x1400  }
0x35: {  	s7 =	simm.s32 @!p1 $0x28;
	[sflag:s0] =	ssyncset.done @!p1 $0x0  }
0x36: {  	s5 =	simm.s32 @!p1 $0xA0;
	s13 =	simm.s32 @!p1 $0x1D720;
	[sflag:s0] =	ssyncadd.s32 @!p1 $0xFFFFEC00  }
0x37: {  	[tilespmem:s13], [sflag:$0x5] =	stream.indirect.gather @!p1 [hbm4b:s2+s7], $0x80, s5, s7, $0xb8;
	[tilespmem:$0x1EB20] =	vst v63  }
0x38: {  	s0 =	simm.s32 @!p0 $0xA0;
	s5 =	simm.s32 @!p0 $0x1D720  }
0x39: {  	[tilespmem:s5], [sflag:$0x5] =	stream.indirect.gather @!p0 [hbm4b:s2+s1], $0x80, s0, s1, $0xb8;
	[tilespmem:$0x1EB20] =	vst v63  }
0x3a: {  	_ =	swait.ge [sflag:s20], $0x1400  }
0x3b: {  	p0 =	por $0x0, $0x0;
	[sflag:s20] =	ssyncset.done $0x0  }
0x3c: {  	s17 =	simm.s32 $0x2738;
	s1 =	simm.s32 @p0 $0x3;
	[sflag:s20] =	ssyncadd.s32 $0xFFFFEC00  }
0x3d: {  	[spmem:s3] =	stream.indirect.scatter.add.f32 [tilespmem:s16], [sflag:$0x7], $0x80, s17, s14, $0xb8;
	[tilespmem:$0x1EB20] =	vst v63  }
0x3e: {  	_ =	swait.ge @p0 [sflag:s1], $0x1400  }
0x3f: {  	s0 =	simm.s32 @p0 $0x2760;
	s5 =	simm.s32 @p0 $0x28;
	[sflag:s1] =	ssyncset.done @p0 $0x0  }
0x40: {  	s7 =	simm.s32 @p0 $0x1AF20;
	[sflag:s1] =	ssyncadd.s32 @p0 $0xFFFFEC00;
	s1 =	simm.s32 @!p0 $0x6  }
0x41: {  	[spmem:s3] =	stream.indirect.scatter.add.f32 @p0 [tilespmem:s7], [sflag:$0x8], $0x80, s0, s5, $0xb8;
	[tilespmem:$0x1EB20] =	vst v63  }
0x42: {  	_ =	swait.ge @!p0 [sflag:s1], $0x1400  }
0x43: {  	s0 =	simm.s32 @!p0 $0xC8;
	s5 =	simm.s32 @!p0 $0x28;
	[sflag:s1] =	ssyncset.done @!p0 $0x0  }
0x44: {  	s7 =	simm.s32 @!p0 $0x18720;
	[sflag:s1] =	ssyncadd.s32 @!p0 $0xFFFFEC00;
	s1 =	simm.s32 @!p0 $0x3  }
0x45: {  	[tilespmem:s7], [sflag:$0x1] =	stream.indirect.gather @!p0 [hbm4b:s2+s5], $0x80, s0, s5, $0xb8;
	[tilespmem:$0x1EB20] =	vst v63  }
0x46: {  	_ =	swait.ge @!p0 [sflag:s1], $0x1400  }
0x47: {  	s0 =	simm.s32 @!p0 $0x2760;
	[sflag:s1] =	ssyncset.done @!p0 $0x0  }
0x48: {  	s7 =	simm.s32 @!p0 $0x1AF20;
	[sflag:s1] =	ssyncadd.s32 @!p0 $0xFFFFEC00;
	s1 =	simm.s32 @!p0 $0x7  }
0x49: {  	[spmem:s3] =	stream.indirect.scatter.add.f32 @!p0 [tilespmem:s7], [sflag:$0x8], $0x80, s0, s5, $0xb8;
	[tilespmem:$0x1EB20] =	vst v63  }
0x4a: {  	_ =	swait.ge @!p0 [sflag:s1], $0x1400  }
0x4b: {  	[sflag:s1] =	ssyncset.done @!p0 $0x0  }
0x4c: {  	s13 =	simm.s32 @!p0 $0x19B20;
	s0 =	simm.s32 @!p0 $0xF0;
	[sflag:s1] =	ssyncadd.s32 @!p0 $0xFFFFEC00  }
0x4d: {  	[tilespmem:s13], [sflag:$0x2] =	stream.indirect.gather @!p0 [hbm4b:s2+s5], $0x80, s0, s5, $0xb8;
	[tilespmem:$0x1EB20] =	vst v63  }
0x4e: {  	_ =	swait.ge [sflag:s21], $0x1400  }
0x4f: {  	s25 =	simm.s32 $0x2788;
	[sflag:s21] =	ssyncset.done $0x0  }
0x50: {  	s13 =	simm.s32 @!p0 $0x8;
	s18 =	rddreg [dreg:$0x4];
	[sflag:s21] =	ssyncadd.s32 $0xFFFFEC00  }
0x51: {  	[spmem:s3] =	stream.indirect.scatter.add.f32 [tilespmem:s18], [sflag:$0x9], $0x80, s25, s14, $0xb8;
	[tilespmem:$0x1EB20] =	vst v63  }
0x52: {  	_ =	swait.ge @!p0 [sflag:s13], $0x1400  }
0x53: {  	s31 =	simm.s32 $0x320;
	p1 =	por $0x0, $0x0;
	[sflag:s13] =	ssyncset.done @!p0 $0x0  }
0x54: {  	s17 =	simm.s32 @!p1 $0x140;
	s0 =	simm.s32 @!p0 $0x118;
	[sflag:s13] =	ssyncadd.s32 @!p0 $0xFFFFEC00  }
0x55: {  	[tilespmem:s7], [sflag:$0x3] =	stream.indirect.gather @!p0 [hbm4b:s2+s5], $0x80, s0, s5, $0xb8;
	[tilespmem:$0x1EB20] =	vst v63  }
0x56: {  	s1 =	simm.s32 $0x3;
	s18 =	simm.s32 $0x27B0;
	_ =	swait.ge [sflag:s22], $0x1400  }
0x57: {  	s13 =	simm.s32 $0x8;
	s0 =	simm.s32 $0x640;
	[sflag:s22] =	ssyncset.done $0x0  }
0x58: {  	p0 =	por p1, p1;
	s7 =	rddreg [dreg:$0x5];
	[sflag:s22] =	ssyncadd.s32 $0xFFFFEC00  }
.LBB2_2:
0x59: {  	p2 =	sgt.u32 s13, $0xF4;
	s8 =	simm.s32 @!p0 $0x9  }
0x5a: {  	[spmem:s3] =	stream.indirect.scatter.add.f32 [tilespmem:s7], [sflag:$0xA], $0x80, s18, s14, $0xb8;
	[tilespmem:$0x1EB20] =	vst v63  }
0x5b: {  	s5 =	smov.u32 s0;
	s18 =	simm.s32 @!p0 $0x1C320;
	_ =	swait.ge @!p0 [sflag:s8], $0x1400  }
0x5c: {  	p3 =	sne.s32 s31, $0x0;
	s1 =	sadd.s32 $0x1, s1;
	[sflag:s8] =	ssyncset.done @!p0 $0x0  }
0x5d: {  	s9 =	sshra.s32 @!p3 s31, $0x2;
	[sflag:s8] =	ssyncadd.s32 @!p0 $0xFFFFEC00;
	s8 =	simm.s32 @!p0 $0x28  }
0x5e: {  	[tilespmem:s18], [sflag:$0x4] =	stream.indirect.gather @!p0 [hbm4b:s2+s8], $0x80, s17, s8, $0xb8;
	[tilespmem:$0x1EB20] =	vst v63  }
0x5f: {  	s10 =	simm.s32 @!p3 $0x28;
	s8 =	sadd.s32 @!p3 $0x78, s9;
	s17 =	simm.s32 @!p3 $0x1C320  }
0x60: {  	[tilespmem:s17], [sflag:$0x4] =	stream.indirect.gather @!p3 [hbm4b:s2+s10], $0x80, s8, s10, $0xb8;
	[tilespmem:$0x1EB20] =	vst v63  }
0x61: {  	s7 =	sshra.s32 @!p2 s5, $0x2;
	p4 =	sgt.u32 s1, $0xF4;
	_ =	swait.ge [sflag:s19], $0x1400  }
0x62: {  	s18 =	sshra.s32 s31, $0x2;
	s8 =	sadd.s32 @!p3 $0xA0, s9;
	[sflag:s19] =	ssyncset.done $0x0  }
0x63: {  	s17 =	sadd.s32 $0x2710, s18;
	s9 =	simm.s32 @!p4 $0xA;
	[sflag:s19] =	ssyncadd.s32 $0xFFFFEC00  }
0x64: {  	[spmem:s3] =	stream.indirect.scatter.add.f32 [tilespmem:s15], [sflag:$0x6], $0x80, s17, s14, $0xb8;
	[tilespmem:$0x1EB20] =	vst v63  }
0x65: {  	s7 =	sadd.s32 @!p2 $0x78, s7;
	s1 =	sshra.s32 @!p4 s31, $0x2;
	_ =	swait.ge @!p4 [sflag:s9], $0x1400  }
0x66: {  	s11 =	simm.s32 @!p4 $0x28;
	s25 =	simm.s32 @!p4 $0x1D720;
	[sflag:s9] =	ssyncset.done @!p4 $0x0  }
0x67: {  	s17 =	smov.u32 s7;
	s7 =	sadd.s32 @!p4 $0xA0, s1;
	[sflag:s9] =	ssyncadd.s32 @!p4 $0xFFFFEC00  }
0x68: {  	[tilespmem:s25], [sflag:$0x5] =	stream.indirect.gather @!p4 [hbm4b:s2+s11], $0x80, s7, s11, $0xb8;
	[tilespmem:$0x1EB20] =	vst v63  }
0x69: {  	s7 =	simm.s32 @!p3 $0x1D720  }
0x6a: {  	[tilespmem:s7], [sflag:$0x5] =	stream.indirect.gather @!p3 [hbm4b:s2+s10], $0x80, s8, s10, $0xb8;
	[tilespmem:$0x1EB20] =	vst v63  }
0x6b: {  	_ =	swait.ge [sflag:s20], $0x1400  }
0x6c: {  	p0 =	por p2, p2;
	p2 =	seq.s32 s31, $0x9920;
	[sflag:s20] =	ssyncset.done $0x0  }
0x6d: {  	s25 =	sadd.s32 $0x2738, s18;
	s8 =	simm.s32 @p2 $0x3;
	[sflag:s20] =	ssyncadd.s32 $0xFFFFEC00  }
0x6e: {  	[spmem:s3] =	stream.indirect.scatter.add.f32 [tilespmem:s16], [sflag:$0x7], $0x80, s25, s14, $0xb8;
	[tilespmem:$0x1EB20] =	vst v63  }
0x6f: {  	s9 =	sshra.s32 @p2 s31, $0x2;
	_ =	swait.ge @p2 [sflag:s8], $0x1400  }
0x70: {  	s11 =	simm.s32 @p2 $0x1AF20;
	s7 =	sadd.s32 @p2 $0x2760, s9;
	[sflag:s8] =	ssyncset.done @p2 $0x0  }
0x71: {  	s10 =	simm.s32 @p2 $0x28;
	[sflag:s8] =	ssyncadd.s32 @p2 $0xFFFFEC00;
	s8 =	simm.s32 @!p2 $0x6  }
0x72: {  	[spmem:s3] =	stream.indirect.scatter.add.f32 @p2 [tilespmem:s11], [sflag:$0x8], $0x80, s7, s10, $0xb8;
	[tilespmem:$0x1EB20] =	vst v63  }
0x73: {  	s9 =	sshra.s32 @!p2 s31, $0x2;
	_ =	swait.ge @!p2 [sflag:s8], $0x1400  }
0x74: {  	s31 =	simm.s32 @!p2 $0x18720;
	s25 =	sadd.s32 @!p2 $0xC8, s9;
	[sflag:s8] =	ssyncset.done @!p2 $0x0  }
0x75: {  	s11 =	simm.s32 @!p2 $0x28;
	[sflag:s8] =	ssyncadd.s32 @!p2 $0xFFFFEC00;
	s8 =	simm.s32 @!p2 $0x3  }
0x76: {  	[tilespmem:s31], [sflag:$0x1] =	stream.indirect.gather @!p2 [hbm4b:s2+s11], $0x80, s25, s11, $0xb8;
	[tilespmem:$0x1EB20] =	vst v63  }
0x77: {  	_ =	swait.ge @!p2 [sflag:s8], $0x1400  }
0x78: {  	s7 =	sadd.s32 @!p2 $0x2760, s9;
	s31 =	smov.u32 s5;
	[sflag:s8] =	ssyncset.done @!p2 $0x0  }
0x79: {  	s5 =	simm.s32 @!p2 $0x1AF20;
	[sflag:s8] =	ssyncadd.s32 @!p2 $0xFFFFEC00;
	s8 =	simm.s32 @!p2 $0x7  }
0x7a: {  	[spmem:s3] =	stream.indirect.scatter.add.f32 @!p2 [tilespmem:s5], [sflag:$0x8], $0x80, s7, s11, $0xb8;
	[tilespmem:$0x1EB20] =	vst v63  }
0x7b: {  	_ =	swait.ge @!p2 [sflag:s8], $0x1400  }
0x7c: {  	[sflag:s8] =	ssyncset.done @!p2 $0x0  }
0x7d: {  	s10 =	sadd.s32 @!p2 $0xF0, s9;
	s7 =	simm.s32 @!p2 $0x19B20;
	[sflag:s8] =	ssyncadd.s32 @!p2 $0xFFFFEC00  }
0x7e: {  	[tilespmem:s7], [sflag:$0x2] =	stream.indirect.gather @!p2 [hbm4b:s2+s11], $0x80, s10, s11, $0xb8;
	[tilespmem:$0x1EB20] =	vst v63  }
0x7f: {  	_ =	swait.ge [sflag:s21], $0x1400  }
0x80: {  	s25 =	sadd.s32 $0x2788, s18;
	[sflag:s21] =	ssyncset.done $0x0  }
0x81: {  	s10 =	simm.s32 @!p2 $0x8;
	s8 =	rddreg [dreg:$0x4];
	[sflag:s21] =	ssyncadd.s32 $0xFFFFEC00  }
0x82: {  	[spmem:s3] =	stream.indirect.scatter.add.f32 [tilespmem:s8], [sflag:$0x9], $0x80, s25, s14, $0xb8;
	[tilespmem:$0x1EB20] =	vst v63  }
0x83: {  	s0 =	sadd.s32 $0x320, s0;
	_ =	swait.ge @!p2 [sflag:s10], $0x1400  }
0x84: {  	p1 =	sne.s32 s0, $0x9C40;
	[sflag:s10] =	ssyncset.done @!p2 $0x0  }
.Ltmp0:
0x85: {  	s9 =	sadd.s32 @!p2 $0x118, s9;
	[sflag:s10] =	ssyncadd.s32 @!p2 $0xFFFFEC00;
	(pc) =	sbr.rel @p1 .LBB2_2-.Ltmp0, $4  }
0x86: {  	[tilespmem:s5], [sflag:$0x3] =	stream.indirect.gather @!p2 [hbm4b:s2+s11], $0x80, s9, s11, $0xb8;
	[tilespmem:$0x1EB20] =	vst v63  }
0x87: {  	_ =	swait.ge [sflag:s22], $0x1400  }
0x88: {  	s1 =	smov.u32 s13;
	s13 =	sadd.s32 $0x5, s13;
	[sflag:s22] =	ssyncset.done $0x0  }
0x89: {  	s18 =	sadd.s32 $0x27B0, s18;
	s7 =	rddreg [dreg:$0x5];
	[sflag:s22] =	ssyncadd.s32 $0xFFFFEC00  }
0x8a: {  	s0 =	simm.s32 @!p0 $0x9  }
0x8b: {  	[spmem:s3] =	stream.indirect.scatter.add.f32 [tilespmem:s7], [sflag:$0xA], $0x80, s18, s14, $0xb8;
	[tilespmem:$0x1EB20] =	vst v63  }
0x8c: {  	_ =	swait.ge @!p0 [sflag:s0], $0x1400  }
0x8d: {  	s5 =	simm.s32 @!p0 $0x1C320;
	p1 =	sne.s32 s31, $0x0;
	[sflag:s0] =	ssyncset.done @!p0 $0x0  }
0x8e: {  	s7 =	sshra.s32 @!p1 s31, $0x2;
	[sflag:s0] =	ssyncadd.s32 @!p0 $0xFFFFEC00;
	s0 =	simm.s32 @!p0 $0x28  }
0x8f: {  	[tilespmem:s5], [sflag:$0x4] =	stream.indirect.gather @!p0 [hbm4b:s2+s0], $0x80, s17, s0, $0xb8;
	[tilespmem:$0x1EB20] =	vst v63  }
0x90: {  	s8 =	simm.s32 @!p1 $0x1C320;
	s0 =	sadd.s32 @!p1 $0x78, s7;
	s5 =	simm.s32 @!p1 $0x28  }
0x91: {  	[tilespmem:s8], [sflag:$0x4] =	stream.indirect.gather @!p1 [hbm4b:s2+s5], $0x80, s0, s5, $0xb8;
	[tilespmem:$0x1EB20] =	vst v63  }
0x92: {  	s1 =	sadd.s32 $0x1, s1;
	_ =	swait.ge [sflag:s19], $0x1400  }
0x93: {  	s25 =	sshra.s32 s31, $0x2;
	p0 =	sgt.u32 s1, $0xF4;
	[sflag:s19] =	ssyncset.done $0x0  }
0x94: {  	s9 =	sadd.s32 $0x2710, s25;
	s1 =	simm.s32 @!p0 $0xA;
	[sflag:s19] =	ssyncadd.s32 $0xFFFFEC00  }
0x95: {  	[spmem:s3] =	stream.indirect.scatter.add.f32 [tilespmem:s15], [sflag:$0x6], $0x80, s9, s14, $0xb8;
	[tilespmem:$0x1EB20] =	vst v63  }
0x96: {  	s8 =	sshra.s32 @!p0 s31, $0x2;
	_ =	swait.ge @!p0 [sflag:s1], $0x1400  }
0x97: {  	s8 =	sadd.s32 @!p0 $0xA0, s8;
	[sflag:s1] =	ssyncset.done @!p0 $0x0  }
0x98: {  	s9 =	simm.s32 @!p0 $0x28;
	[sflag:s1] =	ssyncadd.s32 @!p0 $0xFFFFEC00;
	s1 =	simm.s32 @!p0 $0x1D720  }
0x99: {  	[tilespmem:s1], [sflag:$0x5] =	stream.indirect.gather @!p0 [hbm4b:s2+s9], $0x80, s8, s9, $0xb8;
	[tilespmem:$0x1EB20] =	vst v63  }
0x9a: {  	s1 =	sadd.s32 @!p1 $0xA0, s7;
	s7 =	simm.s32 @!p1 $0x1D720  }
0x9b: {  	[tilespmem:s7], [sflag:$0x5] =	stream.indirect.gather @!p1 [hbm4b:s2+s5], $0x80, s1, s5, $0xb8;
	[tilespmem:$0x1EB20] =	vst v63  }
0x9c: {  	_ =	swait.ge [sflag:s20], $0x1400  }
0x9d: {  	p0 =	seq.s32 s31, $0x9920;
	[sflag:s20] =	ssyncset.done $0x0  }
0x9e: {  	s10 =	sadd.s32 $0x2738, s25;
	s5 =	simm.s32 @p0 $0x3;
	[sflag:s20] =	ssyncadd.s32 $0xFFFFEC00  }
0x9f: {  	[spmem:s3] =	stream.indirect.scatter.add.f32 [tilespmem:s16], [sflag:$0x7], $0x80, s10, s14, $0xb8;
	[tilespmem:$0x1EB20] =	vst v63  }
0xa0: {  	s8 =	simm.s32 @p0 $0x1AF20;
	_ =	swait.ge @p0 [sflag:s5], $0x1400  }
0xa1: {  	s1 =	sshra.s32 @p0 s31, $0x2;
	s7 =	simm.s32 @p0 $0x28;
	[sflag:s5] =	ssyncset.done @p0 $0x0  }
0xa2: {  	s1 =	sadd.s32 @p0 $0x2760, s1;
	[sflag:s5] =	ssyncadd.s32 @p0 $0xFFFFEC00;
	s5 =	simm.s32 @!p0 $0x6  }
0xa3: {  	[spmem:s3] =	stream.indirect.scatter.add.f32 @p0 [tilespmem:s8], [sflag:$0x8], $0x80, s1, s7, $0xb8;
	[tilespmem:$0x1EB20] =	vst v63  }
0xa4: {  	s9 =	simm.s32 @!p0 $0x18720;
	_ =	swait.ge @!p0 [sflag:s5], $0x1400  }
0xa5: {  	s1 =	sshra.s32 @!p0 s31, $0x2;
	s8 =	simm.s32 @!p0 $0x28;
	[sflag:s5] =	ssyncset.done @!p0 $0x0  }
0xa6: {  	s7 =	sadd.s32 @!p0 $0xC8, s1;
	[sflag:s5] =	ssyncadd.s32 @!p0 $0xFFFFEC00;
	s5 =	simm.s32 @!p0 $0x3  }
0xa7: {  	[tilespmem:s9], [sflag:$0x1] =	stream.indirect.gather @!p0 [hbm4b:s2+s8], $0x80, s7, s8, $0xb8;
	[tilespmem:$0x1EB20] =	vst v63  }
0xa8: {  	_ =	swait.ge @!p0 [sflag:s5], $0x1400  }
0xa9: {  	s7 =	sadd.s32 @!p0 $0x2760, s1;
	[sflag:s5] =	ssyncset.done @!p0 $0x0  }
0xaa: {  	s9 =	simm.s32 @!p0 $0x1AF20;
	[sflag:s5] =	ssyncadd.s32 @!p0 $0xFFFFEC00;
	s5 =	simm.s32 @!p0 $0x7  }
0xab: {  	[spmem:s3] =	stream.indirect.scatter.add.f32 @!p0 [tilespmem:s9], [sflag:$0x8], $0x80, s7, s8, $0xb8;
	[tilespmem:$0x1EB20] =	vst v63  }
0xac: {  	_ =	swait.ge @!p0 [sflag:s5], $0x1400  }
0xad: {  	[sflag:s5] =	ssyncset.done @!p0 $0x0  }
0xae: {  	s7 =	sadd.s32 @!p0 $0xF0, s1;
	[sflag:s5] =	ssyncadd.s32 @!p0 $0xFFFFEC00;
	s5 =	simm.s32 @!p0 $0x19B20  }
0xaf: {  	[tilespmem:s5], [sflag:$0x2] =	stream.indirect.gather @!p0 [hbm4b:s2+s8], $0x80, s7, s8, $0xb8;
	[tilespmem:$0x1EB20] =	vst v63  }
0xb0: {  	_ =	swait.ge [sflag:s21], $0x1400  }
0xb1: {  	s13 =	sadd.s32 $0x2788, s25;
	[sflag:s21] =	ssyncset.done $0x0  }
0xb2: {  	s5 =	simm.s32 @!p0 $0x8;
	s11 =	rddreg [dreg:$0x4];
	[sflag:s21] =	ssyncadd.s32 $0xFFFFEC00  }
0xb3: {  	[spmem:s3] =	stream.indirect.scatter.add.f32 [tilespmem:s11], [sflag:$0x9], $0x80, s13, s14, $0xb8;
	[tilespmem:$0x1EB20] =	vst v63  }
0xb4: {  	_ =	swait.ge @!p0 [sflag:s5], $0x1400  }
0xb5: {  	[sflag:s5] =	ssyncset.done @!p0 $0x0  }
0xb6: {  	s1 =	sadd.s32 @!p0 $0x118, s1;
	[sflag:s5] =	ssyncadd.s32 @!p0 $0xFFFFEC00  }
0xb7: {  	[tilespmem:s9], [sflag:$0x3] =	stream.indirect.gather @!p0 [hbm4b:s2+s8], $0x80, s1, s8, $0xb8;
	[tilespmem:$0x1EB20] =	vst v63  }
0xb8: {  	_ =	swait.ge [sflag:s22], $0x1400  }
0xb9: {  	[sflag:s22] =	ssyncset.done $0x0  }
0xba: {  	s0 =	sadd.s32 $0x27B0, s25;
	s17 =	rddreg [dreg:$0x5];
	[sflag:s22] =	ssyncadd.s32 $0xFFFFEC00  }
0xbb: {  	[spmem:s3] =	stream.indirect.scatter.add.f32 [tilespmem:s17], [sflag:$0xA], $0x80, s0, s14, $0xb8;
	[tilespmem:$0x1EB20] =	vst v63  }
0xbc: {  	_ =	swait.ge [sflag:s23], $0x1400  }
0xbd: {  	[sflag:s23] =	ssyncset.done $0x0  }
0xbe: {  	[sflag:s23] =	ssyncadd.s32 $0xFFFFEC00  }
0xbf: {  	_ =	swait.ge [sflag:s24], $0x1400  }
0xc0: {  	[sflag:s24] =	ssyncset.done $0x0  }
0xc1: {  	[sflag:s24] =	ssyncadd.s32 $0xFFFFEC00  }
0xc2: {  	_ =	swait.ge [sflag:s26], $0x1400  }
0xc3: {  	[sflag:s26] =	ssyncset.done $0x0  }
0xc4: {  	[sflag:s26] =	ssyncadd.s32 $0xFFFFEC00  }
0xc5: {  	_ =	swait.ge [sflag:s28], $0x1400  }
0xc6: {  	[sflag:s28] =	ssyncset.done $0x0  }
0xc7: {  	[sflag:s28] =	ssyncadd.s32 $0xFFFFEC00  }
0xc8: {  	_ =	swait.ge [sflag:s29], $0x1400  }
0xc9: {  	[sflag:s29] =	ssyncset.done $0x0  }
0xca: {  	[sflag:s29] =	ssyncadd.s32 $0xFFFFEC00  }
0xcb: {  	[bflag:$0x0] =	sbarrier.arrive $0xFFFF  }
0xcc: {  	s18 =	rddreg [dreg:$0x9]  }
0xcd: {  	s25 =	rddreg [dreg:$0xc]  }
0xce: {  	[hbm:s18], [sflag:s6] =	dma.local [spmem:s25], $0x2710  }
0xcf: {  	_ =	swait.ge [sflag:s12], $0x2710  }
0xd0: {  	s30 =	sadd.s32 $0x1, s30;
	s31 =	rddreg [dreg:$0xa]  }
0xd1: {  	p0 =	sne.s32 s30, s31  }
.Ltmp1:
0xd2: {  	_ = 	snop;
	(pc) =	sbr.rel @p0 .LBB2_1-.Ltmp1, $3  }
0xd3: {  	_ =	sdelay $0x1  }
0xd4: {  	[sflag:s12] =	ssyncset.done $0x0  }
0xd5: {  	[sflag:s12] =	ssyncadd.s32 $0xFFFFD8F0  }
0xd6: {  	_ =	sfence.sel $0x180000  }
0xd7: {  	[bflag:$0x0] =	sbarrier.arrive $0xFFFF  }
0xd8: {  	_ =	strace $0x9000004D  }
0xd9: {  	s0 =	stileid.u32;
	[bflag:$0x2] =	sbarrier.arrive $0xFFFF  }
0xda: {  	p0 =	sne.s32 s0, $0x0;
	s0 =	rddreg [dreg:$0x3]  }
0xdb: {  	s0 =	sadd.s32 @!p0 $0x100000, s0  }
0xdc: {  	[sflag:s0] =	ssyncadd.tile.s32 @!p0 $0x1;
	_ =	shalt  }
.Lfunc_end2:
_tile_overlayer_lowered:
.L_overlay_start_2:
0xdd: {  	(tag) =	ssettag $0x2  }
0xde: {  	s0 =	rddreg [dreg:$0x0];
	s2 =	stileid.u32  }
0xdf: {  	s1 =	rddreg [dreg:$0x1];
	p0 =	sne.s32 s2, $0x0  }
0xe0: {  	s3 =	rddreg [dreg:$0x2];
	[bflag:$0x3] =	sbarrier.arrive $0xFFFF;
	s2 =	simm.s32 @!p0 $0x1C0B  }
0xe1: {  	[timem:s3], [sflag:s2] =	dma.local @!p0 [hbm:s0], s1  }
0xe2: {  	s0 =	simm.s32 @!p0 $0xB  }
0xe3: {  	_ =	swait.ge @!p0 [sflag:s0], s1  }
0xe4: {  	s1 =	ssub.s32 @!p0 $0x0, s1;
	[sflag:s0] =	ssyncset.done @!p0 $0x0  }
0xe5: {  	[sflag:s0] =	ssyncadd.s32 @!p0 s1  }
0xe6: {  	[bflag:$0x3] =	sbarrier.arrive $0xFFFF  }
0xe7: {  	_ =	shalt  }

// kernel: kernel.7.cloned.1.call-start
scs
__scs_entry_jumppad:
0x0: {  	(pc) =	sbr.rel $0x88, $3  }
0x1: {  	(tag) =	ssettag $0x0;
	lr =	simm.s32 $0x1  }
0x2: {  	[smem:$0x3F99] =	sst lr;
	_ =	strace $0xD0000000  }
0x3: {  	_ = 	snop  }
0x4: {  	_ = 	snop  }
0x5: {  	_ = 	snop  }
0x6: {  	_ = 	snop  }
0x7: {  	_ = 	snop  }
__scs_overlays_trampoline_lowered:
0x8: {  	[smem:$0x3FA8] =	sst s0  }
0x9: {  	[smem:$0x3FA9] =	sst s1  }
0xa: {  	[smem:$0x3FAA] =	sst s2  }
0xb: {  	[smem:$0x3FAB] =	sst s3  }
0xc: {  	[smem:$0x3FAC] =	sst s4  }
0xd: {  	[smem:$0x3FAD] =	sst s5  }
0xe: {  	[smem:$0x3FAE] =	sst s6  }
0xf: {  	[smem:$0x3FAF] =	sst s7  }
0x10: {  	[smem:$0x3FB0] =	sst s8  }
0x11: {  	[smem:$0x3FB1] =	sst s9;
	s0 =	simm.s32 @!p0 $0x0  }
0x12: {  	s1 =	sld [smem:$0x3F97];
	s0 =	simm.s32 @p0 $0x1  }
0x13: {  	[smem:$0x3FB2] =	sst s0;
	s0 =	simm.s32 @!p1 $0x0  }
0x14: {  	s2 =	sld [smem:$0x3F96];
	s0 =	simm.s32 @p1 $0x1  }
0x15: {  	[smem:$0x3FB3] =	sst s0;
	s0 =	simm.s32 @!p2 $0x0  }
0x16: {  	s3 =	sld [smem:$0x3FDB];
	s0 =	simm.s32 @p2 $0x1  }
0x17: {  	s4 =	simm.s32 $0x1BF5;
	[smem:$0x3FB5] =	sst s0  }
0x18: {  	s0 =	sld [smem:$0x3F98];
	_ =	swait.ge [sflag:s4], $0x0  }
0x19: {  	s7 =	sld [smem:$0x3F99]  }
0x1a: {  	s8 =	sadd.s32 $0xFFFFE003, lr  }
0x1b: {  	s9 =	sadd.s32 $0xFFFFFEF7, lr;
	s5 =	simm.s32 $0xFFFFFFFF;
	p2 =	slt.u32 s8, $0xFFFFF086  }
0x1c: {  	p1 =	slt.u32 s9, $0xF7A;
	s5 =	simm.s32 @!p2 $0x0  }
0x1d: {  	s5 =	simm.s32 @p1 $0x1;
	p0 =	seq.s32 s7, s2  }
0x1e: {  	s7 =	smul.u32 @!p0 $0xF7A, s2;
	p2 =	seq.s32 @!p0 s5, $0x0  }
0x1f: {  	s9 =	smul.u32 $0xF7A, s1;
	s8 =	simm.s32 @!p0 $0x1BF5;
	p2 =	por !p2, p0  }
0x20: {  	[sflag:s8] =	ssyncset.s32 @!p0 $0xFFFFF086;
	s6 =	sadd.s32 @!p0 s3, s7;
	s7 =	simm.s32 @!p0 $0x108  }
0x21: {  	s3 =	sadd.s32 s3, s9;
	s6 =	sadd.s32 @!p0 $0x88, s6;
	s7 =	simm.s32 @p2 $0x1082  }
0x22: {  	[simem:s7], [sflag:s8] =	dma.local @!p0 [hbm:s6], $0xF7A  }
0x23: {  	s9 =	sor.u32 $0xD0000000, s2;
	s6 =	simm.s32 $0x108;
	_ =	swait.ge @!p0 [sflag:s8], $0x0  }
0x24: {  	s3 =	sadd.s32 $0x88, s3;
	s6 =	simm.s32 @!p1 $0x1082;
	[sflag:s4] =	ssyncset.s32 $0xFFFFF086  }
0x25: {  	[simem:s6], [sflag:s4] =	dma.local [hbm:s3], $0xF7A  }
0x26: {  	[smem:$0x3F99] =	sst s1;
	(tag) =	ssettag s2;
	_ =	strace s9  }
0x27: {  	s1 =	sld [smem:$0x3FA9]  }
0x28: {  	s2 =	sld [smem:$0x3FAA]  }
0x29: {  	s4 =	sld [smem:$0x3FAC]  }
0x2a: {  	p0 =	seq.s32 s5, $0x0;
	s5 =	sld [smem:$0x3FAD]  }
0x2b: {  	s6 =	sld [smem:$0x3FAE]  }
0x2c: {  	s7 =	sld [smem:$0x3FAF]  }
0x2d: {  	s3 =	simm.s32 $0x108;
	s8 =	sld [smem:$0x3FB0]  }
0x2e: {  	s3 =	simm.s32 @!p0 $0x1082;
	s9 =	sld [smem:$0x3FB1]  }
0x2f: {  	lr =	sadd.s32 s0, s3;
	s0 =	sld [smem:$0x3FA8]  }
0x30: {  	s3 =	sld [smem:$0x3FAB]  }
0x31: {  	[smem:$0x3FB4] =	sst s10  }
0x32: {  	s10 =	sld [smem:$0x3FB2];
	_ =	sdelay $0x3  }
0x33: {  	p0 =	seq.s32 s10, $0x1;
	s10 =	sld [smem:$0x3FB4];
	_ =	sdelay $0x3  }
0x34: {  	[smem:$0x3FB4] =	sst s10  }
0x35: {  	s10 =	sld [smem:$0x3FB3];
	_ =	sdelay $0x3  }
0x36: {  	p1 =	seq.s32 s10, $0x1;
	s10 =	sld [smem:$0x3FB4];
	_ =	sdelay $0x3  }
0x37: {  	[smem:$0x3FB4] =	sst s10  }
0x38: {  	s10 =	sld [smem:$0x3FB5]  }
0x39: {  	_ = 	snop;
	(pc) =	sbr.ind lr, $3  }
0x3a: {  	_ = 	snop  }
0x3b: {  	_ = 	snop  }
0x3c: {  	p2 =	seq.s32 s10, $0x1;
	s10 =	sld [smem:$0x3FB4]  }
0x3d: {  	_ =	shalt  }
0x3e: {  	_ =	shalt  }
0x3f: {  	_ =	shalt  }
0x40: {  	_ =	shalt  }
0x41: {  	_ =	shalt  }
0x42: {  	_ =	shalt  }
0x43: {  	_ =	shalt  }
0x44: {  	_ =	shalt  }
0x45: {  	_ =	shalt  }
0x46: {  	_ =	shalt  }
0x47: {  	_ =	shalt  }
0x48: {  	_ =	shalt  }
0x49: {  	_ =	shalt  }
0x4a: {  	_ =	shalt  }
0x4b: {  	_ =	shalt  }
0x4c: {  	_ =	shalt  }
0x4d: {  	_ =	shalt  }
0x4e: {  	_ =	shalt  }
0x4f: {  	_ =	shalt  }
0x50: {  	_ =	shalt  }
0x51: {  	_ =	shalt  }
0x52: {  	_ =	shalt  }
0x53: {  	_ =	shalt  }
0x54: {  	_ =	shalt  }
0x55: {  	_ =	shalt  }
0x56: {  	_ =	shalt  }
0x57: {  	_ =	shalt  }
0x58: {  	_ =	shalt  }
0x59: {  	_ =	shalt  }
0x5a: {  	_ =	shalt  }
0x5b: {  	_ =	shalt  }
0x5c: {  	_ =	shalt  }
0x5d: {  	_ =	shalt  }
0x5e: {  	_ =	shalt  }
0x5f: {  	_ =	shalt  }
0x60: {  	_ =	shalt  }
0x61: {  	_ =	shalt  }
0x62: {  	_ =	shalt  }
0x63: {  	_ =	shalt  }
0x64: {  	_ =	shalt  }
0x65: {  	_ =	shalt  }
0x66: {  	_ =	shalt  }
0x67: {  	_ =	shalt  }
0x68: {  	_ =	shalt  }
0x69: {  	_ =	shalt  }
0x6a: {  	_ =	shalt  }
0x6b: {  	_ =	shalt  }
0x6c: {  	_ =	shalt  }
0x6d: {  	_ =	shalt  }
0x6e: {  	_ =	shalt  }
0x6f: {  	_ =	shalt  }
0x70: {  	_ =	shalt  }
0x71: {  	_ =	shalt  }
0x72: {  	_ =	shalt  }
0x73: {  	_ =	shalt  }
0x74: {  	_ =	shalt  }
0x75: {  	_ =	shalt  }
0x76: {  	_ =	shalt  }
0x77: {  	_ =	shalt  }
0x78: {  	_ =	shalt  }
0x79: {  	_ =	shalt  }
0x7a: {  	_ =	shalt  }
0x7b: {  	_ =	shalt  }
0x7c: {  	_ =	shalt  }
0x7d: {  	_ =	shalt  }
0x7e: {  	_ =	shalt  }
0x7f: {  	_ =	shalt  }
0x80: {  	_ =	shalt  }
0x81: {  	_ =	shalt  }
0x82: {  	_ =	shalt  }
0x83: {  	_ =	shalt  }
0x84: {  	_ =	shalt  }
0x85: {  	_ =	shalt  }
0x86: {  	_ =	shalt  }
0x87: {  	_ =	shalt  }
.Lfunc_end0:
.L_simem_size_0:
called_computation_lowered:
.L_overlay_start_0:
0x88: {  	s2 =	sld [smem:$0x3FD9]  }
0x89: {  	s3 =	sld [smem:$0x3FFE];
	_ =	sdelay $0x1  }
0x8a: {  	s1 =	srdreg.scid  }
0x8b: {  	s0 =	sand.u32 $0x1, s1  }
0x8c: {  	s17 =	sshll.u32 s0, $0xA;
	s2 =	sadd.s32 s3, s2  }
0x8d: {  	s2 =	sadd.s32 s2, s17  }
0x8e: {  	[smem:$0x3FC0] =	sst s2  }
0x8f: {  	_ = 	snop  }
0x90: {  	s2 =	sld [smem:$0x3FD0];
	(tm) =	ssettm $0x1  }
0x91: {  	s18 =	sld [smem:$0x3FFB];
	_ =	sdelay $0x3  }
0x92: {  	_ =	strace s18  }
0x93: {  	s3 =	sld [smem:$0x3FFC];
	_ =	sdelay $0x3  }
0x94: {  	_ =	strace s3  }
0x95: {  	s3 =	sld [smem:$0x3FFD];
	_ =	sdelay $0x3  }
0x96: {  	_ =	strace s3  }
0x97: {  	_ =	strace $0x8FFFFFFF  }
0x98: {  	s19 =	sld [smem:$0x3FDB];
	_ =	sdelay $0x1  }
0x99: {  	s4 =	simm.s32 $_scs_section_size  }
0x9a: {  	s5 =	simm.s32 $_size__tile_overlayer_lowered;
	s6 =	simm.s32 $_tile_overlayer_lowered  }
0x9b: {  	s22 =	simm.s32 $0x1BFF;
	s21 =	sshll.u32 s6, $0x1;
	s3 =	sadd.s32 s4, s19  }
0x9c: {  	s7 =	simm.s32 $0x0;
	s20 =	sshll.u32 s5, $0x1;
	s5 =	sadd.s32 s21, s3  }
0x9d: {  	[timem:s7], [sflag:s22] =	dma.local [hbm:s5], s20  }
0x9e: {  	_ =	swait.ge [sflag:s22], s20  }
0x9f: {  	s4 =	ssub.s32 $0x0, s20;
	[sflag:s22] =	ssyncset.done $0x0  }
0xa0: {  	[sflag:s22] =	ssyncadd.s32 s4;
	_ =	sdelay $0x1  }
0xa1: {  	s23 =	simm.s32 $0x1B8B  }
0xa2: {  	_ =	swait.ge [sflag:s23], $0x1  }
0xa3: {  	[sflag:s23] =	ssyncset.done $0x0  }
0xa4: {  	s25 =	simm.s32 $0x1B8E;
	s24 =	sld [smem:$0x3FFE];
	[sflag:s23] =	ssyncadd.s32 $0xFFFFFFFF  }
0xa5: {  	s26 =	simm.s32 $execute0_lowered;
	[smem:$0x3FD2] =	sst s25  }
0xa6: {  	s5 =	sshll.u32 s26, $0x1;
	_ =	strace $0x80000046;
	[dreg:$0x1] =	wrdreg $0xFFFFFFFF  }
0xa7: {  	s28 =	simm.s32 $_size_execute0_lowered;
	s3 =	sadd.s32 s3, s5;
	[dreg:$0x0] =	wrdreg $0x0  }
0xa8: {  	s5 =	sshll.u32 s28, $0x1;
	[dreg:$0x2] =	wrdreg s3  }
0xa9: {  	[dreg:$0x3] =	wrdreg s5  }
0xaa: {  	[dreg:$0x4] =	wrdreg $0xC0  }
0xab: {  	_ =	task [dreg:s7], $0x5FFFF  }
0xac: {  	[dreg:$0x1] =	wrdreg $0xFFFFFFFF  }
0xad: {  	[dreg:$0x0] =	wrdreg $0x60  }
0xae: {  	[dreg:$0x2] =	wrdreg s24  }
0xaf: {  	[dreg:$0x3] =	wrdreg s2  }
0xb0: {  	[dreg:$0x4] =	wrdreg $0x29900  }
0xb1: {  	[dreg:$0x5] =	wrdreg $0x9  }
0xb2: {  	_ =	task.clear_ibuf [dreg:s7], $0x6FFFF;
	_ =	strace $0x90000046  }
0xb3: {  	s29 =	simm.s32 $0x9;
	_ =	strace $0x80000048  }
0xb4: {  	_ =	swait.ge [sflag:s29], $0x1  }
0xb5: {  	[sflag:s29] =	ssyncadd.s32 $0xFFFFFFFF  }
0xb6: {  	_ =	strace $0x90000048  }
0xb7: {  	_ =	sfence  }
0xb8: {  	s30 =	sld [smem:$0x0];
	_ =	sdelay $0x2  }
0xb9: {  	s31 =	sshll.u32 s1, $0xD;
	s1 =	sshrl.u32 s1, $0x2  }
0xba: {  	s3 =	sand.u32 $0x4000, s31;
	s1 =	sadd.s32 s1, s30  }
0xbb: {  	s0 =	sor.u32 s3, s0;
	s1 =	sshll.u32 s1, $0x11  }
0xbc: {  	s0 =	sor.u32 s1, s0  }
0xbd: {  	s0 =	sadd.s32 $0x8F2B, s0  }
0xbe: {  	[sflag:s0] =	ssyncadd.remote.s32 $0x1  }
0xbf: {  	_ =	sfence.sel $0xFFFF  }
0xc0: {  	[dreg:$0x0] =	wrdreg $0xFFFFFFFF;
	(pc) =	sbr.abs _section_cstart, $3  }
0xc1: {  	[dreg:$0x1] =	wrdreg $0xFFFFFFFF  }
0xc2: {  	_ =	task.clear_ibuf [dreg:s7], $0x2FFFF;
	_ =	strace $0x9FFFFFFF  }
0xc3: {  	(tm) =	ssettm $0x7FFFFFFF  }
tec
execute0_lowered:
.L_overlay_start_1:
0x0: {  	(tag) =	ssettag $0x1  }
0x1: {  	s4 =	rddreg [dreg:$0x0]  }
0x2: {  	s0 =	srdreg.scid;
	s7 =	rddreg [dreg:$0x1]  }
0x3: {  	s2 =	rddreg [dreg:$0x2];
	s5 =	sand.u32 $0x1, s0;
	s0 =	stileid.u32  }
0x4: {  	s3 =	simm.s32 $0x0;
	s13 =	simm.s32 $0x1;
	s8 =	smul.u32 $0x2720, s0  }
0x5: {  	s15 =	simm.s32 $0x0;
	[smem:$0x7FF] =	sst s3;
	s9 =	smul.u32 $0x27100, s5  }
0x6: {  	s1 =	sshll.u32 s5, $0x4;
	s5 =	ssub.s32 $0x2, s5;
	s11 =	smul.u32 $0x2710, s0  }
0x7: {  	s31 =	sshll.u32 s0, $0x6;
	s6 =	sor.u32 s0, s1;
	s1 =	rddreg [dreg:$0x3]  }
0x8: {  	_ =	strace $0x80000047;
	s29 =	sshrl.u32 s5, $0x1;
	s6 =	smul.u32 $0x4E2, s6  }
0x9: {  	s10 =	sshrl.u32 s8, $0x3;
	s12 =	sadd.s32 s8, s2;
	s30 =	sadd.s32 s11, s9  }
0xa: {  	s14 =	sadd.s32 s11, s2;
	s11 =	simm.s32 $0x28;
	s9 =	sshrl.u32 s30, $0x3  }
0xb: {  	s14 =	sshrl.u32 s14, $0x3;
	s6 =	sadd.s32 s6, s4;
	s4 =	sadd.s32 s10, s4  }
0xc: {  	s10 =	ssub.s32 s5, s29;
	s5 =	sor.u32 $0x1C02, s31;
	s7 =	sadd.s32 s7, s9  }
0xd: {  	s9 =	sshrl.u32 s12, $0x3;
	s12 =	simm.s32 $0x2710;
	s4 =	sadd.s32 $0x16200, s4  }
0xe: {  	v0 =	vimm.f32 $1.000000000e+00;
	s6 =	sadd.s32 $0x2600, s6;
	s8 =	smax.u32 s10, $0x1;
	s10 =	simm.s32 $0x2  }
.LBB2_1:
0xf: {  	[spmem:s9], [sflag:s5] =	dma.local [hbm:s4], $0x4E4  }
0x10: {  	_ =	swait.ge [sflag:s10], $0x4E4  }
0x11: {  	[sflag:s10] =	ssyncset.done $0x0  }
0x12: {  	[sflag:s10] =	ssyncadd.s32 $0xFFFFFB1C  }
0x13: {  	[tilespmem:s3], [sflag:$0x2] =	stream.linear.gather [hbm4b:s6+s3], $0x2710, $0x38;
	[tilespmem:$0x50B0] =	vst v63  }
0x14: {  	_ =	swait.ge [sflag:s10], $0x2710  }
0x15: {  	[sflag:s10] =	ssyncset.done $0x0  }
0x16: {  	[sflag:s10] =	ssyncadd.s32 $0xFFFFD8F0  }
0x17: {  	[tilespmem:$0x2710] =	vst v0  }
0x18: {  	[tilespmem:$0x2720] =	vst v0  }
0x19: {  	[tilespmem:$0x2730] =	vst v0  }
0x1a: {  	[tilespmem:$0x2740] =	vst v0  }
0x1b: {  	[tilespmem:$0x2750] =	vst v0  }
0x1c: {  	[tilespmem:$0x2760] =	vst v0  }
0x1d: {  	[tilespmem:$0x2770] =	vst v0  }
0x1e: {  	[tilespmem:$0x2780] =	vst v0  }
0x1f: {  	[tilespmem:$0x2790] =	vst v0  }
0x20: {  	[tilespmem:$0x27A0] =	vst v0  }
0x21: {  	[tilespmem:$0x27B0] =	vst v0  }
0x22: {  	[tilespmem:$0x27C0] =	vst v0  }
0x23: {  	[tilespmem:$0x27D0] =	vst v0  }
0x24: {  	[tilespmem:$0x27E0] =	vst v0  }
0x25: {  	[tilespmem:$0x27F0] =	vst v0  }
0x26: {  	[tilespmem:$0x2800] =	vst v0  }
0x27: {  	[tilespmem:$0x2810] =	vst v0  }
0x28: {  	[tilespmem:$0x2820] =	vst v0  }
0x29: {  	[tilespmem:$0x2830] =	vst v0  }
0x2a: {  	[tilespmem:$0x2840] =	vst v0  }
0x2b: {  	[tilespmem:$0x2850] =	vst v0  }
0x2c: {  	[tilespmem:$0x2860] =	vst v0  }
0x2d: {  	[tilespmem:$0x2870] =	vst v0  }
0x2e: {  	[tilespmem:$0x2880] =	vst v0  }
0x2f: {  	[tilespmem:$0x2890] =	vst v0  }
0x30: {  	[tilespmem:$0x28A0] =	vst v0  }
0x31: {  	[tilespmem:$0x28B0] =	vst v0  }
0x32: {  	[tilespmem:$0x28C0] =	vst v0  }
0x33: {  	[tilespmem:$0x28D0] =	vst v0  }
0x34: {  	[tilespmem:$0x28E0] =	vst v0  }
0x35: {  	[tilespmem:$0x28F0] =	vst v0  }
0x36: {  	[tilespmem:$0x2900] =	vst v0  }
0x37: {  	[tilespmem:$0x2910] =	vst v0  }
0x38: {  	[tilespmem:$0x2920] =	vst v0  }
0x39: {  	[tilespmem:$0x2930] =	vst v0  }
0x3a: {  	[tilespmem:$0x2940] =	vst v0  }
0x3b: {  	[tilespmem:$0x2950] =	vst v0  }
0x3c: {  	[tilespmem:$0x2960] =	vst v0  }
0x3d: {  	[tilespmem:$0x2970] =	vst v0  }
0x3e: {  	[tilespmem:$0x2980] =	vst v0  }
0x3f: {  	s16 =	simm.s32 $0x0;
	[bflag:$0x0] =	sbarrier.arrive $0xFFFF  }
.LBB2_2:
0x40: {  	p0 =	sne.s32 s16, $0x9BA0  }
.Ltmp0:
0x41: {  	_ = 	snop;
	(pc) =	sbr.rel @p0 .LBB2_2-.Ltmp0, $3  }
0x42: {  	_ =	sdelay $0x1  }
0x43: {  	s17 =	sshra.s32 s16, $0x2;
	s16 =	sadd.s32 $0xA0, s16  }
0x44: {  	[spmem:s2] =	stream.indirect.scatter.add.f32 [tilespmem:s12], [sflag:$0x1], $0x10, s17, s11, $0xb8;
	[tilespmem:$0x50B0] =	vst v63  }
0x45: {  	_ =	swait.ge [sflag:s13], $0x280  }
0x46: {  	s16 =	simm.s32 $0xF9;
	[sflag:s13] =	ssyncset.done $0x0  }
.LBB2_4:
0x47: {  	p0 =	sne.s32 s16, $0x1;
	s16 =	sadd.s32 $0xFFFFFFFF, s16;
	[sflag:s13] =	ssyncadd.s32 $0xFFFFFD80  }
.Ltmp1:
0x48: {  	(pc) =	sbr.rel @p0 .LBB2_4-.Ltmp1, $3  }
0x49: {  	_ =	sdelay $0x1  }
0x4a: {  	_ =	swait.ge [sflag:s13], $0x280  }
0x4b: {  	[sflag:s13] =	ssyncset.done $0x0  }
0x4c: {  	s15 =	sadd.s32 $0x1, s15  }
0x4d: {  	[sflag:s13] =	ssyncadd.s32 $0xFFFFFD80;
	p0 =	sne.s32 s15, s8  }
.Ltmp2:
0x4e: {  	[bflag:$0x0] =	sbarrier.arrive $0xFFFF;
	(pc) =	sbr.rel @p0 .LBB2_1-.Ltmp2, $4  }
0x4f: {  	[hbm:s7], [sflag:s5] =	dma.local [spmem:s14], $0x4E2  }
0x50: {  	_ =	swait.ge [sflag:s10], $0x4E2  }
0x51: {  	[sflag:s10] =	ssyncset.done $0x0  }
0x52: {  	[sflag:s10] =	ssyncadd.s32 $0xFFFFFB1E  }
0x53: {  	_ =	sfence.sel $0x180000  }
0x54: {  	[bflag:$0x0] =	sbarrier.arrive $0xFFFF  }
0x55: {  	p0 =	sne.s32 s0, $0x0;
	_ =	strace $0x90000047  }
0x56: {  	s0 =	sadd.s32 @!p0 $0x100000, s1;
	[bflag:$0x2] =	sbarrier.arrive $0xFFFF  }
0x57: {  	[sflag:s0] =	ssyncadd.tile.s32 @!p0 $0x1;
	_ =	shalt  }
.Lfunc_end2:
_tile_overlayer_lowered:
.L_overlay_start_2:
0x58: {  	(tag) =	ssettag $0x2  }
0x59: {  	s0 =	rddreg [dreg:$0x0];
	s2 =	stileid.u32  }
0x5a: {  	s1 =	rddreg [dreg:$0x1];
	p0 =	sne.s32 s2, $0x0  }
0x5b: {  	s3 =	rddreg [dreg:$0x2];
	[bflag:$0x3] =	sbarrier.arrive $0xFFFF;
	s2 =	simm.s32 @!p0 $0x1C02  }
0x5c: {  	[timem:s3], [sflag:s2] =	dma.local @!p0 [hbm:s0], s1  }
0x5d: {  	s0 =	simm.s32 @!p0 $0x2  }
0x5e: {  	_ =	swait.ge @!p0 [sflag:s0], s1  }
0x5f: {  	s1 =	ssub.s32 @!p0 $0x0, s1;
	[sflag:s0] =	ssyncset.done @!p0 $0x0  }
0x60: {  	[sflag:s0] =	ssyncadd.s32 @!p0 s1  }
0x61: {  	[bflag:$0x3] =	sbarrier.arrive $0xFFFF  }
0x62: {  	_ =	shalt  }

</sc_bundles>
